<compile_context>
chip_gen: v7x
topology: tpu7x:2x2x1
jax: 0.10.2.dev20260603
libtpu: 0.0.44.dev20260713+nightly
codegen_flags: <defaults>
</compile_context>

<pallas_src>
import functools

import jax
import jax.numpy as jnp
from jax import lax
from jax.experimental import pallas as pl
from jax.experimental.pallas import tpu as pltpu
from jax.experimental.pallas import tpu_sc as plsc

_NODE_FEATS = 128
_STAT_MEDIAN = 0.0
_STAT_SCALE = 2.0 / (1.0 - (-1.0))
_N_NODES = 10000
_N_EDGES = 320000

_NW = 32
_E_PER_W = _N_EDGES // _NW
_CHUNK = 80
_CH_PER_W = _E_PER_W // _CHUNK
_IDX_BLK = 25
_N_BLKS = _CH_PER_W // _IDX_BLK

_mesh = plsc.VectorSubcoreMesh(core_axis_name="c", subcore_axis_name="s")


@functools.partial(
    pl.kernel,
    mesh=_mesh,
    out_type=jax.ShapeDtypeStruct((_N_EDGES, _NODE_FEATS), jnp.float32),
    scratch_types=[
        pltpu.VMEM_SHARED((_N_NODES, _NODE_FEATS), jnp.float32),
        pltpu.VMEM((2 * _IDX_BLK * _CHUNK,), jnp.int32),
        pltpu.VMEM((2 * _IDX_BLK * _CHUNK,), jnp.int32),
        pltpu.VMEM((4, _CHUNK, _NODE_FEATS), jnp.float32),
        pltpu.SemaphoreType.DMA((4,)),
        pltpu.SemaphoreType.DMA((4,)),
        pltpu.SemaphoreType.DMA((4,)),
        pltpu.SemaphoreType.DMA((2,)),
    ],
)
def _edge_kernel(norm_hbm, neg_hbm, src_hbm, dst_hbm, out_hbm,
                 table, sidx, didx, rows, sem_s, sem_d, sem_o, sem_i):
    wid = lax.axis_index("s") * 2 + lax.axis_index("c")
    ebase = wid * _E_PER_W
    sid = lax.axis_index("s")

    rows_per_sub = 624
    tslice = pl.ds(sid * rows_per_sub, rows_per_sub)
    pltpu.async_copy(neg_hbm.at[tslice], table.at[tslice], sem_o.at[0])
    rem = pl.ds(16 * rows_per_sub, _N_NODES - 16 * rows_per_sub)

    @pl.when(sid == 0)
    def _():
        pltpu.async_copy(neg_hbm.at[rem], table.at[rem], sem_o.at[1])

    _BLK_E = _IDX_BLK * _CHUNK

    def fetch_idx(j, jbuf):
        ibase = ebase + j * _BLK_E
        vsl = pl.ds(jbuf * _BLK_E, _BLK_E)
        pltpu.async_copy(src_hbm.at[pl.ds(ibase, _BLK_E)], sidx.at[vsl],
                         sem_i.at[jbuf])
        pltpu.async_copy(dst_hbm.at[pl.ds(ibase, _BLK_E)], didx.at[vsl],
                         sem_i.at[jbuf])

    def wait_idx(j, jbuf):
        ibase = ebase + j * _BLK_E
        vsl = pl.ds(jbuf * _BLK_E, _BLK_E)
        pltpu.make_async_copy(src_hbm.at[pl.ds(ibase, _BLK_E)],
                              sidx.at[vsl], sem_i.at[jbuf]).wait()
        pltpu.make_async_copy(dst_hbm.at[pl.ds(ibase, _BLK_E)],
                              didx.at[vsl], sem_i.at[jbuf]).wait()

    fetch_idx(0, 0)
    fetch_idx(1, 1)
    pltpu.make_async_copy(neg_hbm.at[tslice], table.at[tslice],
                          sem_o.at[0]).wait()

    @pl.when(sid == 0)
    def _():
        pltpu.make_async_copy(neg_hbm.at[rem], table.at[rem],
                              sem_o.at[1]).wait()

    plsc.subcore_barrier()

    def idx_refs(i):
        off = ((i // _IDX_BLK) % 2) * _BLK_E + (i % _IDX_BLK) * _CHUNK
        return (sidx.at[pl.ds(off, _CHUNK)], didx.at[pl.ds(off, _CHUNK)])

    def issue_src(i, b):
        @pl.when(i % _IDX_BLK == 0)
        def _():
            wait_idx(i // _IDX_BLK, (i // _IDX_BLK) % 2)

        s_ix, _ = idx_refs(i)
        pltpu.async_copy(norm_hbm.at[s_ix], rows.at[b], sem_s.at[b])

    def wait_src(i, b):
        s_ix, _ = idx_refs(i)
        pltpu.make_async_copy(norm_hbm.at[s_ix], rows.at[b],
                              sem_s.at[b]).wait()

    def issue_dst_add(i, b):
        _, d_ix = idx_refs(i)
        pltpu.async_copy(table.at[d_ix], rows.at[b], sem_d.at[b], add=True)

    def wait_dst_add(i, b):
        _, d_ix = idx_refs(i)
        pltpu.make_async_copy(table.at[d_ix], rows.at[b],
                              sem_d.at[b]).wait()

    def prefetch_idx(i):
        j2 = i // _IDX_BLK + 2

        @pl.when((i % _IDX_BLK == _IDX_BLK - 1) & (j2 < _N_BLKS))
        def _():
            fetch_idx(j2, j2 % 2)

    def out_slice(i):
        return out_hbm.at[pl.ds(ebase + i * _CHUNK, _CHUNK)]

    def wait_out(i, b):
        pltpu.make_async_copy(rows.at[b], out_slice(i), sem_o.at[b]).wait()

    wait_idx(0, 0)
    for j in range(3):
        s_ixj, _ = idx_refs(j)
        pltpu.async_copy(norm_hbm.at[s_ixj], rows.at[j], sem_s.at[j])

    def body(i0, carry):
        for b2 in range(4):
            i = i0 * 4 + b2
            bg = (b2 + 3) % 4
            if b2 == 0:
                @pl.when(i0 > 0)
                def _():
                    wait_out(i - 1, bg)
            else:
                wait_out(i - 1, bg)
            @pl.when(i + 3 < _CH_PER_W)
            def _():
                issue_src(i + 3, bg)

            wait_src(i, b2)
            issue_dst_add(i, b2)
            wait_dst_add(i, b2)
            prefetch_idx(i)
            pltpu.async_copy(rows.at[b2], out_slice(i), sem_o.at[b2])
        return carry

    lax.fori_loop(0, (_CH_PER_W - 1) // 4, body, 0)

    _L = _CH_PER_W - 1
    wait_out(_L - 1, 3)
    wait_src(_L, 0)
    issue_dst_add(_L, 0)
    wait_dst_add(_L, 0)
    pltpu.async_copy(rows.at[0], out_slice(_L), sem_o.at[0])
    wait_out(_L, 0)


def _norm_body(x_ref, o_ref):
    o_ref[...] = (x_ref[...] - _STAT_MEDIAN) * _STAT_SCALE


def _neg_body(x_ref, n_ref):
    n_ref[...] = (_STAT_MEDIAN - x_ref[...]) * _STAT_SCALE


_shape = jax.ShapeDtypeStruct((_N_NODES, _NODE_FEATS), jnp.float32)
_norm_call = pl.pallas_call(_norm_body, out_shape=_shape)
_neg_call = pl.pallas_call(_neg_body, out_shape=_shape)


def kernel(node_feature, edge_index):
    src = edge_index[0].astype(jnp.int32)
    dst = edge_index[1].astype(jnp.int32)
    norm = _norm_call(node_feature)
    neg = _neg_call(node_feature)
    if _STAT_SCALE == 1.0 and _STAT_MEDIAN == 0.0:
        src_table = node_feature
    else:
        src_table = norm
    edge_feature = _edge_kernel(src_table, neg, src, dst)
    return (norm, edge_feature)

# --- scband reference (transcript-rebuilt; emitter-appended) ---
"""Pipeline reference for scband-prepare-layer-11819749999227 (READ-ONLY COPY).

The authoritative reference and input builder live on the scoring server;
editing this copy changes nothing except your own understanding.
"""

import jax, jax.numpy as jnp
import numpy as np

NODE_FEATS = 128
STAT_MEDIAN = 0.0
STAT_MAX = 1.0
STAT_MIN = -1.0
N_NODES = 10000
N_EDGES = 320000


def setup_inputs(seed: int = 0) -> dict:
    key = jax.random.key(seed)
    k1, k2 = jax.random.split(key)
    node_feature = jax.random.normal(k1, (N_NODES, NODE_FEATS), dtype=jnp.float32)
    edge_index = jax.random.randint(k2, (2, N_EDGES), 0, N_NODES, dtype=jnp.int64)
    return {"node_feature": node_feature, "edge_index": edge_index}


def reference(node_feature, edge_index):
    # normalize_input: (x - median) * (2 / (max - min))
    norm = (node_feature - STAT_MEDIAN) * (2.0 / (STAT_MAX - STAT_MIN))
    # DGL apply_edges(fn.u_sub_v('feat','feat','e')): edge feat = feat[src] - feat[dst]
    src = edge_index[0]
    dst = edge_index[1]
    edge_feature = jnp.take(norm, src, axis=0) - jnp.take(norm, dst, axis=0)
    return (norm, edge_feature)

if __name__ == "__main__":
    import jax
    _d = setup_inputs()
    print(jax.jit(kernel)(*tuple(_d.values())))

</pallas_src>

<mosaic_0001>
#map = affine_map<(d0, d1) -> (0, 0)>
#map1 = affine_map<(d0, d1) -> (0)>
module attributes {stable_mosaic.version = 14 : i64} {
  func.func @_edge_kernel(%arg0: i32, %arg1: i32, %arg2: memref<10000x128xf32, #tpu.memory_space<hbm>>, %arg3: memref<10000x128xf32, #tpu.memory_space<hbm>>, %arg4: memref<320000xi32, #tpu.memory_space<hbm>>, %arg5: memref<320000xi32, #tpu.memory_space<hbm>>, %arg6: memref<320000x128xf32, #tpu.memory_space<hbm>>, %arg7: memref<10000x128xf32, #tpu.memory_space<vmem_shared>>, %arg8: memref<4000xi32, #tpu.memory_space<vmem>>, %arg9: memref<4000xi32, #tpu.memory_space<vmem>>, %arg10: memref<4x80x128xf32, #tpu.memory_space<vmem>>, %arg11: memref<4x!tpu.dma_semaphore, #tpu.memory_space<semaphore_mem>>, %arg12: memref<4x!tpu.dma_semaphore, #tpu.memory_space<semaphore_mem>>, %arg13: memref<4x!tpu.dma_semaphore, #tpu.memory_space<semaphore_mem>>, %arg14: memref<2x!tpu.dma_semaphore, #tpu.memory_space<semaphore_mem>>) attributes {dimension_semantics = [#tpu.dimension_semantics<core_parallel>, #tpu.dimension_semantics<subcore_parallel>], iteration_bounds = array<i64: 2, 16>, scalar_prefetch = 0 : i64, scratch_operands = 8 : i64, tpu.core_type = #tpu.core_type<sc_vector_subcore>, window_params = [{transform_indices = #map}, {transform_indices = #map}, {transform_indices = #map1}, {transform_indices = #map1}, {transform_indices = #map}]} {
    %mul3A = arith.constant 2 : i32
    %mul3A_0 = arith.muli %arg1, %mul3A : i32
    %add3A = arith.addi %mul3A_0, %arg0 : i32
    %mul3A_1 = arith.constant 10000 : i32
    %mul3A_2 = arith.muli %add3A, %mul3A_1 : i32
    %mul3A_3 = arith.constant 624 : i32
    %mul3A_4 = arith.muli %arg1, %mul3A_3 : i32
    %dma_start3A = arith.constant 0 : i32
    %dma_start3A_5 = tpu.memref_slice %arg13[%dma_start3A] : memref<4x!tpu.dma_semaphore, #tpu.memory_space<semaphore_mem>> -> memref<1x!tpu.dma_semaphore, #tpu.memory_space<semaphore_mem>>
    %dma_start3A_6 = tpu.memref_squeeze %dma_start3A_5 : memref<1x!tpu.dma_semaphore, #tpu.memory_space<semaphore_mem>> -> memref<!tpu.dma_semaphore, #tpu.memory_space<semaphore_mem>>
    %dma_start3A_7 = arith.constant 0 : i32
    %dma_start3A_8 = tpu.memref_slice %arg7[%mul3A_4, %dma_start3A_7] : memref<10000x128xf32, #tpu.memory_space<vmem_shared>> -> memref<624x128xf32, #tpu.memory_space<vmem_shared>>
    %dma_start3A_9 = arith.constant 0 : i32
    %dma_start3A_10 = tpu.memref_slice %arg3[%mul3A_4, %dma_start3A_9] : memref<10000x128xf32, #tpu.memory_space<hbm>> -> memref<624x128xf32, #tpu.memory_space<hbm>>
    tpu.enqueue_dma source(%dma_start3A_10 : memref<624x128xf32, #tpu.memory_space<hbm>>) target(%dma_start3A_8 : memref<624x128xf32, #tpu.memory_space<vmem_shared>>) target_semaphore(%dma_start3A_6 : memref<!tpu.dma_semaphore, #tpu.memory_space<semaphore_mem>>)
    %eq3A = arith.constant 0 : i32
    %eq3A_11 = arith.cmpi eq, %arg1, %eq3A : i32
    %convert_element_type3A = arith.extui %eq3A_11 : i1 to i32
    %cond3A = arith.constant 0 : i32
    %cond3A_12 = arith.cmpi ne, %convert_element_type3A, %cond3A : i32
    scf.if %cond3A_12 {
      %dma_start3A_221 = arith.constant 1 : i32
      %dma_start3A_222 = tpu.memref_slice %arg13[%dma_start3A_221] : memref<4x!tpu.dma_semaphore, #tpu.memory_space<semaphore_mem>> -> memref<1x!tpu.dma_semaphore, #tpu.memory_space<semaphore_mem>>
      %dma_start3A_223 = tpu.memref_squeeze %dma_start3A_222 : memref<1x!tpu.dma_semaphore, #tpu.memory_space<semaphore_mem>> -> memref<!tpu.dma_semaphore, #tpu.memory_space<semaphore_mem>>
      %dma_start3A_224 = arith.constant 9984 : i32
      %dma_start3A_225 = arith.constant 0 : i32
      %dma_start3A_226 = tpu.memref_slice %arg7[%dma_start3A_224, %dma_start3A_225] : memref<10000x128xf32, #tpu.memory_space<vmem_shared>> -> memref<16x128xf32, #tpu.memory_space<vmem_shared>>
      %dma_start3A_227 = arith.constant 9984 : i32
      %dma_start3A_228 = arith.constant 0 : i32
      %dma_start3A_229 = tpu.memref_slice %arg3[%dma_start3A_227, %dma_start3A_228] : memref<10000x128xf32, #tpu.memory_space<hbm>> -> memref<16x128xf32, #tpu.memory_space<hbm>>
      tpu.enqueue_dma source(%dma_start3A_229 : memref<16x128xf32, #tpu.memory_space<hbm>>) target(%dma_start3A_226 : memref<16x128xf32, #tpu.memory_space<vmem_shared>>) target_semaphore(%dma_start3A_223 : memref<!tpu.dma_semaphore, #tpu.memory_space<semaphore_mem>>)
    } else {
    }
    %add3A_13 = arith.constant 0 : i32
    %add3A_14 = arith.addi %mul3A_2, %add3A_13 : i32
    %dma_start3A_15 = arith.constant 0 : i32
    %dma_start3A_16 = arith.constant 0 : i32
    %dma_start3A_17 = tpu.memref_slice %arg8[%dma_start3A_16] : memref<4000xi32, #tpu.memory_space<vmem>> -> memref<2000xi32, #tpu.memory_space<vmem>>
    %dma_start3A_18 = tpu.memref_slice %arg4[%add3A_14] : memref<320000xi32, #tpu.memory_space<hbm>> -> memref<2000xi32, #tpu.memory_space<hbm>>
    %dma_start3A_19 = tpu.memref_slice %arg14[%dma_start3A_15] : memref<2x!tpu.dma_semaphore, #tpu.memory_space<semaphore_mem>> -> memref<1x!tpu.dma_semaphore, #tpu.memory_space<semaphore_mem>>
    %dma_start3A_20 = tpu.memref_squeeze %dma_start3A_19 : memref<1x!tpu.dma_semaphore, #tpu.memory_space<semaphore_mem>> -> memref<!tpu.dma_semaphore, #tpu.memory_space<semaphore_mem>>
    %dma_start3A_21 = arith.constant 0 : i32
    %dma_start3A_22 = tpu.memref_slice %arg8[%dma_start3A_21] : memref<4000xi32, #tpu.memory_space<vmem>> -> memref<2000xi32, #tpu.memory_space<vmem>>
    %dma_start3A_23 = tpu.memref_slice %arg4[%add3A_14] : memref<320000xi32, #tpu.memory_space<hbm>> -> memref<2000xi32, #tpu.memory_space<hbm>>
    tpu.enqueue_dma source(%dma_start3A_23 : memref<2000xi32, #tpu.memory_space<hbm>>) target(%dma_start3A_22 : memref<2000xi32, #tpu.memory_space<vmem>>) target_semaphore(%dma_start3A_20 : memref<!tpu.dma_semaphore, #tpu.memory_space<semaphore_mem>>)
    %dma_start3A_24 = arith.constant 0 : i32
    %dma_start3A_25 = arith.constant 0 : i32
    %dma_start3A_26 = tpu.memref_slice %arg9[%dma_start3A_25] : memref<4000xi32, #tpu.memory_space<vmem>> -> memref<2000xi32, #tpu.memory_space<vmem>>
    %dma_start3A_27 = tpu.memref_slice %arg5[%add3A_14] : memref<320000xi32, #tpu.memory_space<hbm>> -> memref<2000xi32, #tpu.memory_space<hbm>>
    %dma_start3A_28 = tpu.memref_slice %arg14[%dma_start3A_24] : memref<2x!tpu.dma_semaphore, #tpu.memory_space<semaphore_mem>> -> memref<1x!tpu.dma_semaphore, #tpu.memory_space<semaphore_mem>>
    %dma_start3A_29 = tpu.memref_squeeze %dma_start3A_28 : memref<1x!tpu.dma_semaphore, #tpu.memory_space<semaphore_mem>> -> memref<!tpu.dma_semaphore, #tpu.memory_space<semaphore_mem>>
    %dma_start3A_30 = arith.constant 0 : i32
    %dma_start3A_31 = tpu.memref_slice %arg9[%dma_start3A_30] : memref<4000xi32, #tpu.memory_space<vmem>> -> memref<2000xi32, #tpu.memory_space<vmem>>
    %dma_start3A_32 = tpu.memref_slice %arg5[%add3A_14] : memref<320000xi32, #tpu.memory_space<hbm>> -> memref<2000xi32, #tpu.memory_space<hbm>>
    tpu.enqueue_dma source(%dma_start3A_32 : memref<2000xi32, #tpu.memory_space<hbm>>) target(%dma_start3A_31 : memref<2000xi32, #tpu.memory_space<vmem>>) target_semaphore(%dma_start3A_29 : memref<!tpu.dma_semaphore, #tpu.memory_space<semaphore_mem>>)
    %add3A_33 = arith.constant 2000 : i32
    %add3A_34 = arith.addi %mul3A_2, %add3A_33 : i32
    %dma_start3A_35 = arith.constant 1 : i32
    %dma_start3A_36 = arith.constant 2000 : i32
    %dma_start3A_37 = tpu.memref_slice %arg8[%dma_start3A_36] : memref<4000xi32, #tpu.memory_space<vmem>> -> memref<2000xi32, #tpu.memory_space<vmem>>
    %dma_start3A_38 = tpu.memref_slice %arg4[%add3A_34] : memref<320000xi32, #tpu.memory_space<hbm>> -> memref<2000xi32, #tpu.memory_space<hbm>>
    %dma_start3A_39 = tpu.memref_slice %arg14[%dma_start3A_35] : memref<2x!tpu.dma_semaphore, #tpu.memory_space<semaphore_mem>> -> memref<1x!tpu.dma_semaphore, #tpu.memory_space<semaphore_mem>>
    %dma_start3A_40 = tpu.memref_squeeze %dma_start3A_39 : memref<1x!tpu.dma_semaphore, #tpu.memory_space<semaphore_mem>> -> memref<!tpu.dma_semaphore, #tpu.memory_space<semaphore_mem>>
    %dma_start3A_41 = arith.constant 2000 : i32
    %dma_start3A_42 = tpu.memref_slice %arg8[%dma_start3A_41] : memref<4000xi32, #tpu.memory_space<vmem>> -> memref<2000xi32, #tpu.memory_space<vmem>>
    %dma_start3A_43 = tpu.memref_slice %arg4[%add3A_34] : memref<320000xi32, #tpu.memory_space<hbm>> -> memref<2000xi32, #tpu.memory_space<hbm>>
    tpu.enqueue_dma source(%dma_start3A_43 : memref<2000xi32, #tpu.memory_space<hbm>>) target(%dma_start3A_42 : memref<2000xi32, #tpu.memory_space<vmem>>) target_semaphore(%dma_start3A_40 : memref<!tpu.dma_semaphore, #tpu.memory_space<semaphore_mem>>)
    %dma_start3A_44 = arith.constant 1 : i32
    %dma_start3A_45 = arith.constant 2000 : i32
    %dma_start3A_46 = tpu.memref_slice %arg9[%dma_start3A_45] : memref<4000xi32, #tpu.memory_space<vmem>> -> memref<2000xi32, #tpu.memory_space<vmem>>
    %dma_start3A_47 = tpu.memref_slice %arg5[%add3A_34] : memref<320000xi32, #tpu.memory_space<hbm>> -> memref<2000xi32, #tpu.memory_space<hbm>>
    %dma_start3A_48 = tpu.memref_slice %arg14[%dma_start3A_44] : memref<2x!tpu.dma_semaphore, #tpu.memory_space<semaphore_mem>> -> memref<1x!tpu.dma_semaphore, #tpu.memory_space<semaphore_mem>>
    %dma_start3A_49 = tpu.memref_squeeze %dma_start3A_48 : memref<1x!tpu.dma_semaphore, #tpu.memory_space<semaphore_mem>> -> memref<!tpu.dma_semaphore, #tpu.memory_space<semaphore_mem>>
    %dma_start3A_50 = arith.constant 2000 : i32
    %dma_start3A_51 = tpu.memref_slice %arg9[%dma_start3A_50] : memref<4000xi32, #tpu.memory_space<vmem>> -> memref<2000xi32, #tpu.memory_space<vmem>>
    %dma_start3A_52 = tpu.memref_slice %arg5[%add3A_34] : memref<320000xi32, #tpu.memory_space<hbm>> -> memref<2000xi32, #tpu.memory_space<hbm>>
    tpu.enqueue_dma source(%dma_start3A_52 : memref<2000xi32, #tpu.memory_space<hbm>>) target(%dma_start3A_51 : memref<2000xi32, #tpu.memory_space<vmem>>) target_semaphore(%dma_start3A_49 : memref<!tpu.dma_semaphore, #tpu.memory_space<semaphore_mem>>)
    %dma_wait3A = arith.constant 0 : i32
    %dma_wait3A_53 = tpu.memref_slice %arg13[%dma_wait3A] : memref<4x!tpu.dma_semaphore, #tpu.memory_space<semaphore_mem>> -> memref<1x!tpu.dma_semaphore, #tpu.memory_space<semaphore_mem>>
    %dma_wait3A_54 = tpu.memref_squeeze %dma_wait3A_53 : memref<1x!tpu.dma_semaphore, #tpu.memory_space<semaphore_mem>> -> memref<!tpu.dma_semaphore, #tpu.memory_space<semaphore_mem>>
    %dma_wait3A_55 = arith.constant 0 : i32
    %dma_wait3A_56 = tpu.memref_slice %arg7[%mul3A_4, %dma_wait3A_55] : memref<10000x128xf32, #tpu.memory_space<vmem_shared>> -> memref<624x128xf32, #tpu.memory_space<vmem_shared>>
    %dma_wait3A_57 = arith.constant 0 : i32
    %dma_wait3A_58 = tpu.memref_slice %arg3[%mul3A_4, %dma_wait3A_57] : memref<10000x128xf32, #tpu.memory_space<hbm>> -> memref<624x128xf32, #tpu.memory_space<hbm>>
    tpu.wait_dma2 semaphore(%dma_wait3A_54 : memref<!tpu.dma_semaphore, #tpu.memory_space<semaphore_mem>>) src(%dma_wait3A_58 : memref<624x128xf32, #tpu.memory_space<hbm>>) dst(%dma_wait3A_56 : memref<624x128xf32, #tpu.memory_space<vmem_shared>>)
    %eq3A_59 = arith.constant 0 : i32
    %eq3A_60 = arith.cmpi eq, %arg1, %eq3A_59 : i32
    %convert_element_type3A_61 = arith.extui %eq3A_60 : i1 to i32
    %cond3A_62 = arith.constant 0 : i32
    %cond3A_63 = arith.cmpi ne, %convert_element_type3A_61, %cond3A_62 : i32
    scf.if %cond3A_63 {
      %dma_wait3A_221 = arith.constant 1 : i32
      %dma_wait3A_222 = tpu.memref_slice %arg13[%dma_wait3A_221] : memref<4x!tpu.dma_semaphore, #tpu.memory_space<semaphore_mem>> -> memref<1x!tpu.dma_semaphore, #tpu.memory_space<semaphore_mem>>
      %dma_wait3A_223 = tpu.memref_squeeze %dma_wait3A_222 : memref<1x!tpu.dma_semaphore, #tpu.memory_space<semaphore_mem>> -> memref<!tpu.dma_semaphore, #tpu.memory_space<semaphore_mem>>
      %dma_wait3A_224 = arith.constant 9984 : i32
      %dma_wait3A_225 = arith.constant 0 : i32
      %dma_wait3A_226 = tpu.memref_slice %arg7[%dma_wait3A_224, %dma_wait3A_225] : memref<10000x128xf32, #tpu.memory_space<vmem_shared>> -> memref<16x128xf32, #tpu.memory_space<vmem_shared>>
      %dma_wait3A_227 = arith.constant 9984 : i32
      %dma_wait3A_228 = arith.constant 0 : i32
      %dma_wait3A_229 = tpu.memref_slice %arg3[%dma_wait3A_227, %dma_wait3A_228] : memref<10000x128xf32, #tpu.memory_space<hbm>> -> memref<16x128xf32, #tpu.memory_space<hbm>>
      tpu.wait_dma2 semaphore(%dma_wait3A_223 : memref<!tpu.dma_semaphore, #tpu.memory_space<semaphore_mem>>) src(%dma_wait3A_229 : memref<16x128xf32, #tpu.memory_space<hbm>>) dst(%dma_wait3A_226 : memref<16x128xf32, #tpu.memory_space<vmem_shared>>)
    } else {
    }
    %barrier3A = arith.constant 0 : index
    tpu.barrier barrier_id(%barrier3A)
    %add3A_64 = arith.constant 0 : i32
    %add3A_65 = arith.addi %mul3A_2, %add3A_64 : i32
    %dma_wait3A_66 = arith.constant 0 : i32
    %dma_wait3A_67 = arith.constant 0 : i32
    %dma_wait3A_68 = tpu.memref_slice %arg8[%dma_wait3A_67] : memref<4000xi32, #tpu.memory_space<vmem>> -> memref<2000xi32, #tpu.memory_space<vmem>>
    %dma_wait3A_69 = tpu.memref_slice %arg4[%add3A_65] : memref<320000xi32, #tpu.memory_space<hbm>> -> memref<2000xi32, #tpu.memory_space<hbm>>
    %dma_wait3A_70 = tpu.memref_slice %arg14[%dma_wait3A_66] : memref<2x!tpu.dma_semaphore, #tpu.memory_space<semaphore_mem>> -> memref<1x!tpu.dma_semaphore, #tpu.memory_space<semaphore_mem>>
    %dma_wait3A_71 = tpu.memref_squeeze %dma_wait3A_70 : memref<1x!tpu.dma_semaphore, #tpu.memory_space<semaphore_mem>> -> memref<!tpu.dma_semaphore, #tpu.memory_space<semaphore_mem>>
    %dma_wait3A_72 = arith.constant 0 : i32
    %dma_wait3A_73 = tpu.memref_slice %arg8[%dma_wait3A_72] : memref<4000xi32, #tpu.memory_space<vmem>> -> memref<2000xi32, #tpu.memory_space<vmem>>
    %dma_wait3A_74 = tpu.memref_slice %arg4[%add3A_65] : memref<320000xi32, #tpu.memory_space<hbm>> -> memref<2000xi32, #tpu.memory_space<hbm>>
    tpu.wait_dma2 semaphore(%dma_wait3A_71 : memref<!tpu.dma_semaphore, #tpu.memory_space<semaphore_mem>>) src(%dma_wait3A_74 : memref<2000xi32, #tpu.memory_space<hbm>>) dst(%dma_wait3A_73 : memref<2000xi32, #tpu.memory_space<vmem>>)
    %dma_wait3A_75 = arith.constant 0 : i32
    %dma_wait3A_76 = arith.constant 0 : i32
    %dma_wait3A_77 = tpu.memref_slice %arg9[%dma_wait3A_76] : memref<4000xi32, #tpu.memory_space<vmem>> -> memref<2000xi32, #tpu.memory_space<vmem>>
    %dma_wait3A_78 = tpu.memref_slice %arg5[%add3A_65] : memref<320000xi32, #tpu.memory_space<hbm>> -> memref<2000xi32, #tpu.memory_space<hbm>>
    %dma_wait3A_79 = tpu.memref_slice %arg14[%dma_wait3A_75] : memref<2x!tpu.dma_semaphore, #tpu.memory_space<semaphore_mem>> -> memref<1x!tpu.dma_semaphore, #tpu.memory_space<semaphore_mem>>
    %dma_wait3A_80 = tpu.memref_squeeze %dma_wait3A_79 : memref<1x!tpu.dma_semaphore, #tpu.memory_space<semaphore_mem>> -> memref<!tpu.dma_semaphore, #tpu.memory_space<semaphore_mem>>
    %dma_wait3A_81 = arith.constant 0 : i32
    %dma_wait3A_82 = tpu.memref_slice %arg9[%dma_wait3A_81] : memref<4000xi32, #tpu.memory_space<vmem>> -> memref<2000xi32, #tpu.memory_space<vmem>>
    %dma_wait3A_83 = tpu.memref_slice %arg5[%add3A_65] : memref<320000xi32, #tpu.memory_space<hbm>> -> memref<2000xi32, #tpu.memory_space<hbm>>
    tpu.wait_dma2 semaphore(%dma_wait3A_80 : memref<!tpu.dma_semaphore, #tpu.memory_space<semaphore_mem>>) src(%dma_wait3A_83 : memref<2000xi32, #tpu.memory_space<hbm>>) dst(%dma_wait3A_82 : memref<2000xi32, #tpu.memory_space<vmem>>)
    %dma_start3A_84 = arith.constant 0 : i32
    %dma_start3A_85 = arith.constant 0 : i32
    %dma_start3A_86 = arith.constant 0 : i32
    %dma_start3A_87 = arith.constant 0 : i32
    %dma_start3A_88 = tpu.memref_slice %arg10[%dma_start3A_84, %dma_start3A_86, %dma_start3A_87] : memref<4x80x128xf32, #tpu.memory_space<vmem>> -> memref<1x80x128xf32, #tpu.memory_space<vmem>>
    %dma_start3A_89 = tpu.memref_squeeze %dma_start3A_88 : memref<1x80x128xf32, #tpu.memory_space<vmem>> -> memref<80x128xf32, #tpu.memory_space<vmem>>
    %dma_start3A_90 = arith.constant 0 : i32
    %dma_start3A_91 = tpu.memref_slice %arg8[%dma_start3A_90] : memref<4000xi32, #tpu.memory_space<vmem>> -> memref<80xi32, #tpu.memory_space<vmem>>
    %dma_start3A_92 = arith.constant 0 : i32
    %dma_start3A_93 = arith.constant 0 : i32
    %dma_start3A_94 = tpu.memref_slice %arg2[%dma_start3A_92, %dma_start3A_93] : memref<10000x128xf32, #tpu.memory_space<hbm>> -> memref<10000x128xf32, #tpu.memory_space<hbm>>
    %dma_start3A_95 = tpu.memref_slice %arg11[%dma_start3A_85] : memref<4x!tpu.dma_semaphore, #tpu.memory_space<semaphore_mem>> -> memref<1x!tpu.dma_semaphore, #tpu.memory_space<semaphore_mem>>
    %dma_start3A_96 = tpu.memref_squeeze %dma_start3A_95 : memref<1x!tpu.dma_semaphore, #tpu.memory_space<semaphore_mem>> -> memref<!tpu.dma_semaphore, #tpu.memory_space<semaphore_mem>>
    tpu.enqueue_indirect_dma source(%dma_start3A_94 : memref<10000x128xf32, #tpu.memory_space<hbm>>) target(%dma_start3A_89 : memref<80x128xf32, #tpu.memory_space<vmem>>) offsets(%dma_start3A_91 : memref<80xi32, #tpu.memory_space<vmem>>) semaphore(%dma_start3A_96 : memref<!tpu.dma_semaphore, #tpu.memory_space<semaphore_mem>>)
    %dma_start3A_97 = arith.constant 1 : i32
    %dma_start3A_98 = arith.constant 1 : i32
    %dma_start3A_99 = arith.constant 0 : i32
    %dma_start3A_100 = arith.constant 0 : i32
    %dma_start3A_101 = tpu.memref_slice %arg10[%dma_start3A_97, %dma_start3A_99, %dma_start3A_100] : memref<4x80x128xf32, #tpu.memory_space<vmem>> -> memref<1x80x128xf32, #tpu.memory_space<vmem>>
    %dma_start3A_102 = tpu.memref_squeeze %dma_start3A_101 : memref<1x80x128xf32, #tpu.memory_space<vmem>> -> memref<80x128xf32, #tpu.memory_space<vmem>>
    %dma_start3A_103 = arith.constant 80 : i32
    %dma_start3A_104 = tpu.memref_slice %arg8[%dma_start3A_103] : memref<4000xi32, #tpu.memory_space<vmem>> -> memref<80xi32, #tpu.memory_space<vmem>>
    %dma_start3A_105 = arith.constant 0 : i32
    %dma_start3A_106 = arith.constant 0 : i32
    %dma_start3A_107 = tpu.memref_slice %arg2[%dma_start3A_105, %dma_start3A_106] : memref<10000x128xf32, #tpu.memory_space<hbm>> -> memref<10000x128xf32, #tpu.memory_space<hbm>>
    %dma_start3A_108 = tpu.memref_slice %arg11[%dma_start3A_98] : memref<4x!tpu.dma_semaphore, #tpu.memory_space<semaphore_mem>> -> memref<1x!tpu.dma_semaphore, #tpu.memory_space<semaphore_mem>>
    %dma_start3A_109 = tpu.memref_squeeze %dma_start3A_108 : memref<1x!tpu.dma_semaphore, #tpu.memory_space<semaphore_mem>> -> memref<!tpu.dma_semaphore, #tpu.memory_space<semaphore_mem>>
    tpu.enqueue_indirect_dma source(%dma_start3A_107 : memref<10000x128xf32, #tpu.memory_space<hbm>>) target(%dma_start3A_102 : memref<80x128xf32, #tpu.memory_space<vmem>>) offsets(%dma_start3A_104 : memref<80xi32, #tpu.memory_space<vmem>>) semaphore(%dma_start3A_109 : memref<!tpu.dma_semaphore, #tpu.memory_space<semaphore_mem>>)
    %dma_start3A_110 = arith.constant 2 : i32
    %dma_start3A_111 = arith.constant 2 : i32
    %dma_start3A_112 = arith.constant 0 : i32
    %dma_start3A_113 = arith.constant 0 : i32
    %dma_start3A_114 = tpu.memref_slice %arg10[%dma_start3A_110, %dma_start3A_112, %dma_start3A_113] : memref<4x80x128xf32, #tpu.memory_space<vmem>> -> memref<1x80x128xf32, #tpu.memory_space<vmem>>
    %dma_start3A_115 = tpu.memref_squeeze %dma_start3A_114 : memref<1x80x128xf32, #tpu.memory_space<vmem>> -> memref<80x128xf32, #tpu.memory_space<vmem>>
    %dma_start3A_116 = arith.constant 160 : i32
    %dma_start3A_117 = tpu.memref_slice %arg8[%dma_start3A_116] : memref<4000xi32, #tpu.memory_space<vmem>> -> memref<80xi32, #tpu.memory_space<vmem>>
    %dma_start3A_118 = arith.constant 0 : i32
    %dma_start3A_119 = arith.constant 0 : i32
    %dma_start3A_120 = tpu.memref_slice %arg2[%dma_start3A_118, %dma_start3A_119] : memref<10000x128xf32, #tpu.memory_space<hbm>> -> memref<10000x128xf32, #tpu.memory_space<hbm>>
    %dma_start3A_121 = tpu.memref_slice %arg11[%dma_start3A_111] : memref<4x!tpu.dma_semaphore, #tpu.memory_space<semaphore_mem>> -> memref<1x!tpu.dma_semaphore, #tpu.memory_space<semaphore_mem>>
    %dma_start3A_122 = tpu.memref_squeeze %dma_start3A_121 : memref<1x!tpu.dma_semaphore, #tpu.memory_space<semaphore_mem>> -> memref<!tpu.dma_semaphore, #tpu.memory_space<semaphore_mem>>
    tpu.enqueue_indirect_dma source(%dma_start3A_120 : memref<10000x128xf32, #tpu.memory_space<hbm>>) target(%dma_start3A_115 : memref<80x128xf32, #tpu.memory_space<vmem>>) offsets(%dma_start3A_117 : memref<80xi32, #tpu.memory_space<vmem>>) semaphore(%dma_start3A_122 : memref<!tpu.dma_semaphore, #tpu.memory_space<semaphore_mem>>)
    %scan3A = arith.constant 0 : i32
    %scan3A_123 = arith.constant 0 : i32
    %scan3A_124 = arith.constant 31 : i32
    %scan3A_125 = arith.addi %scan3A_123, %scan3A_124 : i32
    %scan3A_126 = arith.constant 1 : i32
    scf.for %scan3A_221 = %scan3A_123 to %scan3A_125 step %scan3A_126  : i32 {
      %mul3A_222 = arith.constant 4 : i32
      %mul3A_223 = arith.muli %scan3A_221, %mul3A_222 : i32
      %add3A_224 = arith.constant 0 : i32
      %add3A_225 = arith.addi %mul3A_223, %add3A_224 : i32
      %gt3A = arith.constant 0 : i32
      %gt3A_226 = arith.cmpi sgt, %scan3A_221, %gt3A : i32
      %convert_element_type3A_227 = arith.extui %gt3A_226 : i1 to i32
      %cond3A_228 = arith.constant 0 : i32
      %cond3A_229 = arith.cmpi ne, %convert_element_type3A_227, %cond3A_228 : i32
      scf.if %cond3A_229 {
        %sub3A_1476 = arith.constant 1 : i32
        %sub3A_1477 = arith.subi %add3A_225, %sub3A_1476 : i32
        %mul3A_1478 = arith.constant 80 : i32
        %mul3A_1479 = arith.muli %sub3A_1477, %mul3A_1478 : i32
        %add3A_1480 = arith.addi %mul3A_2, %mul3A_1479 : i32
        %dma_wait3A_1481 = arith.constant 3 : i32
        %dma_wait3A_1482 = arith.constant 3 : i32
        %dma_wait3A_1483 = arith.constant 0 : i32
        %dma_wait3A_1484 = arith.constant 0 : i32
        %dma_wait3A_1485 = tpu.memref_slice %arg10[%dma_wait3A_1481, %dma_wait3A_1483, %dma_wait3A_1484] : memref<4x80x128xf32, #tpu.memory_space<vmem>> -> memref<1x80x128xf32, #tpu.memory_space<vmem>>
        %dma_wait3A_1486 = tpu.memref_squeeze %dma_wait3A_1485 : memref<1x80x128xf32, #tpu.memory_space<vmem>> -> memref<80x128xf32, #tpu.memory_space<vmem>>
        %dma_wait3A_1487 = arith.constant 0 : i32
        %dma_wait3A_1488 = tpu.memref_slice %arg6[%add3A_1480, %dma_wait3A_1487] : memref<320000x128xf32, #tpu.memory_space<hbm>> -> memref<80x128xf32, #tpu.memory_space<hbm>>
        %dma_wait3A_1489 = tpu.memref_slice %arg13[%dma_wait3A_1482] : memref<4x!tpu.dma_semaphore, #tpu.memory_space<semaphore_mem>> -> memref<1x!tpu.dma_semaphore, #tpu.memory_space<semaphore_mem>>
        %dma_wait3A_1490 = tpu.memref_squeeze %dma_wait3A_1489 : memref<1x!tpu.dma_semaphore, #tpu.memory_space<semaphore_mem>> -> memref<!tpu.dma_semaphore, #tpu.memory_space<semaphore_mem>>
        %dma_wait3A_1491 = arith.constant 0 : i32
        %dma_wait3A_1492 = tpu.memref_slice %arg6[%add3A_1480, %dma_wait3A_1491] : memref<320000x128xf32, #tpu.memory_space<hbm>> -> memref<80x128xf32, #tpu.memory_space<hbm>>
        %dma_wait3A_1493 = arith.constant 0 : i32
        %dma_wait3A_1494 = arith.constant 0 : i32
        %dma_wait3A_1495 = tpu.memref_slice %arg10[%dma_wait3A_1481, %dma_wait3A_1493, %dma_wait3A_1494] : memref<4x80x128xf32, #tpu.memory_space<vmem>> -> memref<1x80x128xf32, #tpu.memory_space<vmem>>
        %dma_wait3A_1496 = tpu.memref_squeeze %dma_wait3A_1495 : memref<1x80x128xf32, #tpu.memory_space<vmem>> -> memref<80x128xf32, #tpu.memory_space<vmem>>
        tpu.wait_dma2 semaphore(%dma_wait3A_1490 : memref<!tpu.dma_semaphore, #tpu.memory_space<semaphore_mem>>) src(%dma_wait3A_1496 : memref<80x128xf32, #tpu.memory_space<vmem>>) dst(%dma_wait3A_1492 : memref<80x128xf32, #tpu.memory_space<hbm>>)
      } else {
      }
      %add3A_230 = arith.constant 3 : i32
      %add3A_231 = arith.addi %add3A_225, %add3A_230 : i32
      %lt3A = arith.constant 125 : i32
      %lt3A_232 = arith.cmpi slt, %add3A_231, %lt3A : i32
      %convert_element_type3A_233 = arith.extui %lt3A_232 : i1 to i32
      %cond3A_234 = arith.constant 0 : i32
      %cond3A_235 = arith.cmpi ne, %convert_element_type3A_233, %cond3A_234 : i32
      scf.if %cond3A_235 {
        %add3A_1476 = arith.constant 3 : i32
        %add3A_1477 = arith.addi %add3A_225, %add3A_1476 : i32
        %jit3A_1478 = arith.constant 25 : i32
        %eq3A_1479 = arith.constant 0 : i32
        %eq3A_1480 = arith.cmpi eq, %jit3A_1478, %eq3A_1479 : i32
        %jit3A_1481 = arith.constant 1 : i32
        %select_n3A_1482 = arith.select %eq3A_1480, %jit3A_1481, %jit3A_1478 : i32
        %rem3A_1483 = arith.remsi %add3A_1477, %select_n3A_1482 : i32
        %ne3A_1484 = arith.constant 0 : i32
        %ne3A_1485 = arith.cmpi ne, %rem3A_1483, %ne3A_1484 : i32
        %lt3A_1486 = arith.constant 0 : i32
        %lt3A_1487 = arith.cmpi slt, %rem3A_1483, %lt3A_1486 : i32
        %lt3A_1488 = arith.constant 0 : i32
        %lt3A_1489 = arith.cmpi slt, %select_n3A_1482, %lt3A_1488 : i32
        %ne3A_1490 = arith.xori %lt3A_1487, %lt3A_1489 : i1
        %and3A_1491 = arith.andi %ne3A_1490, %ne3A_1485 : i1
        %add3A_1492 = arith.addi %rem3A_1483, %select_n3A_1482 : i32
        %select_n3A_1493 = arith.select %and3A_1491, %add3A_1492, %rem3A_1483 : i32
        %eq3A_1494 = arith.constant 0 : i32
        %eq3A_1495 = arith.cmpi eq, %select_n3A_1493, %eq3A_1494 : i32
        %convert_element_type3A_1496 = arith.extui %eq3A_1495 : i1 to i32
        %cond3A_1497 = arith.constant 0 : i32
        %cond3A_1498 = arith.cmpi ne, %convert_element_type3A_1496, %cond3A_1497 : i32
        scf.if %cond3A_1498 {
          %jit3A_1572 = arith.constant 25 : i32
          %div3A_1573 = arith.divsi %add3A_1477, %jit3A_1572 : i32
          %sign3A_1574 = arith.constant 0 : i32
          %sign3A_1575 = arith.cmpi sgt, %add3A_1477, %sign3A_1574 : i32
          %sign3A_1576 = arith.extui %sign3A_1575 : i1 to i32
          %sign3A_1577 = arith.constant 0 : i32
          %sign3A_1578 = arith.cmpi slt, %add3A_1477, %sign3A_1577 : i32
          %sign3A_1579 = arith.extui %sign3A_1578 : i1 to i32
          %sign3A_1580 = arith.subi %sign3A_1576, %sign3A_1579 : i32
          %sign3A_1581 = arith.constant 0 : i32
          %sign3A_1582 = arith.cmpi sgt, %jit3A_1572, %sign3A_1581 : i32
          %sign3A_1583 = arith.extui %sign3A_1582 : i1 to i32
          %sign3A_1584 = arith.constant 0 : i32
          %sign3A_1585 = arith.cmpi slt, %jit3A_1572, %sign3A_1584 : i32
          %sign3A_1586 = arith.extui %sign3A_1585 : i1 to i32
          %sign3A_1587 = arith.subi %sign3A_1583, %sign3A_1586 : i32
          %ne3A_1588 = arith.cmpi ne, %sign3A_1580, %sign3A_1587 : i32
          %rem3A_1589 = arith.remsi %add3A_1477, %jit3A_1572 : i32
          %ne3A_1590 = arith.constant 0 : i32
          %ne3A_1591 = arith.cmpi ne, %rem3A_1589, %ne3A_1590 : i32
          %and3A_1592 = arith.andi %ne3A_1588, %ne3A_1591 : i1
          %sub3A_1593 = arith.constant 1 : i32
          %sub3A_1594 = arith.subi %div3A_1573, %sub3A_1593 : i32
          %select_n3A_1595 = arith.select %and3A_1592, %sub3A_1594, %div3A_1573 : i32
          %jit3A_1596 = arith.constant 25 : i32
          %div3A_1597 = arith.divsi %add3A_1477, %jit3A_1596 : i32
          %sign3A_1598 = arith.constant 0 : i32
          %sign3A_1599 = arith.cmpi sgt, %add3A_1477, %sign3A_1598 : i32
          %sign3A_1600 = arith.extui %sign3A_1599 : i1 to i32
          %sign3A_1601 = arith.constant 0 : i32
          %sign3A_1602 = arith.cmpi slt, %add3A_1477, %sign3A_1601 : i32
          %sign3A_1603 = arith.extui %sign3A_1602 : i1 to i32
          %sign3A_1604 = arith.subi %sign3A_1600, %sign3A_1603 : i32
          %sign3A_1605 = arith.constant 0 : i32
          %sign3A_1606 = arith.cmpi sgt, %jit3A_1596, %sign3A_1605 : i32
          %sign3A_1607 = arith.extui %sign3A_1606 : i1 to i32
          %sign3A_1608 = arith.constant 0 : i32
          %sign3A_1609 = arith.cmpi slt, %jit3A_1596, %sign3A_1608 : i32
          %sign3A_1610 = arith.extui %sign3A_1609 : i1 to i32
          %sign3A_1611 = arith.subi %sign3A_1607, %sign3A_1610 : i32
          %ne3A_1612 = arith.cmpi ne, %sign3A_1604, %sign3A_1611 : i32
          %rem3A_1613 = arith.remsi %add3A_1477, %jit3A_1596 : i32
          %ne3A_1614 = arith.constant 0 : i32
          %ne3A_1615 = arith.cmpi ne, %rem3A_1613, %ne3A_1614 : i32
          %and3A_1616 = arith.andi %ne3A_1612, %ne3A_1615 : i1
          %sub3A_1617 = arith.constant 1 : i32
          %sub3A_1618 = arith.subi %div3A_1597, %sub3A_1617 : i32
          %select_n3A_1619 = arith.select %and3A_1616, %sub3A_1618, %div3A_1597 : i32
          %jit3A_1620 = arith.constant 2 : i32
          %eq3A_1621 = arith.constant 0 : i32
          %eq3A_1622 = arith.cmpi eq, %jit3A_1620, %eq3A_1621 : i32
          %jit3A_1623 = arith.constant 1 : i32
          %select_n3A_1624 = arith.select %eq3A_1622, %jit3A_1623, %jit3A_1620 : i32
          %rem3A_1625 = arith.remsi %select_n3A_1619, %select_n3A_1624 : i32
          %ne3A_1626 = arith.constant 0 : i32
          %ne3A_1627 = arith.cmpi ne, %rem3A_1625, %ne3A_1626 : i32
          %lt3A_1628 = arith.constant 0 : i32
          %lt3A_1629 = arith.cmpi slt, %rem3A_1625, %lt3A_1628 : i32
          %lt3A_1630 = arith.constant 0 : i32
          %lt3A_1631 = arith.cmpi slt, %select_n3A_1624, %lt3A_1630 : i32
          %ne3A_1632 = arith.xori %lt3A_1629, %lt3A_1631 : i1
          %and3A_1633 = arith.andi %ne3A_1632, %ne3A_1627 : i1
          %add3A_1634 = arith.addi %rem3A_1625, %select_n3A_1624 : i32
          %select_n3A_1635 = arith.select %and3A_1633, %add3A_1634, %rem3A_1625 : i32
          %mul3A_1636 = arith.constant 2000 : i32
          %mul3A_1637 = arith.muli %select_n3A_1595, %mul3A_1636 : i32
          %add3A_1638 = arith.addi %mul3A_2, %mul3A_1637 : i32
          %mul3A_1639 = arith.constant 2000 : i32
          %mul3A_1640 = arith.muli %select_n3A_1635, %mul3A_1639 : i32
          %dma_wait3A_1641 = tpu.memref_slice %arg8[%mul3A_1640] : memref<4000xi32, #tpu.memory_space<vmem>> -> memref<2000xi32, #tpu.memory_space<vmem>>
          %dma_wait3A_1642 = tpu.memref_slice %arg4[%add3A_1638] : memref<320000xi32, #tpu.memory_space<hbm>> -> memref<2000xi32, #tpu.memory_space<hbm>>
          %dma_wait3A_1643 = tpu.memref_slice %arg14[%select_n3A_1635] : memref<2x!tpu.dma_semaphore, #tpu.memory_space<semaphore_mem>> -> memref<1x!tpu.dma_semaphore, #tpu.memory_space<semaphore_mem>>
          %dma_wait3A_1644 = tpu.memref_squeeze %dma_wait3A_1643 : memref<1x!tpu.dma_semaphore, #tpu.memory_space<semaphore_mem>> -> memref<!tpu.dma_semaphore, #tpu.memory_space<semaphore_mem>>
          %dma_wait3A_1645 = tpu.memref_slice %arg8[%mul3A_1640] : memref<4000xi32, #tpu.memory_space<vmem>> -> memref<2000xi32, #tpu.memory_space<vmem>>
          %dma_wait3A_1646 = tpu.memref_slice %arg4[%add3A_1638] : memref<320000xi32, #tpu.memory_space<hbm>> -> memref<2000xi32, #tpu.memory_space<hbm>>
          tpu.wait_dma2 semaphore(%dma_wait3A_1644 : memref<!tpu.dma_semaphore, #tpu.memory_space<semaphore_mem>>) src(%dma_wait3A_1646 : memref<2000xi32, #tpu.memory_space<hbm>>) dst(%dma_wait3A_1645 : memref<2000xi32, #tpu.memory_space<vmem>>)
          %dma_wait3A_1647 = tpu.memref_slice %arg9[%mul3A_1640] : memref<4000xi32, #tpu.memory_space<vmem>> -> memref<2000xi32, #tpu.memory_space<vmem>>
          %dma_wait3A_1648 = tpu.memref_slice %arg5[%add3A_1638] : memref<320000xi32, #tpu.memory_space<hbm>> -> memref<2000xi32, #tpu.memory_space<hbm>>
          %dma_wait3A_1649 = tpu.memref_slice %arg14[%select_n3A_1635] : memref<2x!tpu.dma_semaphore, #tpu.memory_space<semaphore_mem>> -> memref<1x!tpu.dma_semaphore, #tpu.memory_space<semaphore_mem>>
          %dma_wait3A_1650 = tpu.memref_squeeze %dma_wait3A_1649 : memref<1x!tpu.dma_semaphore, #tpu.memory_space<semaphore_mem>> -> memref<!tpu.dma_semaphore, #tpu.memory_space<semaphore_mem>>
          %dma_wait3A_1651 = tpu.memref_slice %arg9[%mul3A_1640] : memref<4000xi32, #tpu.memory_space<vmem>> -> memref<2000xi32, #tpu.memory_space<vmem>>
          %dma_wait3A_1652 = tpu.memref_slice %arg5[%add3A_1638] : memref<320000xi32, #tpu.memory_space<hbm>> -> memref<2000xi32, #tpu.memory_space<hbm>>
          tpu.wait_dma2 semaphore(%dma_wait3A_1650 : memref<!tpu.dma_semaphore, #tpu.memory_space<semaphore_mem>>) src(%dma_wait3A_1652 : memref<2000xi32, #tpu.memory_space<hbm>>) dst(%dma_wait3A_1651 : memref<2000xi32, #tpu.memory_space<vmem>>)
        } else {
        }
        %jit3A_1499 = arith.constant 25 : i32
        %div3A_1500 = arith.divsi %add3A_1477, %jit3A_1499 : i32
        %sign3A_1501 = arith.constant 0 : i32
        %sign3A_1502 = arith.cmpi sgt, %add3A_1477, %sign3A_1501 : i32
        %sign3A_1503 = arith.extui %sign3A_1502 : i1 to i32
        %sign3A_1504 = arith.constant 0 : i32
        %sign3A_1505 = arith.cmpi slt, %add3A_1477, %sign3A_1504 : i32
        %sign3A_1506 = arith.extui %sign3A_1505 : i1 to i32
        %sign3A_1507 = arith.subi %sign3A_1503, %sign3A_1506 : i32
        %sign3A_1508 = arith.constant 0 : i32
        %sign3A_1509 = arith.cmpi sgt, %jit3A_1499, %sign3A_1508 : i32
        %sign3A_1510 = arith.extui %sign3A_1509 : i1 to i32
        %sign3A_1511 = arith.constant 0 : i32
        %sign3A_1512 = arith.cmpi slt, %jit3A_1499, %sign3A_1511 : i32
        %sign3A_1513 = arith.extui %sign3A_1512 : i1 to i32
        %sign3A_1514 = arith.subi %sign3A_1510, %sign3A_1513 : i32
        %ne3A_1515 = arith.cmpi ne, %sign3A_1507, %sign3A_1514 : i32
        %rem3A_1516 = arith.remsi %add3A_1477, %jit3A_1499 : i32
        %ne3A_1517 = arith.constant 0 : i32
        %ne3A_1518 = arith.cmpi ne, %rem3A_1516, %ne3A_1517 : i32
        %and3A_1519 = arith.andi %ne3A_1515, %ne3A_1518 : i1
        %sub3A_1520 = arith.constant 1 : i32
        %sub3A_1521 = arith.subi %div3A_1500, %sub3A_1520 : i32
        %select_n3A_1522 = arith.select %and3A_1519, %sub3A_1521, %div3A_1500 : i32
        %jit3A_1523 = arith.constant 2 : i32
        %eq3A_1524 = arith.constant 0 : i32
        %eq3A_1525 = arith.cmpi eq, %jit3A_1523, %eq3A_1524 : i32
        %jit3A_1526 = arith.constant 1 : i32
        %select_n3A_1527 = arith.select %eq3A_1525, %jit3A_1526, %jit3A_1523 : i32
        %rem3A_1528 = arith.remsi %select_n3A_1522, %select_n3A_1527 : i32
        %ne3A_1529 = arith.constant 0 : i32
        %ne3A_1530 = arith.cmpi ne, %rem3A_1528, %ne3A_1529 : i32
        %lt3A_1531 = arith.constant 0 : i32
        %lt3A_1532 = arith.cmpi slt, %rem3A_1528, %lt3A_1531 : i32
        %lt3A_1533 = arith.constant 0 : i32
        %lt3A_1534 = arith.cmpi slt, %select_n3A_1527, %lt3A_1533 : i32
        %ne3A_1535 = arith.xori %lt3A_1532, %lt3A_1534 : i1
        %and3A_1536 = arith.andi %ne3A_1535, %ne3A_1530 : i1
        %add3A_1537 = arith.addi %rem3A_1528, %select_n3A_1527 : i32
        %select_n3A_1538 = arith.select %and3A_1536, %add3A_1537, %rem3A_1528 : i32
        %mul3A_1539 = arith.constant 2000 : i32
        %mul3A_1540 = arith.muli %select_n3A_1538, %mul3A_1539 : i32
        %jit3A_1541 = arith.constant 25 : i32
        %eq3A_1542 = arith.constant 0 : i32
        %eq3A_1543 = arith.cmpi eq, %jit3A_1541, %eq3A_1542 : i32
        %jit3A_1544 = arith.constant 1 : i32
        %select_n3A_1545 = arith.select %eq3A_1543, %jit3A_1544, %jit3A_1541 : i32
        %rem3A_1546 = arith.remsi %add3A_1477, %select_n3A_1545 : i32
        %ne3A_1547 = arith.constant 0 : i32
        %ne3A_1548 = arith.cmpi ne, %rem3A_1546, %ne3A_1547 : i32
        %lt3A_1549 = arith.constant 0 : i32
        %lt3A_1550 = arith.cmpi slt, %rem3A_1546, %lt3A_1549 : i32
        %lt3A_1551 = arith.constant 0 : i32
        %lt3A_1552 = arith.cmpi slt, %select_n3A_1545, %lt3A_1551 : i32
        %ne3A_1553 = arith.xori %lt3A_1550, %lt3A_1552 : i1
        %and3A_1554 = arith.andi %ne3A_1553, %ne3A_1548 : i1
        %add3A_1555 = arith.addi %rem3A_1546, %select_n3A_1545 : i32
        %select_n3A_1556 = arith.select %and3A_1554, %add3A_1555, %rem3A_1546 : i32
        %mul3A_1557 = arith.constant 80 : i32
        %mul3A_1558 = arith.muli %select_n3A_1556, %mul3A_1557 : i32
        %add3A_1559 = arith.addi %mul3A_1540, %mul3A_1558 : i32
        %dma_start3A_1560 = arith.constant 3 : i32
        %dma_start3A_1561 = arith.constant 3 : i32
        %dma_start3A_1562 = arith.constant 0 : i32
        %dma_start3A_1563 = arith.constant 0 : i32
        %dma_start3A_1564 = tpu.memref_slice %arg10[%dma_start3A_1560, %dma_start3A_1562, %dma_start3A_1563] : memref<4x80x128xf32, #tpu.memory_space<vmem>> -> memref<1x80x128xf32, #tpu.memory_space<vmem>>
        %dma_start3A_1565 = tpu.memref_squeeze %dma_start3A_1564 : memref<1x80x128xf32, #tpu.memory_space<vmem>> -> memref<80x128xf32, #tpu.memory_space<vmem>>
        %dma_start3A_1566 = tpu.memref_slice %arg8[%add3A_1559] : memref<4000xi32, #tpu.memory_space<vmem>> -> memref<80xi32, #tpu.memory_space<vmem>>
        %dma_start3A_1567 = arith.constant 0 : i32
        %dma_start3A_1568 = arith.constant 0 : i32
        %dma_start3A_1569 = tpu.memref_slice %arg2[%dma_start3A_1567, %dma_start3A_1568] : memref<10000x128xf32, #tpu.memory_space<hbm>> -> memref<10000x128xf32, #tpu.memory_space<hbm>>
        %dma_start3A_1570 = tpu.memref_slice %arg11[%dma_start3A_1561] : memref<4x!tpu.dma_semaphore, #tpu.memory_space<semaphore_mem>> -> memref<1x!tpu.dma_semaphore, #tpu.memory_space<semaphore_mem>>
        %dma_start3A_1571 = tpu.memref_squeeze %dma_start3A_1570 : memref<1x!tpu.dma_semaphore, #tpu.memory_space<semaphore_mem>> -> memref<!tpu.dma_semaphore, #tpu.memory_space<semaphore_mem>>
        tpu.enqueue_indirect_dma source(%dma_start3A_1569 : memref<10000x128xf32, #tpu.memory_space<hbm>>) target(%dma_start3A_1565 : memref<80x128xf32, #tpu.memory_space<vmem>>) offsets(%dma_start3A_1566 : memref<80xi32, #tpu.memory_space<vmem>>) semaphore(%dma_start3A_1571 : memref<!tpu.dma_semaphore, #tpu.memory_space<semaphore_mem>>)
      } else {
      }
      %jit3A = arith.constant 25 : i32
      %div3A = arith.divsi %add3A_225, %jit3A : i32
      %sign3A = arith.constant 0 : i32
      %sign3A_236 = arith.cmpi sgt, %add3A_225, %sign3A : i32
      %sign3A_237 = arith.extui %sign3A_236 : i1 to i32
      %sign3A_238 = arith.constant 0 : i32
      %sign3A_239 = arith.cmpi slt, %add3A_225, %sign3A_238 : i32
      %sign3A_240 = arith.extui %sign3A_239 : i1 to i32
      %sign3A_241 = arith.subi %sign3A_237, %sign3A_240 : i32
      %sign3A_242 = arith.constant 0 : i32
      %sign3A_243 = arith.cmpi sgt, %jit3A, %sign3A_242 : i32
      %sign3A_244 = arith.extui %sign3A_243 : i1 to i32
      %sign3A_245 = arith.constant 0 : i32
      %sign3A_246 = arith.cmpi slt, %jit3A, %sign3A_245 : i32
      %sign3A_247 = arith.extui %sign3A_246 : i1 to i32
      %sign3A_248 = arith.subi %sign3A_244, %sign3A_247 : i32
      %ne3A = arith.cmpi ne, %sign3A_241, %sign3A_248 : i32
      %rem3A = arith.remsi %add3A_225, %jit3A : i32
      %ne3A_249 = arith.constant 0 : i32
      %ne3A_250 = arith.cmpi ne, %rem3A, %ne3A_249 : i32
      %and3A = arith.andi %ne3A, %ne3A_250 : i1
      %sub3A = arith.constant 1 : i32
      %sub3A_251 = arith.subi %div3A, %sub3A : i32
      %select_n3A = arith.select %and3A, %sub3A_251, %div3A : i32
      %jit3A_252 = arith.constant 2 : i32
      %eq3A_253 = arith.constant 0 : i32
      %eq3A_254 = arith.cmpi eq, %jit3A_252, %eq3A_253 : i32
      %jit3A_255 = arith.constant 1 : i32
      %select_n3A_256 = arith.select %eq3A_254, %jit3A_255, %jit3A_252 : i32
      %rem3A_257 = arith.remsi %select_n3A, %select_n3A_256 : i32
      %ne3A_258 = arith.constant 0 : i32
      %ne3A_259 = arith.cmpi ne, %rem3A_257, %ne3A_258 : i32
      %lt3A_260 = arith.constant 0 : i32
      %lt3A_261 = arith.cmpi slt, %rem3A_257, %lt3A_260 : i32
      %lt3A_262 = arith.constant 0 : i32
      %lt3A_263 = arith.cmpi slt, %select_n3A_256, %lt3A_262 : i32
      %ne3A_264 = arith.xori %lt3A_261, %lt3A_263 : i1
      %and3A_265 = arith.andi %ne3A_264, %ne3A_259 : i1
      %add3A_266 = arith.addi %rem3A_257, %select_n3A_256 : i32
      %select_n3A_267 = arith.select %and3A_265, %add3A_266, %rem3A_257 : i32
      %mul3A_268 = arith.constant 2000 : i32
      %mul3A_269 = arith.muli %select_n3A_267, %mul3A_268 : i32
      %jit3A_270 = arith.constant 25 : i32
      %eq3A_271 = arith.constant 0 : i32
      %eq3A_272 = arith.cmpi eq, %jit3A_270, %eq3A_271 : i32
      %jit3A_273 = arith.constant 1 : i32
      %select_n3A_274 = arith.select %eq3A_272, %jit3A_273, %jit3A_270 : i32
      %rem3A_275 = arith.remsi %add3A_225, %select_n3A_274 : i32
      %ne3A_276 = arith.constant 0 : i32
      %ne3A_277 = arith.cmpi ne, %rem3A_275, %ne3A_276 : i32
      %lt3A_278 = arith.constant 0 : i32
      %lt3A_279 = arith.cmpi slt, %rem3A_275, %lt3A_278 : i32
      %lt3A_280 = arith.constant 0 : i32
      %lt3A_281 = arith.cmpi slt, %select_n3A_274, %lt3A_280 : i32
      %ne3A_282 = arith.xori %lt3A_279, %lt3A_281 : i1
      %and3A_283 = arith.andi %ne3A_282, %ne3A_277 : i1
      %add3A_284 = arith.addi %rem3A_275, %select_n3A_274 : i32
      %select_n3A_285 = arith.select %and3A_283, %add3A_284, %rem3A_275 : i32
      %mul3A_286 = arith.constant 80 : i32
      %mul3A_287 = arith.muli %select_n3A_285, %mul3A_286 : i32
      %add3A_288 = arith.addi %mul3A_269, %mul3A_287 : i32
      %dma_wait3A_289 = arith.constant 0 : i32
      %dma_wait3A_290 = arith.constant 0 : i32
      %dma_wait3A_291 = arith.constant 0 : i32
      %dma_wait3A_292 = arith.constant 0 : i32
      %dma_wait3A_293 = tpu.memref_slice %arg10[%dma_wait3A_289, %dma_wait3A_291, %dma_wait3A_292] : memref<4x80x128xf32, #tpu.memory_space<vmem>> -> memref<1x80x128xf32, #tpu.memory_space<vmem>>
      %dma_wait3A_294 = tpu.memref_squeeze %dma_wait3A_293 : memref<1x80x128xf32, #tpu.memory_space<vmem>> -> memref<80x128xf32, #tpu.memory_space<vmem>>
      %dma_wait3A_295 = tpu.memref_slice %arg8[%add3A_288] : memref<4000xi32, #tpu.memory_space<vmem>> -> memref<80xi32, #tpu.memory_space<vmem>>
      %dma_wait3A_296 = arith.constant 0 : i32
      %dma_wait3A_297 = arith.constant 0 : i32
      %dma_wait3A_298 = tpu.memref_slice %arg2[%dma_wait3A_296, %dma_wait3A_297] : memref<10000x128xf32, #tpu.memory_space<hbm>> -> memref<10000x128xf32, #tpu.memory_space<hbm>>
      %dma_wait3A_299 = tpu.memref_slice %arg11[%dma_wait3A_290] : memref<4x!tpu.dma_semaphore, #tpu.memory_space<semaphore_mem>> -> memref<1x!tpu.dma_semaphore, #tpu.memory_space<semaphore_mem>>
      %dma_wait3A_300 = tpu.memref_squeeze %dma_wait3A_299 : memref<1x!tpu.dma_semaphore, #tpu.memory_space<semaphore_mem>> -> memref<!tpu.dma_semaphore, #tpu.memory_space<semaphore_mem>>
      tpu.wait_indirect_dma semaphore(%dma_wait3A_300 : memref<!tpu.dma_semaphore, #tpu.memory_space<semaphore_mem>>) src(%dma_wait3A_298 : memref<10000x128xf32, #tpu.memory_space<hbm>>) dst(%dma_wait3A_294 : memref<80x128xf32, #tpu.memory_space<vmem>>)
      %jit3A_301 = arith.constant 25 : i32
      %div3A_302 = arith.divsi %add3A_225, %jit3A_301 : i32
      %sign3A_303 = arith.constant 0 : i32
      %sign3A_304 = arith.cmpi sgt, %add3A_225, %sign3A_303 : i32
      %sign3A_305 = arith.extui %sign3A_304 : i1 to i32
      %sign3A_306 = arith.constant 0 : i32
      %sign3A_307 = arith.cmpi slt, %add3A_225, %sign3A_306 : i32
      %sign3A_308 = arith.extui %sign3A_307 : i1 to i32
      %sign3A_309 = arith.subi %sign3A_305, %sign3A_308 : i32
      %sign3A_310 = arith.constant 0 : i32
      %sign3A_311 = arith.cmpi sgt, %jit3A_301, %sign3A_310 : i32
      %sign3A_312 = arith.extui %sign3A_311 : i1 to i32
      %sign3A_313 = arith.constant 0 : i32
      %sign3A_314 = arith.cmpi slt, %jit3A_301, %sign3A_313 : i32
      %sign3A_315 = arith.extui %sign3A_314 : i1 to i32
      %sign3A_316 = arith.subi %sign3A_312, %sign3A_315 : i32
      %ne3A_317 = arith.cmpi ne, %sign3A_309, %sign3A_316 : i32
      %rem3A_318 = arith.remsi %add3A_225, %jit3A_301 : i32
      %ne3A_319 = arith.constant 0 : i32
      %ne3A_320 = arith.cmpi ne, %rem3A_318, %ne3A_319 : i32
      %and3A_321 = arith.andi %ne3A_317, %ne3A_320 : i1
      %sub3A_322 = arith.constant 1 : i32
      %sub3A_323 = arith.subi %div3A_302, %sub3A_322 : i32
      %select_n3A_324 = arith.select %and3A_321, %sub3A_323, %div3A_302 : i32
      %jit3A_325 = arith.constant 2 : i32
      %eq3A_326 = arith.constant 0 : i32
      %eq3A_327 = arith.cmpi eq, %jit3A_325, %eq3A_326 : i32
      %jit3A_328 = arith.constant 1 : i32
      %select_n3A_329 = arith.select %eq3A_327, %jit3A_328, %jit3A_325 : i32
      %rem3A_330 = arith.remsi %select_n3A_324, %select_n3A_329 : i32
      %ne3A_331 = arith.constant 0 : i32
      %ne3A_332 = arith.cmpi ne, %rem3A_330, %ne3A_331 : i32
      %lt3A_333 = arith.constant 0 : i32
      %lt3A_334 = arith.cmpi slt, %rem3A_330, %lt3A_333 : i32
      %lt3A_335 = arith.constant 0 : i32
      %lt3A_336 = arith.cmpi slt, %select_n3A_329, %lt3A_335 : i32
      %ne3A_337 = arith.xori %lt3A_334, %lt3A_336 : i1
      %and3A_338 = arith.andi %ne3A_337, %ne3A_332 : i1
      %add3A_339 = arith.addi %rem3A_330, %select_n3A_329 : i32
      %select_n3A_340 = arith.select %and3A_338, %add3A_339, %rem3A_330 : i32
      %mul3A_341 = arith.constant 2000 : i32
      %mul3A_342 = arith.muli %select_n3A_340, %mul3A_341 : i32
      %jit3A_343 = arith.constant 25 : i32
      %eq3A_344 = arith.constant 0 : i32
      %eq3A_345 = arith.cmpi eq, %jit3A_343, %eq3A_344 : i32
      %jit3A_346 = arith.constant 1 : i32
      %select_n3A_347 = arith.select %eq3A_345, %jit3A_346, %jit3A_343 : i32
      %rem3A_348 = arith.remsi %add3A_225, %select_n3A_347 : i32
      %ne3A_349 = arith.constant 0 : i32
      %ne3A_350 = arith.cmpi ne, %rem3A_348, %ne3A_349 : i32
      %lt3A_351 = arith.constant 0 : i32
      %lt3A_352 = arith.cmpi slt, %rem3A_348, %lt3A_351 : i32
      %lt3A_353 = arith.constant 0 : i32
      %lt3A_354 = arith.cmpi slt, %select_n3A_347, %lt3A_353 : i32
      %ne3A_355 = arith.xori %lt3A_352, %lt3A_354 : i1
      %and3A_356 = arith.andi %ne3A_355, %ne3A_350 : i1
      %add3A_357 = arith.addi %rem3A_348, %select_n3A_347 : i32
      %select_n3A_358 = arith.select %and3A_356, %add3A_357, %rem3A_348 : i32
      %mul3A_359 = arith.constant 80 : i32
      %mul3A_360 = arith.muli %select_n3A_358, %mul3A_359 : i32
      %add3A_361 = arith.addi %mul3A_342, %mul3A_360 : i32
      %dma_start3A_362 = arith.constant 0 : i32
      %dma_start3A_363 = arith.constant 0 : i32
      %dma_start3A_364 = arith.constant 0 : i32
      %dma_start3A_365 = arith.constant 0 : i32
      %dma_start3A_366 = tpu.memref_slice %arg10[%dma_start3A_362, %dma_start3A_364, %dma_start3A_365] : memref<4x80x128xf32, #tpu.memory_space<vmem>> -> memref<1x80x128xf32, #tpu.memory_space<vmem>>
      %dma_start3A_367 = tpu.memref_squeeze %dma_start3A_366 : memref<1x80x128xf32, #tpu.memory_space<vmem>> -> memref<80x128xf32, #tpu.memory_space<vmem>>
      %dma_start3A_368 = tpu.memref_slice %arg9[%add3A_361] : memref<4000xi32, #tpu.memory_space<vmem>> -> memref<80xi32, #tpu.memory_space<vmem>>
      %dma_start3A_369 = arith.constant 0 : i32
      %dma_start3A_370 = arith.constant 0 : i32
      %dma_start3A_371 = tpu.memref_slice %arg7[%dma_start3A_369, %dma_start3A_370] : memref<10000x128xf32, #tpu.memory_space<vmem_shared>> -> memref<10000x128xf32, #tpu.memory_space<vmem_shared>>
      %dma_start3A_372 = tpu.memref_slice %arg12[%dma_start3A_363] : memref<4x!tpu.dma_semaphore, #tpu.memory_space<semaphore_mem>> -> memref<1x!tpu.dma_semaphore, #tpu.memory_space<semaphore_mem>>
      %dma_start3A_373 = tpu.memref_squeeze %dma_start3A_372 : memref<1x!tpu.dma_semaphore, #tpu.memory_space<semaphore_mem>> -> memref<!tpu.dma_semaphore, #tpu.memory_space<semaphore_mem>>
      tpu.enqueue_indirect_dma source(%dma_start3A_371 : memref<10000x128xf32, #tpu.memory_space<vmem_shared>>) target(%dma_start3A_367 : memref<80x128xf32, #tpu.memory_space<vmem>>) offsets(%dma_start3A_368 : memref<80xi32, #tpu.memory_space<vmem>>) semaphore(%dma_start3A_373 : memref<!tpu.dma_semaphore, #tpu.memory_space<semaphore_mem>>) {add = true}
      %jit3A_374 = arith.constant 25 : i32
      %div3A_375 = arith.divsi %add3A_225, %jit3A_374 : i32
      %sign3A_376 = arith.constant 0 : i32
      %sign3A_377 = arith.cmpi sgt, %add3A_225, %sign3A_376 : i32
      %sign3A_378 = arith.extui %sign3A_377 : i1 to i32
      %sign3A_379 = arith.constant 0 : i32
      %sign3A_380 = arith.cmpi slt, %add3A_225, %sign3A_379 : i32
      %sign3A_381 = arith.extui %sign3A_380 : i1 to i32
      %sign3A_382 = arith.subi %sign3A_378, %sign3A_381 : i32
      %sign3A_383 = arith.constant 0 : i32
      %sign3A_384 = arith.cmpi sgt, %jit3A_374, %sign3A_383 : i32
      %sign3A_385 = arith.extui %sign3A_384 : i1 to i32
      %sign3A_386 = arith.constant 0 : i32
      %sign3A_387 = arith.cmpi slt, %jit3A_374, %sign3A_386 : i32
      %sign3A_388 = arith.extui %sign3A_387 : i1 to i32
      %sign3A_389 = arith.subi %sign3A_385, %sign3A_388 : i32
      %ne3A_390 = arith.cmpi ne, %sign3A_382, %sign3A_389 : i32
      %rem3A_391 = arith.remsi %add3A_225, %jit3A_374 : i32
      %ne3A_392 = arith.constant 0 : i32
      %ne3A_393 = arith.cmpi ne, %rem3A_391, %ne3A_392 : i32
      %and3A_394 = arith.andi %ne3A_390, %ne3A_393 : i1
      %sub3A_395 = arith.constant 1 : i32
      %sub3A_396 = arith.subi %div3A_375, %sub3A_395 : i32
      %select_n3A_397 = arith.select %and3A_394, %sub3A_396, %div3A_375 : i32
      %jit3A_398 = arith.constant 2 : i32
      %eq3A_399 = arith.constant 0 : i32
      %eq3A_400 = arith.cmpi eq, %jit3A_398, %eq3A_399 : i32
      %jit3A_401 = arith.constant 1 : i32
      %select_n3A_402 = arith.select %eq3A_400, %jit3A_401, %jit3A_398 : i32
      %rem3A_403 = arith.remsi %select_n3A_397, %select_n3A_402 : i32
      %ne3A_404 = arith.constant 0 : i32
      %ne3A_405 = arith.cmpi ne, %rem3A_403, %ne3A_404 : i32
      %lt3A_406 = arith.constant 0 : i32
      %lt3A_407 = arith.cmpi slt, %rem3A_403, %lt3A_406 : i32
      %lt3A_408 = arith.constant 0 : i32
      %lt3A_409 = arith.cmpi slt, %select_n3A_402, %lt3A_408 : i32
      %ne3A_410 = arith.xori %lt3A_407, %lt3A_409 : i1
      %and3A_411 = arith.andi %ne3A_410, %ne3A_405 : i1
      %add3A_412 = arith.addi %rem3A_403, %select_n3A_402 : i32
      %select_n3A_413 = arith.select %and3A_411, %add3A_412, %rem3A_403 : i32
      %mul3A_414 = arith.constant 2000 : i32
      %mul3A_415 = arith.muli %select_n3A_413, %mul3A_414 : i32
      %jit3A_416 = arith.constant 25 : i32
      %eq3A_417 = arith.constant 0 : i32
      %eq3A_418 = arith.cmpi eq, %jit3A_416, %eq3A_417 : i32
      %jit3A_419 = arith.constant 1 : i32
      %select_n3A_420 = arith.select %eq3A_418, %jit3A_419, %jit3A_416 : i32
      %rem3A_421 = arith.remsi %add3A_225, %select_n3A_420 : i32
      %ne3A_422 = arith.constant 0 : i32
      %ne3A_423 = arith.cmpi ne, %rem3A_421, %ne3A_422 : i32
      %lt3A_424 = arith.constant 0 : i32
      %lt3A_425 = arith.cmpi slt, %rem3A_421, %lt3A_424 : i32
      %lt3A_426 = arith.constant 0 : i32
      %lt3A_427 = arith.cmpi slt, %select_n3A_420, %lt3A_426 : i32
      %ne3A_428 = arith.xori %lt3A_425, %lt3A_427 : i1
      %and3A_429 = arith.andi %ne3A_428, %ne3A_423 : i1
      %add3A_430 = arith.addi %rem3A_421, %select_n3A_420 : i32
      %select_n3A_431 = arith.select %and3A_429, %add3A_430, %rem3A_421 : i32
      %mul3A_432 = arith.constant 80 : i32
      %mul3A_433 = arith.muli %select_n3A_431, %mul3A_432 : i32
      %add3A_434 = arith.addi %mul3A_415, %mul3A_433 : i32
      %dma_wait3A_435 = arith.constant 0 : i32
      %dma_wait3A_436 = arith.constant 0 : i32
      %dma_wait3A_437 = arith.constant 0 : i32
      %dma_wait3A_438 = arith.constant 0 : i32
      %dma_wait3A_439 = tpu.memref_slice %arg10[%dma_wait3A_435, %dma_wait3A_437, %dma_wait3A_438] : memref<4x80x128xf32, #tpu.memory_space<vmem>> -> memref<1x80x128xf32, #tpu.memory_space<vmem>>
      %dma_wait3A_440 = tpu.memref_squeeze %dma_wait3A_439 : memref<1x80x128xf32, #tpu.memory_space<vmem>> -> memref<80x128xf32, #tpu.memory_space<vmem>>
      %dma_wait3A_441 = tpu.memref_slice %arg9[%add3A_434] : memref<4000xi32, #tpu.memory_space<vmem>> -> memref<80xi32, #tpu.memory_space<vmem>>
      %dma_wait3A_442 = arith.constant 0 : i32
      %dma_wait3A_443 = arith.constant 0 : i32
      %dma_wait3A_444 = tpu.memref_slice %arg7[%dma_wait3A_442, %dma_wait3A_443] : memref<10000x128xf32, #tpu.memory_space<vmem_shared>> -> memref<10000x128xf32, #tpu.memory_space<vmem_shared>>
      %dma_wait3A_445 = tpu.memref_slice %arg12[%dma_wait3A_436] : memref<4x!tpu.dma_semaphore, #tpu.memory_space<semaphore_mem>> -> memref<1x!tpu.dma_semaphore, #tpu.memory_space<semaphore_mem>>
      %dma_wait3A_446 = tpu.memref_squeeze %dma_wait3A_445 : memref<1x!tpu.dma_semaphore, #tpu.memory_space<semaphore_mem>> -> memref<!tpu.dma_semaphore, #tpu.memory_space<semaphore_mem>>
      tpu.wait_indirect_dma semaphore(%dma_wait3A_446 : memref<!tpu.dma_semaphore, #tpu.memory_space<semaphore_mem>>) src(%dma_wait3A_444 : memref<10000x128xf32, #tpu.memory_space<vmem_shared>>) dst(%dma_wait3A_440 : memref<80x128xf32, #tpu.memory_space<vmem>>)
      %jit3A_447 = arith.constant 25 : i32
      %div3A_448 = arith.divsi %add3A_225, %jit3A_447 : i32
      %sign3A_449 = arith.constant 0 : i32
      %sign3A_450 = arith.cmpi sgt, %add3A_225, %sign3A_449 : i32
      %sign3A_451 = arith.extui %sign3A_450 : i1 to i32
      %sign3A_452 = arith.constant 0 : i32
      %sign3A_453 = arith.cmpi slt, %add3A_225, %sign3A_452 : i32
      %sign3A_454 = arith.extui %sign3A_453 : i1 to i32
      %sign3A_455 = arith.subi %sign3A_451, %sign3A_454 : i32
      %sign3A_456 = arith.constant 0 : i32
      %sign3A_457 = arith.cmpi sgt, %jit3A_447, %sign3A_456 : i32
      %sign3A_458 = arith.extui %sign3A_457 : i1 to i32
      %sign3A_459 = arith.constant 0 : i32
      %sign3A_460 = arith.cmpi slt, %jit3A_447, %sign3A_459 : i32
      %sign3A_461 = arith.extui %sign3A_460 : i1 to i32
      %sign3A_462 = arith.subi %sign3A_458, %sign3A_461 : i32
      %ne3A_463 = arith.cmpi ne, %sign3A_455, %sign3A_462 : i32
      %rem3A_464 = arith.remsi %add3A_225, %jit3A_447 : i32
      %ne3A_465 = arith.constant 0 : i32
      %ne3A_466 = arith.cmpi ne, %rem3A_464, %ne3A_465 : i32
      %and3A_467 = arith.andi %ne3A_463, %ne3A_466 : i1
      %sub3A_468 = arith.constant 1 : i32
      %sub3A_469 = arith.subi %div3A_448, %sub3A_468 : i32
      %select_n3A_470 = arith.select %and3A_467, %sub3A_469, %div3A_448 : i32
      %add3A_471 = arith.constant 2 : i32
      %add3A_472 = arith.addi %select_n3A_470, %add3A_471 : i32
      %jit3A_473 = arith.constant 25 : i32
      %eq3A_474 = arith.constant 0 : i32
      %eq3A_475 = arith.cmpi eq, %jit3A_473, %eq3A_474 : i32
      %jit3A_476 = arith.constant 1 : i32
      %select_n3A_477 = arith.select %eq3A_475, %jit3A_476, %jit3A_473 : i32
      %rem3A_478 = arith.remsi %add3A_225, %select_n3A_477 : i32
      %ne3A_479 = arith.constant 0 : i32
      %ne3A_480 = arith.cmpi ne, %rem3A_478, %ne3A_479 : i32
      %lt3A_481 = arith.constant 0 : i32
      %lt3A_482 = arith.cmpi slt, %rem3A_478, %lt3A_481 : i32
      %lt3A_483 = arith.constant 0 : i32
      %lt3A_484 = arith.cmpi slt, %select_n3A_477, %lt3A_483 : i32
      %ne3A_485 = arith.xori %lt3A_482, %lt3A_484 : i1
      %and3A_486 = arith.andi %ne3A_485, %ne3A_480 : i1
      %add3A_487 = arith.addi %rem3A_478, %select_n3A_477 : i32
      %select_n3A_488 = arith.select %and3A_486, %add3A_487, %rem3A_478 : i32
      %eq3A_489 = arith.constant 24 : i32
      %eq3A_490 = arith.cmpi eq, %select_n3A_488, %eq3A_489 : i32
      %lt3A_491 = arith.constant 5 : i32
      %lt3A_492 = arith.cmpi slt, %add3A_472, %lt3A_491 : i32
      %and3A_493 = arith.andi %eq3A_490, %lt3A_492 : i1
      %convert_element_type3A_494 = arith.extui %and3A_493 : i1 to i32
      %cond3A_495 = arith.constant 0 : i32
      %cond3A_496 = arith.cmpi ne, %convert_element_type3A_494, %cond3A_495 : i32
      scf.if %cond3A_496 {
        %jit3A_1476 = arith.constant 2 : i32
        %eq3A_1477 = arith.constant 0 : i32
        %eq3A_1478 = arith.cmpi eq, %jit3A_1476, %eq3A_1477 : i32
        %jit3A_1479 = arith.constant 1 : i32
        %select_n3A_1480 = arith.select %eq3A_1478, %jit3A_1479, %jit3A_1476 : i32
        %rem3A_1481 = arith.remsi %add3A_472, %select_n3A_1480 : i32
        %ne3A_1482 = arith.constant 0 : i32
        %ne3A_1483 = arith.cmpi ne, %rem3A_1481, %ne3A_1482 : i32
        %lt3A_1484 = arith.constant 0 : i32
        %lt3A_1485 = arith.cmpi slt, %rem3A_1481, %lt3A_1484 : i32
        %lt3A_1486 = arith.constant 0 : i32
        %lt3A_1487 = arith.cmpi slt, %select_n3A_1480, %lt3A_1486 : i32
        %ne3A_1488 = arith.xori %lt3A_1485, %lt3A_1487 : i1
        %and3A_1489 = arith.andi %ne3A_1488, %ne3A_1483 : i1
        %add3A_1490 = arith.addi %rem3A_1481, %select_n3A_1480 : i32
        %select_n3A_1491 = arith.select %and3A_1489, %add3A_1490, %rem3A_1481 : i32
        %mul3A_1492 = arith.constant 2000 : i32
        %mul3A_1493 = arith.muli %add3A_472, %mul3A_1492 : i32
        %add3A_1494 = arith.addi %mul3A_2, %mul3A_1493 : i32
        %mul3A_1495 = arith.constant 2000 : i32
        %mul3A_1496 = arith.muli %select_n3A_1491, %mul3A_1495 : i32
        %dma_start3A_1497 = tpu.memref_slice %arg8[%mul3A_1496] : memref<4000xi32, #tpu.memory_space<vmem>> -> memref<2000xi32, #tpu.memory_space<vmem>>
        %dma_start3A_1498 = tpu.memref_slice %arg4[%add3A_1494] : memref<320000xi32, #tpu.memory_space<hbm>> -> memref<2000xi32, #tpu.memory_space<hbm>>
        %dma_start3A_1499 = tpu.memref_slice %arg14[%select_n3A_1491] : memref<2x!tpu.dma_semaphore, #tpu.memory_space<semaphore_mem>> -> memref<1x!tpu.dma_semaphore, #tpu.memory_space<semaphore_mem>>
        %dma_start3A_1500 = tpu.memref_squeeze %dma_start3A_1499 : memref<1x!tpu.dma_semaphore, #tpu.memory_space<semaphore_mem>> -> memref<!tpu.dma_semaphore, #tpu.memory_space<semaphore_mem>>
        %dma_start3A_1501 = tpu.memref_slice %arg8[%mul3A_1496] : memref<4000xi32, #tpu.memory_space<vmem>> -> memref<2000xi32, #tpu.memory_space<vmem>>
        %dma_start3A_1502 = tpu.memref_slice %arg4[%add3A_1494] : memref<320000xi32, #tpu.memory_space<hbm>> -> memref<2000xi32, #tpu.memory_space<hbm>>
        tpu.enqueue_dma source(%dma_start3A_1502 : memref<2000xi32, #tpu.memory_space<hbm>>) target(%dma_start3A_1501 : memref<2000xi32, #tpu.memory_space<vmem>>) target_semaphore(%dma_start3A_1500 : memref<!tpu.dma_semaphore, #tpu.memory_space<semaphore_mem>>)
        %dma_start3A_1503 = tpu.memref_slice %arg9[%mul3A_1496] : memref<4000xi32, #tpu.memory_space<vmem>> -> memref<2000xi32, #tpu.memory_space<vmem>>
        %dma_start3A_1504 = tpu.memref_slice %arg5[%add3A_1494] : memref<320000xi32, #tpu.memory_space<hbm>> -> memref<2000xi32, #tpu.memory_space<hbm>>
        %dma_start3A_1505 = tpu.memref_slice %arg14[%select_n3A_1491] : memref<2x!tpu.dma_semaphore, #tpu.memory_space<semaphore_mem>> -> memref<1x!tpu.dma_semaphore, #tpu.memory_space<semaphore_mem>>
        %dma_start3A_1506 = tpu.memref_squeeze %dma_start3A_1505 : memref<1x!tpu.dma_semaphore, #tpu.memory_space<semaphore_mem>> -> memref<!tpu.dma_semaphore, #tpu.memory_space<semaphore_mem>>
        %dma_start3A_1507 = tpu.memref_slice %arg9[%mul3A_1496] : memref<4000xi32, #tpu.memory_space<vmem>> -> memref<2000xi32, #tpu.memory_space<vmem>>
        %dma_start3A_1508 = tpu.memref_slice %arg5[%add3A_1494] : memref<320000xi32, #tpu.memory_space<hbm>> -> memref<2000xi32, #tpu.memory_space<hbm>>
        tpu.enqueue_dma source(%dma_start3A_1508 : memref<2000xi32, #tpu.memory_space<hbm>>) target(%dma_start3A_1507 : memref<2000xi32, #tpu.memory_space<vmem>>) target_semaphore(%dma_start3A_1506 : memref<!tpu.dma_semaphore, #tpu.memory_space<semaphore_mem>>)
      } else {
      }
      %mul3A_497 = arith.constant 80 : i32
      %mul3A_498 = arith.muli %add3A_225, %mul3A_497 : i32
      %add3A_499 = arith.addi %mul3A_2, %mul3A_498 : i32
      %dma_start3A_500 = arith.constant 0 : i32
      %dma_start3A_501 = arith.constant 0 : i32
      %dma_start3A_502 = arith.constant 0 : i32
      %dma_start3A_503 = arith.constant 0 : i32
      %dma_start3A_504 = tpu.memref_slice %arg10[%dma_start3A_500, %dma_start3A_502, %dma_start3A_503] : memref<4x80x128xf32, #tpu.memory_space<vmem>> -> memref<1x80x128xf32, #tpu.memory_space<vmem>>
      %dma_start3A_505 = tpu.memref_squeeze %dma_start3A_504 : memref<1x80x128xf32, #tpu.memory_space<vmem>> -> memref<80x128xf32, #tpu.memory_space<vmem>>
      %dma_start3A_506 = arith.constant 0 : i32
      %dma_start3A_507 = tpu.memref_slice %arg6[%add3A_499, %dma_start3A_506] : memref<320000x128xf32, #tpu.memory_space<hbm>> -> memref<80x128xf32, #tpu.memory_space<hbm>>
      %dma_start3A_508 = tpu.memref_slice %arg13[%dma_start3A_501] : memref<4x!tpu.dma_semaphore, #tpu.memory_space<semaphore_mem>> -> memref<1x!tpu.dma_semaphore, #tpu.memory_space<semaphore_mem>>
      %dma_start3A_509 = tpu.memref_squeeze %dma_start3A_508 : memref<1x!tpu.dma_semaphore, #tpu.memory_space<semaphore_mem>> -> memref<!tpu.dma_semaphore, #tpu.memory_space<semaphore_mem>>
      %dma_start3A_510 = arith.constant 0 : i32
      %dma_start3A_511 = tpu.memref_slice %arg6[%add3A_499, %dma_start3A_510] : memref<320000x128xf32, #tpu.memory_space<hbm>> -> memref<80x128xf32, #tpu.memory_space<hbm>>
      %dma_start3A_512 = arith.constant 0 : i32
      %dma_start3A_513 = arith.constant 0 : i32
      %dma_start3A_514 = tpu.memref_slice %arg10[%dma_start3A_500, %dma_start3A_512, %dma_start3A_513] : memref<4x80x128xf32, #tpu.memory_space<vmem>> -> memref<1x80x128xf32, #tpu.memory_space<vmem>>
      %dma_start3A_515 = tpu.memref_squeeze %dma_start3A_514 : memref<1x80x128xf32, #tpu.memory_space<vmem>> -> memref<80x128xf32, #tpu.memory_space<vmem>>
      tpu.enqueue_dma source(%dma_start3A_515 : memref<80x128xf32, #tpu.memory_space<vmem>>) target(%dma_start3A_511 : memref<80x128xf32, #tpu.memory_space<hbm>>) target_semaphore(%dma_start3A_509 : memref<!tpu.dma_semaphore, #tpu.memory_space<semaphore_mem>>)
      %mul3A_516 = arith.constant 4 : i32
      %mul3A_517 = arith.muli %scan3A_221, %mul3A_516 : i32
      %add3A_518 = arith.constant 1 : i32
      %add3A_519 = arith.addi %mul3A_517, %add3A_518 : i32
      %sub3A_520 = arith.constant 1 : i32
      %sub3A_521 = arith.subi %add3A_519, %sub3A_520 : i32
      %mul3A_522 = arith.constant 80 : i32
      %mul3A_523 = arith.muli %sub3A_521, %mul3A_522 : i32
      %add3A_524 = arith.addi %mul3A_2, %mul3A_523 : i32
      %dma_wait3A_525 = arith.constant 0 : i32
      %dma_wait3A_526 = arith.constant 0 : i32
      %dma_wait3A_527 = arith.constant 0 : i32
      %dma_wait3A_528 = arith.constant 0 : i32
      %dma_wait3A_529 = tpu.memref_slice %arg10[%dma_wait3A_525, %dma_wait3A_527, %dma_wait3A_528] : memref<4x80x128xf32, #tpu.memory_space<vmem>> -> memref<1x80x128xf32, #tpu.memory_space<vmem>>
      %dma_wait3A_530 = tpu.memref_squeeze %dma_wait3A_529 : memref<1x80x128xf32, #tpu.memory_space<vmem>> -> memref<80x128xf32, #tpu.memory_space<vmem>>
      %dma_wait3A_531 = arith.constant 0 : i32
      %dma_wait3A_532 = tpu.memref_slice %arg6[%add3A_524, %dma_wait3A_531] : memref<320000x128xf32, #tpu.memory_space<hbm>> -> memref<80x128xf32, #tpu.memory_space<hbm>>
      %dma_wait3A_533 = tpu.memref_slice %arg13[%dma_wait3A_526] : memref<4x!tpu.dma_semaphore, #tpu.memory_space<semaphore_mem>> -> memref<1x!tpu.dma_semaphore, #tpu.memory_space<semaphore_mem>>
      %dma_wait3A_534 = tpu.memref_squeeze %dma_wait3A_533 : memref<1x!tpu.dma_semaphore, #tpu.memory_space<semaphore_mem>> -> memref<!tpu.dma_semaphore, #tpu.memory_space<semaphore_mem>>
      %dma_wait3A_535 = arith.constant 0 : i32
      %dma_wait3A_536 = tpu.memref_slice %arg6[%add3A_524, %dma_wait3A_535] : memref<320000x128xf32, #tpu.memory_space<hbm>> -> memref<80x128xf32, #tpu.memory_space<hbm>>
      %dma_wait3A_537 = arith.constant 0 : i32
      %dma_wait3A_538 = arith.constant 0 : i32
      %dma_wait3A_539 = tpu.memref_slice %arg10[%dma_wait3A_525, %dma_wait3A_537, %dma_wait3A_538] : memref<4x80x128xf32, #tpu.memory_space<vmem>> -> memref<1x80x128xf32, #tpu.memory_space<vmem>>
      %dma_wait3A_540 = tpu.memref_squeeze %dma_wait3A_539 : memref<1x80x128xf32, #tpu.memory_space<vmem>> -> memref<80x128xf32, #tpu.memory_space<vmem>>
      tpu.wait_dma2 semaphore(%dma_wait3A_534 : memref<!tpu.dma_semaphore, #tpu.memory_space<semaphore_mem>>) src(%dma_wait3A_540 : memref<80x128xf32, #tpu.memory_space<vmem>>) dst(%dma_wait3A_536 : memref<80x128xf32, #tpu.memory_space<hbm>>)
      %add3A_541 = arith.constant 3 : i32
      %add3A_542 = arith.addi %add3A_519, %add3A_541 : i32
      %lt3A_543 = arith.constant 125 : i32
      %lt3A_544 = arith.cmpi slt, %add3A_542, %lt3A_543 : i32
      %convert_element_type3A_545 = arith.extui %lt3A_544 : i1 to i32
      %cond3A_546 = arith.constant 0 : i32
      %cond3A_547 = arith.cmpi ne, %convert_element_type3A_545, %cond3A_546 : i32
      scf.if %cond3A_547 {
        %add3A_1476 = arith.constant 3 : i32
        %add3A_1477 = arith.addi %add3A_519, %add3A_1476 : i32
        %jit3A_1478 = arith.constant 25 : i32
        %eq3A_1479 = arith.constant 0 : i32
        %eq3A_1480 = arith.cmpi eq, %jit3A_1478, %eq3A_1479 : i32
        %jit3A_1481 = arith.constant 1 : i32
        %select_n3A_1482 = arith.select %eq3A_1480, %jit3A_1481, %jit3A_1478 : i32
        %rem3A_1483 = arith.remsi %add3A_1477, %select_n3A_1482 : i32
        %ne3A_1484 = arith.constant 0 : i32
        %ne3A_1485 = arith.cmpi ne, %rem3A_1483, %ne3A_1484 : i32
        %lt3A_1486 = arith.constant 0 : i32
        %lt3A_1487 = arith.cmpi slt, %rem3A_1483, %lt3A_1486 : i32
        %lt3A_1488 = arith.constant 0 : i32
        %lt3A_1489 = arith.cmpi slt, %select_n3A_1482, %lt3A_1488 : i32
        %ne3A_1490 = arith.xori %lt3A_1487, %lt3A_1489 : i1
        %and3A_1491 = arith.andi %ne3A_1490, %ne3A_1485 : i1
        %add3A_1492 = arith.addi %rem3A_1483, %select_n3A_1482 : i32
        %select_n3A_1493 = arith.select %and3A_1491, %add3A_1492, %rem3A_1483 : i32
        %eq3A_1494 = arith.constant 0 : i32
        %eq3A_1495 = arith.cmpi eq, %select_n3A_1493, %eq3A_1494 : i32
        %convert_element_type3A_1496 = arith.extui %eq3A_1495 : i1 to i32
        %cond3A_1497 = arith.constant 0 : i32
        %cond3A_1498 = arith.cmpi ne, %convert_element_type3A_1496, %cond3A_1497 : i32
        scf.if %cond3A_1498 {
          %jit3A_1572 = arith.constant 25 : i32
          %div3A_1573 = arith.divsi %add3A_1477, %jit3A_1572 : i32
          %sign3A_1574 = arith.constant 0 : i32
          %sign3A_1575 = arith.cmpi sgt, %add3A_1477, %sign3A_1574 : i32
          %sign3A_1576 = arith.extui %sign3A_1575 : i1 to i32
          %sign3A_1577 = arith.constant 0 : i32
          %sign3A_1578 = arith.cmpi slt, %add3A_1477, %sign3A_1577 : i32
          %sign3A_1579 = arith.extui %sign3A_1578 : i1 to i32
          %sign3A_1580 = arith.subi %sign3A_1576, %sign3A_1579 : i32
          %sign3A_1581 = arith.constant 0 : i32
          %sign3A_1582 = arith.cmpi sgt, %jit3A_1572, %sign3A_1581 : i32
          %sign3A_1583 = arith.extui %sign3A_1582 : i1 to i32
          %sign3A_1584 = arith.constant 0 : i32
          %sign3A_1585 = arith.cmpi slt, %jit3A_1572, %sign3A_1584 : i32
          %sign3A_1586 = arith.extui %sign3A_1585 : i1 to i32
          %sign3A_1587 = arith.subi %sign3A_1583, %sign3A_1586 : i32
          %ne3A_1588 = arith.cmpi ne, %sign3A_1580, %sign3A_1587 : i32
          %rem3A_1589 = arith.remsi %add3A_1477, %jit3A_1572 : i32
          %ne3A_1590 = arith.constant 0 : i32
          %ne3A_1591 = arith.cmpi ne, %rem3A_1589, %ne3A_1590 : i32
          %and3A_1592 = arith.andi %ne3A_1588, %ne3A_1591 : i1
          %sub3A_1593 = arith.constant 1 : i32
          %sub3A_1594 = arith.subi %div3A_1573, %sub3A_1593 : i32
          %select_n3A_1595 = arith.select %and3A_1592, %sub3A_1594, %div3A_1573 : i32
          %jit3A_1596 = arith.constant 25 : i32
          %div3A_1597 = arith.divsi %add3A_1477, %jit3A_1596 : i32
          %sign3A_1598 = arith.constant 0 : i32
          %sign3A_1599 = arith.cmpi sgt, %add3A_1477, %sign3A_1598 : i32
          %sign3A_1600 = arith.extui %sign3A_1599 : i1 to i32
          %sign3A_1601 = arith.constant 0 : i32
          %sign3A_1602 = arith.cmpi slt, %add3A_1477, %sign3A_1601 : i32
          %sign3A_1603 = arith.extui %sign3A_1602 : i1 to i32
          %sign3A_1604 = arith.subi %sign3A_1600, %sign3A_1603 : i32
          %sign3A_1605 = arith.constant 0 : i32
          %sign3A_1606 = arith.cmpi sgt, %jit3A_1596, %sign3A_1605 : i32
          %sign3A_1607 = arith.extui %sign3A_1606 : i1 to i32
          %sign3A_1608 = arith.constant 0 : i32
          %sign3A_1609 = arith.cmpi slt, %jit3A_1596, %sign3A_1608 : i32
          %sign3A_1610 = arith.extui %sign3A_1609 : i1 to i32
          %sign3A_1611 = arith.subi %sign3A_1607, %sign3A_1610 : i32
          %ne3A_1612 = arith.cmpi ne, %sign3A_1604, %sign3A_1611 : i32
          %rem3A_1613 = arith.remsi %add3A_1477, %jit3A_1596 : i32
          %ne3A_1614 = arith.constant 0 : i32
          %ne3A_1615 = arith.cmpi ne, %rem3A_1613, %ne3A_1614 : i32
          %and3A_1616 = arith.andi %ne3A_1612, %ne3A_1615 : i1
          %sub3A_1617 = arith.constant 1 : i32
          %sub3A_1618 = arith.subi %div3A_1597, %sub3A_1617 : i32
          %select_n3A_1619 = arith.select %and3A_1616, %sub3A_1618, %div3A_1597 : i32
          %jit3A_1620 = arith.constant 2 : i32
          %eq3A_1621 = arith.constant 0 : i32
          %eq3A_1622 = arith.cmpi eq, %jit3A_1620, %eq3A_1621 : i32
          %jit3A_1623 = arith.constant 1 : i32
          %select_n3A_1624 = arith.select %eq3A_1622, %jit3A_1623, %jit3A_1620 : i32
          %rem3A_1625 = arith.remsi %select_n3A_1619, %select_n3A_1624 : i32
          %ne3A_1626 = arith.constant 0 : i32
          %ne3A_1627 = arith.cmpi ne, %rem3A_1625, %ne3A_1626 : i32
          %lt3A_1628 = arith.constant 0 : i32
          %lt3A_1629 = arith.cmpi slt, %rem3A_1625, %lt3A_1628 : i32
          %lt3A_1630 = arith.constant 0 : i32
          %lt3A_1631 = arith.cmpi slt, %select_n3A_1624, %lt3A_1630 : i32
          %ne3A_1632 = arith.xori %lt3A_1629, %lt3A_1631 : i1
          %and3A_1633 = arith.andi %ne3A_1632, %ne3A_1627 : i1
          %add3A_1634 = arith.addi %rem3A_1625, %select_n3A_1624 : i32
          %select_n3A_1635 = arith.select %and3A_1633, %add3A_1634, %rem3A_1625 : i32
          %mul3A_1636 = arith.constant 2000 : i32
          %mul3A_1637 = arith.muli %select_n3A_1595, %mul3A_1636 : i32
          %add3A_1638 = arith.addi %mul3A_2, %mul3A_1637 : i32
          %mul3A_1639 = arith.constant 2000 : i32
          %mul3A_1640 = arith.muli %select_n3A_1635, %mul3A_1639 : i32
          %dma_wait3A_1641 = tpu.memref_slice %arg8[%mul3A_1640] : memref<4000xi32, #tpu.memory_space<vmem>> -> memref<2000xi32, #tpu.memory_space<vmem>>
          %dma_wait3A_1642 = tpu.memref_slice %arg4[%add3A_1638] : memref<320000xi32, #tpu.memory_space<hbm>> -> memref<2000xi32, #tpu.memory_space<hbm>>
          %dma_wait3A_1643 = tpu.memref_slice %arg14[%select_n3A_1635] : memref<2x!tpu.dma_semaphore, #tpu.memory_space<semaphore_mem>> -> memref<1x!tpu.dma_semaphore, #tpu.memory_space<semaphore_mem>>
          %dma_wait3A_1644 = tpu.memref_squeeze %dma_wait3A_1643 : memref<1x!tpu.dma_semaphore, #tpu.memory_space<semaphore_mem>> -> memref<!tpu.dma_semaphore, #tpu.memory_space<semaphore_mem>>
          %dma_wait3A_1645 = tpu.memref_slice %arg8[%mul3A_1640] : memref<4000xi32, #tpu.memory_space<vmem>> -> memref<2000xi32, #tpu.memory_space<vmem>>
          %dma_wait3A_1646 = tpu.memref_slice %arg4[%add3A_1638] : memref<320000xi32, #tpu.memory_space<hbm>> -> memref<2000xi32, #tpu.memory_space<hbm>>
          tpu.wait_dma2 semaphore(%dma_wait3A_1644 : memref<!tpu.dma_semaphore, #tpu.memory_space<semaphore_mem>>) src(%dma_wait3A_1646 : memref<2000xi32, #tpu.memory_space<hbm>>) dst(%dma_wait3A_1645 : memref<2000xi32, #tpu.memory_space<vmem>>)
          %dma_wait3A_1647 = tpu.memref_slice %arg9[%mul3A_1640] : memref<4000xi32, #tpu.memory_space<vmem>> -> memref<2000xi32, #tpu.memory_space<vmem>>
          %dma_wait3A_1648 = tpu.memref_slice %arg5[%add3A_1638] : memref<320000xi32, #tpu.memory_space<hbm>> -> memref<2000xi32, #tpu.memory_space<hbm>>
          %dma_wait3A_1649 = tpu.memref_slice %arg14[%select_n3A_1635] : memref<2x!tpu.dma_semaphore, #tpu.memory_space<semaphore_mem>> -> memref<1x!tpu.dma_semaphore, #tpu.memory_space<semaphore_mem>>
          %dma_wait3A_1650 = tpu.memref_squeeze %dma_wait3A_1649 : memref<1x!tpu.dma_semaphore, #tpu.memory_space<semaphore_mem>> -> memref<!tpu.dma_semaphore, #tpu.memory_space<semaphore_mem>>
          %dma_wait3A_1651 = tpu.memref_slice %arg9[%mul3A_1640] : memref<4000xi32, #tpu.memory_space<vmem>> -> memref<2000xi32, #tpu.memory_space<vmem>>
          %dma_wait3A_1652 = tpu.memref_slice %arg5[%add3A_1638] : memref<320000xi32, #tpu.memory_space<hbm>> -> memref<2000xi32, #tpu.memory_space<hbm>>
          tpu.wait_dma2 semaphore(%dma_wait3A_1650 : memref<!tpu.dma_semaphore, #tpu.memory_space<semaphore_mem>>) src(%dma_wait3A_1652 : memref<2000xi32, #tpu.memory_space<hbm>>) dst(%dma_wait3A_1651 : memref<2000xi32, #tpu.memory_space<vmem>>)
        } else {
        }
        %jit3A_1499 = arith.constant 25 : i32
        %div3A_1500 = arith.divsi %add3A_1477, %jit3A_1499 : i32
        %sign3A_1501 = arith.constant 0 : i32
        %sign3A_1502 = arith.cmpi sgt, %add3A_1477, %sign3A_1501 : i32
        %sign3A_1503 = arith.extui %sign3A_1502 : i1 to i32
        %sign3A_1504 = arith.constant 0 : i32
        %sign3A_1505 = arith.cmpi slt, %add3A_1477, %sign3A_1504 : i32
        %sign3A_1506 = arith.extui %sign3A_1505 : i1 to i32
        %sign3A_1507 = arith.subi %sign3A_1503, %sign3A_1506 : i32
        %sign3A_1508 = arith.constant 0 : i32
        %sign3A_1509 = arith.cmpi sgt, %jit3A_1499, %sign3A_1508 : i32
        %sign3A_1510 = arith.extui %sign3A_1509 : i1 to i32
        %sign3A_1511 = arith.constant 0 : i32
        %sign3A_1512 = arith.cmpi slt, %jit3A_1499, %sign3A_1511 : i32
        %sign3A_1513 = arith.extui %sign3A_1512 : i1 to i32
        %sign3A_1514 = arith.subi %sign3A_1510, %sign3A_1513 : i32
        %ne3A_1515 = arith.cmpi ne, %sign3A_1507, %sign3A_1514 : i32
        %rem3A_1516 = arith.remsi %add3A_1477, %jit3A_1499 : i32
        %ne3A_1517 = arith.constant 0 : i32
        %ne3A_1518 = arith.cmpi ne, %rem3A_1516, %ne3A_1517 : i32
        %and3A_1519 = arith.andi %ne3A_1515, %ne3A_1518 : i1
        %sub3A_1520 = arith.constant 1 : i32
        %sub3A_1521 = arith.subi %div3A_1500, %sub3A_1520 : i32
        %select_n3A_1522 = arith.select %and3A_1519, %sub3A_1521, %div3A_1500 : i32
        %jit3A_1523 = arith.constant 2 : i32
        %eq3A_1524 = arith.constant 0 : i32
        %eq3A_1525 = arith.cmpi eq, %jit3A_1523, %eq3A_1524 : i32
        %jit3A_1526 = arith.constant 1 : i32
        %select_n3A_1527 = arith.select %eq3A_1525, %jit3A_1526, %jit3A_1523 : i32
        %rem3A_1528 = arith.remsi %select_n3A_1522, %select_n3A_1527 : i32
        %ne3A_1529 = arith.constant 0 : i32
        %ne3A_1530 = arith.cmpi ne, %rem3A_1528, %ne3A_1529 : i32
        %lt3A_1531 = arith.constant 0 : i32
        %lt3A_1532 = arith.cmpi slt, %rem3A_1528, %lt3A_1531 : i32
        %lt3A_1533 = arith.constant 0 : i32
        %lt3A_1534 = arith.cmpi slt, %select_n3A_1527, %lt3A_1533 : i32
        %ne3A_1535 = arith.xori %lt3A_1532, %lt3A_1534 : i1
        %and3A_1536 = arith.andi %ne3A_1535, %ne3A_1530 : i1
        %add3A_1537 = arith.addi %rem3A_1528, %select_n3A_1527 : i32
        %select_n3A_1538 = arith.select %and3A_1536, %add3A_1537, %rem3A_1528 : i32
        %mul3A_1539 = arith.constant 2000 : i32
        %mul3A_1540 = arith.muli %select_n3A_1538, %mul3A_1539 : i32
        %jit3A_1541 = arith.constant 25 : i32
        %eq3A_1542 = arith.constant 0 : i32
        %eq3A_1543 = arith.cmpi eq, %jit3A_1541, %eq3A_1542 : i32
        %jit3A_1544 = arith.constant 1 : i32
        %select_n3A_1545 = arith.select %eq3A_1543, %jit3A_1544, %jit3A_1541 : i32
        %rem3A_1546 = arith.remsi %add3A_1477, %select_n3A_1545 : i32
        %ne3A_1547 = arith.constant 0 : i32
        %ne3A_1548 = arith.cmpi ne, %rem3A_1546, %ne3A_1547 : i32
        %lt3A_1549 = arith.constant 0 : i32
        %lt3A_1550 = arith.cmpi slt, %rem3A_1546, %lt3A_1549 : i32
        %lt3A_1551 = arith.constant 0 : i32
        %lt3A_1552 = arith.cmpi slt, %select_n3A_1545, %lt3A_1551 : i32
        %ne3A_1553 = arith.xori %lt3A_1550, %lt3A_1552 : i1
        %and3A_1554 = arith.andi %ne3A_1553, %ne3A_1548 : i1
        %add3A_1555 = arith.addi %rem3A_1546, %select_n3A_1545 : i32
        %select_n3A_1556 = arith.select %and3A_1554, %add3A_1555, %rem3A_1546 : i32
        %mul3A_1557 = arith.constant 80 : i32
        %mul3A_1558 = arith.muli %select_n3A_1556, %mul3A_1557 : i32
        %add3A_1559 = arith.addi %mul3A_1540, %mul3A_1558 : i32
        %dma_start3A_1560 = arith.constant 0 : i32
        %dma_start3A_1561 = arith.constant 0 : i32
        %dma_start3A_1562 = arith.constant 0 : i32
        %dma_start3A_1563 = arith.constant 0 : i32
        %dma_start3A_1564 = tpu.memref_slice %arg10[%dma_start3A_1560, %dma_start3A_1562, %dma_start3A_1563] : memref<4x80x128xf32, #tpu.memory_space<vmem>> -> memref<1x80x128xf32, #tpu.memory_space<vmem>>
        %dma_start3A_1565 = tpu.memref_squeeze %dma_start3A_1564 : memref<1x80x128xf32, #tpu.memory_space<vmem>> -> memref<80x128xf32, #tpu.memory_space<vmem>>
        %dma_start3A_1566 = tpu.memref_slice %arg8[%add3A_1559] : memref<4000xi32, #tpu.memory_space<vmem>> -> memref<80xi32, #tpu.memory_space<vmem>>
        %dma_start3A_1567 = arith.constant 0 : i32
        %dma_start3A_1568 = arith.constant 0 : i32
        %dma_start3A_1569 = tpu.memref_slice %arg2[%dma_start3A_1567, %dma_start3A_1568] : memref<10000x128xf32, #tpu.memory_space<hbm>> -> memref<10000x128xf32, #tpu.memory_space<hbm>>
        %dma_start3A_1570 = tpu.memref_slice %arg11[%dma_start3A_1561] : memref<4x!tpu.dma_semaphore, #tpu.memory_space<semaphore_mem>> -> memref<1x!tpu.dma_semaphore, #tpu.memory_space<semaphore_mem>>
        %dma_start3A_1571 = tpu.memref_squeeze %dma_start3A_1570 : memref<1x!tpu.dma_semaphore, #tpu.memory_space<semaphore_mem>> -> memref<!tpu.dma_semaphore, #tpu.memory_space<semaphore_mem>>
        tpu.enqueue_indirect_dma source(%dma_start3A_1569 : memref<10000x128xf32, #tpu.memory_space<hbm>>) target(%dma_start3A_1565 : memref<80x128xf32, #tpu.memory_space<vmem>>) offsets(%dma_start3A_1566 : memref<80xi32, #tpu.memory_space<vmem>>) semaphore(%dma_start3A_1571 : memref<!tpu.dma_semaphore, #tpu.memory_space<semaphore_mem>>)
      } else {
      }
      %jit3A_548 = arith.constant 25 : i32
      %div3A_549 = arith.divsi %add3A_519, %jit3A_548 : i32
      %sign3A_550 = arith.constant 0 : i32
      %sign3A_551 = arith.cmpi sgt, %add3A_519, %sign3A_550 : i32
      %sign3A_552 = arith.extui %sign3A_551 : i1 to i32
      %sign3A_553 = arith.constant 0 : i32
      %sign3A_554 = arith.cmpi slt, %add3A_519, %sign3A_553 : i32
      %sign3A_555 = arith.extui %sign3A_554 : i1 to i32
      %sign3A_556 = arith.subi %sign3A_552, %sign3A_555 : i32
      %sign3A_557 = arith.constant 0 : i32
      %sign3A_558 = arith.cmpi sgt, %jit3A_548, %sign3A_557 : i32
      %sign3A_559 = arith.extui %sign3A_558 : i1 to i32
      %sign3A_560 = arith.constant 0 : i32
      %sign3A_561 = arith.cmpi slt, %jit3A_548, %sign3A_560 : i32
      %sign3A_562 = arith.extui %sign3A_561 : i1 to i32
      %sign3A_563 = arith.subi %sign3A_559, %sign3A_562 : i32
      %ne3A_564 = arith.cmpi ne, %sign3A_556, %sign3A_563 : i32
      %rem3A_565 = arith.remsi %add3A_519, %jit3A_548 : i32
      %ne3A_566 = arith.constant 0 : i32
      %ne3A_567 = arith.cmpi ne, %rem3A_565, %ne3A_566 : i32
      %and3A_568 = arith.andi %ne3A_564, %ne3A_567 : i1
      %sub3A_569 = arith.constant 1 : i32
      %sub3A_570 = arith.subi %div3A_549, %sub3A_569 : i32
      %select_n3A_571 = arith.select %and3A_568, %sub3A_570, %div3A_549 : i32
      %jit3A_572 = arith.constant 2 : i32
      %eq3A_573 = arith.constant 0 : i32
      %eq3A_574 = arith.cmpi eq, %jit3A_572, %eq3A_573 : i32
      %jit3A_575 = arith.constant 1 : i32
      %select_n3A_576 = arith.select %eq3A_574, %jit3A_575, %jit3A_572 : i32
      %rem3A_577 = arith.remsi %select_n3A_571, %select_n3A_576 : i32
      %ne3A_578 = arith.constant 0 : i32
      %ne3A_579 = arith.cmpi ne, %rem3A_577, %ne3A_578 : i32
      %lt3A_580 = arith.constant 0 : i32
      %lt3A_581 = arith.cmpi slt, %rem3A_577, %lt3A_580 : i32
      %lt3A_582 = arith.constant 0 : i32
      %lt3A_583 = arith.cmpi slt, %select_n3A_576, %lt3A_582 : i32
      %ne3A_584 = arith.xori %lt3A_581, %lt3A_583 : i1
      %and3A_585 = arith.andi %ne3A_584, %ne3A_579 : i1
      %add3A_586 = arith.addi %rem3A_577, %select_n3A_576 : i32
      %select_n3A_587 = arith.select %and3A_585, %add3A_586, %rem3A_577 : i32
      %mul3A_588 = arith.constant 2000 : i32
      %mul3A_589 = arith.muli %select_n3A_587, %mul3A_588 : i32
      %jit3A_590 = arith.constant 25 : i32
      %eq3A_591 = arith.constant 0 : i32
      %eq3A_592 = arith.cmpi eq, %jit3A_590, %eq3A_591 : i32
      %jit3A_593 = arith.constant 1 : i32
      %select_n3A_594 = arith.select %eq3A_592, %jit3A_593, %jit3A_590 : i32
      %rem3A_595 = arith.remsi %add3A_519, %select_n3A_594 : i32
      %ne3A_596 = arith.constant 0 : i32
      %ne3A_597 = arith.cmpi ne, %rem3A_595, %ne3A_596 : i32
      %lt3A_598 = arith.constant 0 : i32
      %lt3A_599 = arith.cmpi slt, %rem3A_595, %lt3A_598 : i32
      %lt3A_600 = arith.constant 0 : i32
      %lt3A_601 = arith.cmpi slt, %select_n3A_594, %lt3A_600 : i32
      %ne3A_602 = arith.xori %lt3A_599, %lt3A_601 : i1
      %and3A_603 = arith.andi %ne3A_602, %ne3A_597 : i1
      %add3A_604 = arith.addi %rem3A_595, %select_n3A_594 : i32
      %select_n3A_605 = arith.select %and3A_603, %add3A_604, %rem3A_595 : i32
      %mul3A_606 = arith.constant 80 : i32
      %mul3A_607 = arith.muli %select_n3A_605, %mul3A_606 : i32
      %add3A_608 = arith.addi %mul3A_589, %mul3A_607 : i32
      %dma_wait3A_609 = arith.constant 1 : i32
      %dma_wait3A_610 = arith.constant 1 : i32
      %dma_wait3A_611 = arith.constant 0 : i32
      %dma_wait3A_612 = arith.constant 0 : i32
      %dma_wait3A_613 = tpu.memref_slice %arg10[%dma_wait3A_609, %dma_wait3A_611, %dma_wait3A_612] : memref<4x80x128xf32, #tpu.memory_space<vmem>> -> memref<1x80x128xf32, #tpu.memory_space<vmem>>
      %dma_wait3A_614 = tpu.memref_squeeze %dma_wait3A_613 : memref<1x80x128xf32, #tpu.memory_space<vmem>> -> memref<80x128xf32, #tpu.memory_space<vmem>>
      %dma_wait3A_615 = tpu.memref_slice %arg8[%add3A_608] : memref<4000xi32, #tpu.memory_space<vmem>> -> memref<80xi32, #tpu.memory_space<vmem>>
      %dma_wait3A_616 = arith.constant 0 : i32
      %dma_wait3A_617 = arith.constant 0 : i32
      %dma_wait3A_618 = tpu.memref_slice %arg2[%dma_wait3A_616, %dma_wait3A_617] : memref<10000x128xf32, #tpu.memory_space<hbm>> -> memref<10000x128xf32, #tpu.memory_space<hbm>>
      %dma_wait3A_619 = tpu.memref_slice %arg11[%dma_wait3A_610] : memref<4x!tpu.dma_semaphore, #tpu.memory_space<semaphore_mem>> -> memref<1x!tpu.dma_semaphore, #tpu.memory_space<semaphore_mem>>
      %dma_wait3A_620 = tpu.memref_squeeze %dma_wait3A_619 : memref<1x!tpu.dma_semaphore, #tpu.memory_space<semaphore_mem>> -> memref<!tpu.dma_semaphore, #tpu.memory_space<semaphore_mem>>
      tpu.wait_indirect_dma semaphore(%dma_wait3A_620 : memref<!tpu.dma_semaphore, #tpu.memory_space<semaphore_mem>>) src(%dma_wait3A_618 : memref<10000x128xf32, #tpu.memory_space<hbm>>) dst(%dma_wait3A_614 : memref<80x128xf32, #tpu.memory_space<vmem>>)
      %jit3A_621 = arith.constant 25 : i32
      %div3A_622 = arith.divsi %add3A_519, %jit3A_621 : i32
      %sign3A_623 = arith.constant 0 : i32
      %sign3A_624 = arith.cmpi sgt, %add3A_519, %sign3A_623 : i32
      %sign3A_625 = arith.extui %sign3A_624 : i1 to i32
      %sign3A_626 = arith.constant 0 : i32
      %sign3A_627 = arith.cmpi slt, %add3A_519, %sign3A_626 : i32
      %sign3A_628 = arith.extui %sign3A_627 : i1 to i32
      %sign3A_629 = arith.subi %sign3A_625, %sign3A_628 : i32
      %sign3A_630 = arith.constant 0 : i32
      %sign3A_631 = arith.cmpi sgt, %jit3A_621, %sign3A_630 : i32
      %sign3A_632 = arith.extui %sign3A_631 : i1 to i32
      %sign3A_633 = arith.constant 0 : i32
      %sign3A_634 = arith.cmpi slt, %jit3A_621, %sign3A_633 : i32
      %sign3A_635 = arith.extui %sign3A_634 : i1 to i32
      %sign3A_636 = arith.subi %sign3A_632, %sign3A_635 : i32
      %ne3A_637 = arith.cmpi ne, %sign3A_629, %sign3A_636 : i32
      %rem3A_638 = arith.remsi %add3A_519, %jit3A_621 : i32
      %ne3A_639 = arith.constant 0 : i32
      %ne3A_640 = arith.cmpi ne, %rem3A_638, %ne3A_639 : i32
      %and3A_641 = arith.andi %ne3A_637, %ne3A_640 : i1
      %sub3A_642 = arith.constant 1 : i32
      %sub3A_643 = arith.subi %div3A_622, %sub3A_642 : i32
      %select_n3A_644 = arith.select %and3A_641, %sub3A_643, %div3A_622 : i32
      %jit3A_645 = arith.constant 2 : i32
      %eq3A_646 = arith.constant 0 : i32
      %eq3A_647 = arith.cmpi eq, %jit3A_645, %eq3A_646 : i32
      %jit3A_648 = arith.constant 1 : i32
      %select_n3A_649 = arith.select %eq3A_647, %jit3A_648, %jit3A_645 : i32
      %rem3A_650 = arith.remsi %select_n3A_644, %select_n3A_649 : i32
      %ne3A_651 = arith.constant 0 : i32
      %ne3A_652 = arith.cmpi ne, %rem3A_650, %ne3A_651 : i32
      %lt3A_653 = arith.constant 0 : i32
      %lt3A_654 = arith.cmpi slt, %rem3A_650, %lt3A_653 : i32
      %lt3A_655 = arith.constant 0 : i32
      %lt3A_656 = arith.cmpi slt, %select_n3A_649, %lt3A_655 : i32
      %ne3A_657 = arith.xori %lt3A_654, %lt3A_656 : i1
      %and3A_658 = arith.andi %ne3A_657, %ne3A_652 : i1
      %add3A_659 = arith.addi %rem3A_650, %select_n3A_649 : i32
      %select_n3A_660 = arith.select %and3A_658, %add3A_659, %rem3A_650 : i32
      %mul3A_661 = arith.constant 2000 : i32
      %mul3A_662 = arith.muli %select_n3A_660, %mul3A_661 : i32
      %jit3A_663 = arith.constant 25 : i32
      %eq3A_664 = arith.constant 0 : i32
      %eq3A_665 = arith.cmpi eq, %jit3A_663, %eq3A_664 : i32
      %jit3A_666 = arith.constant 1 : i32
      %select_n3A_667 = arith.select %eq3A_665, %jit3A_666, %jit3A_663 : i32
      %rem3A_668 = arith.remsi %add3A_519, %select_n3A_667 : i32
      %ne3A_669 = arith.constant 0 : i32
      %ne3A_670 = arith.cmpi ne, %rem3A_668, %ne3A_669 : i32
      %lt3A_671 = arith.constant 0 : i32
      %lt3A_672 = arith.cmpi slt, %rem3A_668, %lt3A_671 : i32
      %lt3A_673 = arith.constant 0 : i32
      %lt3A_674 = arith.cmpi slt, %select_n3A_667, %lt3A_673 : i32
      %ne3A_675 = arith.xori %lt3A_672, %lt3A_674 : i1
      %and3A_676 = arith.andi %ne3A_675, %ne3A_670 : i1
      %add3A_677 = arith.addi %rem3A_668, %select_n3A_667 : i32
      %select_n3A_678 = arith.select %and3A_676, %add3A_677, %rem3A_668 : i32
      %mul3A_679 = arith.constant 80 : i32
      %mul3A_680 = arith.muli %select_n3A_678, %mul3A_679 : i32
      %add3A_681 = arith.addi %mul3A_662, %mul3A_680 : i32
      %dma_start3A_682 = arith.constant 1 : i32
      %dma_start3A_683 = arith.constant 1 : i32
      %dma_start3A_684 = arith.constant 0 : i32
      %dma_start3A_685 = arith.constant 0 : i32
      %dma_start3A_686 = tpu.memref_slice %arg10[%dma_start3A_682, %dma_start3A_684, %dma_start3A_685] : memref<4x80x128xf32, #tpu.memory_space<vmem>> -> memref<1x80x128xf32, #tpu.memory_space<vmem>>
      %dma_start3A_687 = tpu.memref_squeeze %dma_start3A_686 : memref<1x80x128xf32, #tpu.memory_space<vmem>> -> memref<80x128xf32, #tpu.memory_space<vmem>>
      %dma_start3A_688 = tpu.memref_slice %arg9[%add3A_681] : memref<4000xi32, #tpu.memory_space<vmem>> -> memref<80xi32, #tpu.memory_space<vmem>>
      %dma_start3A_689 = arith.constant 0 : i32
      %dma_start3A_690 = arith.constant 0 : i32
      %dma_start3A_691 = tpu.memref_slice %arg7[%dma_start3A_689, %dma_start3A_690] : memref<10000x128xf32, #tpu.memory_space<vmem_shared>> -> memref<10000x128xf32, #tpu.memory_space<vmem_shared>>
      %dma_start3A_692 = tpu.memref_slice %arg12[%dma_start3A_683] : memref<4x!tpu.dma_semaphore, #tpu.memory_space<semaphore_mem>> -> memref<1x!tpu.dma_semaphore, #tpu.memory_space<semaphore_mem>>
      %dma_start3A_693 = tpu.memref_squeeze %dma_start3A_692 : memref<1x!tpu.dma_semaphore, #tpu.memory_space<semaphore_mem>> -> memref<!tpu.dma_semaphore, #tpu.memory_space<semaphore_mem>>
      tpu.enqueue_indirect_dma source(%dma_start3A_691 : memref<10000x128xf32, #tpu.memory_space<vmem_shared>>) target(%dma_start3A_687 : memref<80x128xf32, #tpu.memory_space<vmem>>) offsets(%dma_start3A_688 : memref<80xi32, #tpu.memory_space<vmem>>) semaphore(%dma_start3A_693 : memref<!tpu.dma_semaphore, #tpu.memory_space<semaphore_mem>>) {add = true}
      %jit3A_694 = arith.constant 25 : i32
      %div3A_695 = arith.divsi %add3A_519, %jit3A_694 : i32
      %sign3A_696 = arith.constant 0 : i32
      %sign3A_697 = arith.cmpi sgt, %add3A_519, %sign3A_696 : i32
      %sign3A_698 = arith.extui %sign3A_697 : i1 to i32
      %sign3A_699 = arith.constant 0 : i32
      %sign3A_700 = arith.cmpi slt, %add3A_519, %sign3A_699 : i32
      %sign3A_701 = arith.extui %sign3A_700 : i1 to i32
      %sign3A_702 = arith.subi %sign3A_698, %sign3A_701 : i32
      %sign3A_703 = arith.constant 0 : i32
      %sign3A_704 = arith.cmpi sgt, %jit3A_694, %sign3A_703 : i32
      %sign3A_705 = arith.extui %sign3A_704 : i1 to i32
      %sign3A_706 = arith.constant 0 : i32
      %sign3A_707 = arith.cmpi slt, %jit3A_694, %sign3A_706 : i32
      %sign3A_708 = arith.extui %sign3A_707 : i1 to i32
      %sign3A_709 = arith.subi %sign3A_705, %sign3A_708 : i32
      %ne3A_710 = arith.cmpi ne, %sign3A_702, %sign3A_709 : i32
      %rem3A_711 = arith.remsi %add3A_519, %jit3A_694 : i32
      %ne3A_712 = arith.constant 0 : i32
      %ne3A_713 = arith.cmpi ne, %rem3A_711, %ne3A_712 : i32
      %and3A_714 = arith.andi %ne3A_710, %ne3A_713 : i1
      %sub3A_715 = arith.constant 1 : i32
      %sub3A_716 = arith.subi %div3A_695, %sub3A_715 : i32
      %select_n3A_717 = arith.select %and3A_714, %sub3A_716, %div3A_695 : i32
      %jit3A_718 = arith.constant 2 : i32
      %eq3A_719 = arith.constant 0 : i32
      %eq3A_720 = arith.cmpi eq, %jit3A_718, %eq3A_719 : i32
      %jit3A_721 = arith.constant 1 : i32
      %select_n3A_722 = arith.select %eq3A_720, %jit3A_721, %jit3A_718 : i32
      %rem3A_723 = arith.remsi %select_n3A_717, %select_n3A_722 : i32
      %ne3A_724 = arith.constant 0 : i32
      %ne3A_725 = arith.cmpi ne, %rem3A_723, %ne3A_724 : i32
      %lt3A_726 = arith.constant 0 : i32
      %lt3A_727 = arith.cmpi slt, %rem3A_723, %lt3A_726 : i32
      %lt3A_728 = arith.constant 0 : i32
      %lt3A_729 = arith.cmpi slt, %select_n3A_722, %lt3A_728 : i32
      %ne3A_730 = arith.xori %lt3A_727, %lt3A_729 : i1
      %and3A_731 = arith.andi %ne3A_730, %ne3A_725 : i1
      %add3A_732 = arith.addi %rem3A_723, %select_n3A_722 : i32
      %select_n3A_733 = arith.select %and3A_731, %add3A_732, %rem3A_723 : i32
      %mul3A_734 = arith.constant 2000 : i32
      %mul3A_735 = arith.muli %select_n3A_733, %mul3A_734 : i32
      %jit3A_736 = arith.constant 25 : i32
      %eq3A_737 = arith.constant 0 : i32
      %eq3A_738 = arith.cmpi eq, %jit3A_736, %eq3A_737 : i32
      %jit3A_739 = arith.constant 1 : i32
      %select_n3A_740 = arith.select %eq3A_738, %jit3A_739, %jit3A_736 : i32
      %rem3A_741 = arith.remsi %add3A_519, %select_n3A_740 : i32
      %ne3A_742 = arith.constant 0 : i32
      %ne3A_743 = arith.cmpi ne, %rem3A_741, %ne3A_742 : i32
      %lt3A_744 = arith.constant 0 : i32
      %lt3A_745 = arith.cmpi slt, %rem3A_741, %lt3A_744 : i32
      %lt3A_746 = arith.constant 0 : i32
      %lt3A_747 = arith.cmpi slt, %select_n3A_740, %lt3A_746 : i32
      %ne3A_748 = arith.xori %lt3A_745, %lt3A_747 : i1
      %and3A_749 = arith.andi %ne3A_748, %ne3A_743 : i1
      %add3A_750 = arith.addi %rem3A_741, %select_n3A_740 : i32
      %select_n3A_751 = arith.select %and3A_749, %add3A_750, %rem3A_741 : i32
      %mul3A_752 = arith.constant 80 : i32
      %mul3A_753 = arith.muli %select_n3A_751, %mul3A_752 : i32
      %add3A_754 = arith.addi %mul3A_735, %mul3A_753 : i32
      %dma_wait3A_755 = arith.constant 1 : i32
      %dma_wait3A_756 = arith.constant 1 : i32
      %dma_wait3A_757 = arith.constant 0 : i32
      %dma_wait3A_758 = arith.constant 0 : i32
      %dma_wait3A_759 = tpu.memref_slice %arg10[%dma_wait3A_755, %dma_wait3A_757, %dma_wait3A_758] : memref<4x80x128xf32, #tpu.memory_space<vmem>> -> memref<1x80x128xf32, #tpu.memory_space<vmem>>
      %dma_wait3A_760 = tpu.memref_squeeze %dma_wait3A_759 : memref<1x80x128xf32, #tpu.memory_space<vmem>> -> memref<80x128xf32, #tpu.memory_space<vmem>>
      %dma_wait3A_761 = tpu.memref_slice %arg9[%add3A_754] : memref<4000xi32, #tpu.memory_space<vmem>> -> memref<80xi32, #tpu.memory_space<vmem>>
      %dma_wait3A_762 = arith.constant 0 : i32
      %dma_wait3A_763 = arith.constant 0 : i32
      %dma_wait3A_764 = tpu.memref_slice %arg7[%dma_wait3A_762, %dma_wait3A_763] : memref<10000x128xf32, #tpu.memory_space<vmem_shared>> -> memref<10000x128xf32, #tpu.memory_space<vmem_shared>>
      %dma_wait3A_765 = tpu.memref_slice %arg12[%dma_wait3A_756] : memref<4x!tpu.dma_semaphore, #tpu.memory_space<semaphore_mem>> -> memref<1x!tpu.dma_semaphore, #tpu.memory_space<semaphore_mem>>
      %dma_wait3A_766 = tpu.memref_squeeze %dma_wait3A_765 : memref<1x!tpu.dma_semaphore, #tpu.memory_space<semaphore_mem>> -> memref<!tpu.dma_semaphore, #tpu.memory_space<semaphore_mem>>
      tpu.wait_indirect_dma semaphore(%dma_wait3A_766 : memref<!tpu.dma_semaphore, #tpu.memory_space<semaphore_mem>>) src(%dma_wait3A_764 : memref<10000x128xf32, #tpu.memory_space<vmem_shared>>) dst(%dma_wait3A_760 : memref<80x128xf32, #tpu.memory_space<vmem>>)
      %jit3A_767 = arith.constant 25 : i32
      %div3A_768 = arith.divsi %add3A_519, %jit3A_767 : i32
      %sign3A_769 = arith.constant 0 : i32
      %sign3A_770 = arith.cmpi sgt, %add3A_519, %sign3A_769 : i32
      %sign3A_771 = arith.extui %sign3A_770 : i1 to i32
      %sign3A_772 = arith.constant 0 : i32
      %sign3A_773 = arith.cmpi slt, %add3A_519, %sign3A_772 : i32
      %sign3A_774 = arith.extui %sign3A_773 : i1 to i32
      %sign3A_775 = arith.subi %sign3A_771, %sign3A_774 : i32
      %sign3A_776 = arith.constant 0 : i32
      %sign3A_777 = arith.cmpi sgt, %jit3A_767, %sign3A_776 : i32
      %sign3A_778 = arith.extui %sign3A_777 : i1 to i32
      %sign3A_779 = arith.constant 0 : i32
      %sign3A_780 = arith.cmpi slt, %jit3A_767, %sign3A_779 : i32
      %sign3A_781 = arith.extui %sign3A_780 : i1 to i32
      %sign3A_782 = arith.subi %sign3A_778, %sign3A_781 : i32
      %ne3A_783 = arith.cmpi ne, %sign3A_775, %sign3A_782 : i32
      %rem3A_784 = arith.remsi %add3A_519, %jit3A_767 : i32
      %ne3A_785 = arith.constant 0 : i32
      %ne3A_786 = arith.cmpi ne, %rem3A_784, %ne3A_785 : i32
      %and3A_787 = arith.andi %ne3A_783, %ne3A_786 : i1
      %sub3A_788 = arith.constant 1 : i32
      %sub3A_789 = arith.subi %div3A_768, %sub3A_788 : i32
      %select_n3A_790 = arith.select %and3A_787, %sub3A_789, %div3A_768 : i32
      %add3A_791 = arith.constant 2 : i32
      %add3A_792 = arith.addi %select_n3A_790, %add3A_791 : i32
      %jit3A_793 = arith.constant 25 : i32
      %eq3A_794 = arith.constant 0 : i32
      %eq3A_795 = arith.cmpi eq, %jit3A_793, %eq3A_794 : i32
      %jit3A_796 = arith.constant 1 : i32
      %select_n3A_797 = arith.select %eq3A_795, %jit3A_796, %jit3A_793 : i32
      %rem3A_798 = arith.remsi %add3A_519, %select_n3A_797 : i32
      %ne3A_799 = arith.constant 0 : i32
      %ne3A_800 = arith.cmpi ne, %rem3A_798, %ne3A_799 : i32
      %lt3A_801 = arith.constant 0 : i32
      %lt3A_802 = arith.cmpi slt, %rem3A_798, %lt3A_801 : i32
      %lt3A_803 = arith.constant 0 : i32
      %lt3A_804 = arith.cmpi slt, %select_n3A_797, %lt3A_803 : i32
      %ne3A_805 = arith.xori %lt3A_802, %lt3A_804 : i1
      %and3A_806 = arith.andi %ne3A_805, %ne3A_800 : i1
      %add3A_807 = arith.addi %rem3A_798, %select_n3A_797 : i32
      %select_n3A_808 = arith.select %and3A_806, %add3A_807, %rem3A_798 : i32
      %eq3A_809 = arith.constant 24 : i32
      %eq3A_810 = arith.cmpi eq, %select_n3A_808, %eq3A_809 : i32
      %lt3A_811 = arith.constant 5 : i32
      %lt3A_812 = arith.cmpi slt, %add3A_792, %lt3A_811 : i32
      %and3A_813 = arith.andi %eq3A_810, %lt3A_812 : i1
      %convert_element_type3A_814 = arith.extui %and3A_813 : i1 to i32
      %cond3A_815 = arith.constant 0 : i32
      %cond3A_816 = arith.cmpi ne, %convert_element_type3A_814, %cond3A_815 : i32
      scf.if %cond3A_816 {
        %jit3A_1476 = arith.constant 2 : i32
        %eq3A_1477 = arith.constant 0 : i32
        %eq3A_1478 = arith.cmpi eq, %jit3A_1476, %eq3A_1477 : i32
        %jit3A_1479 = arith.constant 1 : i32
        %select_n3A_1480 = arith.select %eq3A_1478, %jit3A_1479, %jit3A_1476 : i32
        %rem3A_1481 = arith.remsi %add3A_792, %select_n3A_1480 : i32
        %ne3A_1482 = arith.constant 0 : i32
        %ne3A_1483 = arith.cmpi ne, %rem3A_1481, %ne3A_1482 : i32
        %lt3A_1484 = arith.constant 0 : i32
        %lt3A_1485 = arith.cmpi slt, %rem3A_1481, %lt3A_1484 : i32
        %lt3A_1486 = arith.constant 0 : i32
        %lt3A_1487 = arith.cmpi slt, %select_n3A_1480, %lt3A_1486 : i32
        %ne3A_1488 = arith.xori %lt3A_1485, %lt3A_1487 : i1
        %and3A_1489 = arith.andi %ne3A_1488, %ne3A_1483 : i1
        %add3A_1490 = arith.addi %rem3A_1481, %select_n3A_1480 : i32
        %select_n3A_1491 = arith.select %and3A_1489, %add3A_1490, %rem3A_1481 : i32
        %mul3A_1492 = arith.constant 2000 : i32
        %mul3A_1493 = arith.muli %add3A_792, %mul3A_1492 : i32
        %add3A_1494 = arith.addi %mul3A_2, %mul3A_1493 : i32
        %mul3A_1495 = arith.constant 2000 : i32
        %mul3A_1496 = arith.muli %select_n3A_1491, %mul3A_1495 : i32
        %dma_start3A_1497 = tpu.memref_slice %arg8[%mul3A_1496] : memref<4000xi32, #tpu.memory_space<vmem>> -> memref<2000xi32, #tpu.memory_space<vmem>>
        %dma_start3A_1498 = tpu.memref_slice %arg4[%add3A_1494] : memref<320000xi32, #tpu.memory_space<hbm>> -> memref<2000xi32, #tpu.memory_space<hbm>>
        %dma_start3A_1499 = tpu.memref_slice %arg14[%select_n3A_1491] : memref<2x!tpu.dma_semaphore, #tpu.memory_space<semaphore_mem>> -> memref<1x!tpu.dma_semaphore, #tpu.memory_space<semaphore_mem>>
        %dma_start3A_1500 = tpu.memref_squeeze %dma_start3A_1499 : memref<1x!tpu.dma_semaphore, #tpu.memory_space<semaphore_mem>> -> memref<!tpu.dma_semaphore, #tpu.memory_space<semaphore_mem>>
        %dma_start3A_1501 = tpu.memref_slice %arg8[%mul3A_1496] : memref<4000xi32, #tpu.memory_space<vmem>> -> memref<2000xi32, #tpu.memory_space<vmem>>
        %dma_start3A_1502 = tpu.memref_slice %arg4[%add3A_1494] : memref<320000xi32, #tpu.memory_space<hbm>> -> memref<2000xi32, #tpu.memory_space<hbm>>
        tpu.enqueue_dma source(%dma_start3A_1502 : memref<2000xi32, #tpu.memory_space<hbm>>) target(%dma_start3A_1501 : memref<2000xi32, #tpu.memory_space<vmem>>) target_semaphore(%dma_start3A_1500 : memref<!tpu.dma_semaphore, #tpu.memory_space<semaphore_mem>>)
        %dma_start3A_1503 = tpu.memref_slice %arg9[%mul3A_1496] : memref<4000xi32, #tpu.memory_space<vmem>> -> memref<2000xi32, #tpu.memory_space<vmem>>
        %dma_start3A_1504 = tpu.memref_slice %arg5[%add3A_1494] : memref<320000xi32, #tpu.memory_space<hbm>> -> memref<2000xi32, #tpu.memory_space<hbm>>
        %dma_start3A_1505 = tpu.memref_slice %arg14[%select_n3A_1491] : memref<2x!tpu.dma_semaphore, #tpu.memory_space<semaphore_mem>> -> memref<1x!tpu.dma_semaphore, #tpu.memory_space<semaphore_mem>>
        %dma_start3A_1506 = tpu.memref_squeeze %dma_start3A_1505 : memref<1x!tpu.dma_semaphore, #tpu.memory_space<semaphore_mem>> -> memref<!tpu.dma_semaphore, #tpu.memory_space<semaphore_mem>>
        %dma_start3A_1507 = tpu.memref_slice %arg9[%mul3A_1496] : memref<4000xi32, #tpu.memory_space<vmem>> -> memref<2000xi32, #tpu.memory_space<vmem>>
        %dma_start3A_1508 = tpu.memref_slice %arg5[%add3A_1494] : memref<320000xi32, #tpu.memory_space<hbm>> -> memref<2000xi32, #tpu.memory_space<hbm>>
        tpu.enqueue_dma source(%dma_start3A_1508 : memref<2000xi32, #tpu.memory_space<hbm>>) target(%dma_start3A_1507 : memref<2000xi32, #tpu.memory_space<vmem>>) target_semaphore(%dma_start3A_1506 : memref<!tpu.dma_semaphore, #tpu.memory_space<semaphore_mem>>)
      } else {
      }
      %mul3A_817 = arith.constant 80 : i32
      %mul3A_818 = arith.muli %add3A_519, %mul3A_817 : i32
      %add3A_819 = arith.addi %mul3A_2, %mul3A_818 : i32
      %dma_start3A_820 = arith.constant 1 : i32
      %dma_start3A_821 = arith.constant 1 : i32
      %dma_start3A_822 = arith.constant 0 : i32
      %dma_start3A_823 = arith.constant 0 : i32
      %dma_start3A_824 = tpu.memref_slice %arg10[%dma_start3A_820, %dma_start3A_822, %dma_start3A_823] : memref<4x80x128xf32, #tpu.memory_space<vmem>> -> memref<1x80x128xf32, #tpu.memory_space<vmem>>
      %dma_start3A_825 = tpu.memref_squeeze %dma_start3A_824 : memref<1x80x128xf32, #tpu.memory_space<vmem>> -> memref<80x128xf32, #tpu.memory_space<vmem>>
      %dma_start3A_826 = arith.constant 0 : i32
      %dma_start3A_827 = tpu.memref_slice %arg6[%add3A_819, %dma_start3A_826] : memref<320000x128xf32, #tpu.memory_space<hbm>> -> memref<80x128xf32, #tpu.memory_space<hbm>>
      %dma_start3A_828 = tpu.memref_slice %arg13[%dma_start3A_821] : memref<4x!tpu.dma_semaphore, #tpu.memory_space<semaphore_mem>> -> memref<1x!tpu.dma_semaphore, #tpu.memory_space<semaphore_mem>>
      %dma_start3A_829 = tpu.memref_squeeze %dma_start3A_828 : memref<1x!tpu.dma_semaphore, #tpu.memory_space<semaphore_mem>> -> memref<!tpu.dma_semaphore, #tpu.memory_space<semaphore_mem>>
      %dma_start3A_830 = arith.constant 0 : i32
      %dma_start3A_831 = tpu.memref_slice %arg6[%add3A_819, %dma_start3A_830] : memref<320000x128xf32, #tpu.memory_space<hbm>> -> memref<80x128xf32, #tpu.memory_space<hbm>>
      %dma_start3A_832 = arith.constant 0 : i32
      %dma_start3A_833 = arith.constant 0 : i32
      %dma_start3A_834 = tpu.memref_slice %arg10[%dma_start3A_820, %dma_start3A_832, %dma_start3A_833] : memref<4x80x128xf32, #tpu.memory_space<vmem>> -> memref<1x80x128xf32, #tpu.memory_space<vmem>>
      %dma_start3A_835 = tpu.memref_squeeze %dma_start3A_834 : memref<1x80x128xf32, #tpu.memory_space<vmem>> -> memref<80x128xf32, #tpu.memory_space<vmem>>
      tpu.enqueue_dma source(%dma_start3A_835 : memref<80x128xf32, #tpu.memory_space<vmem>>) target(%dma_start3A_831 : memref<80x128xf32, #tpu.memory_space<hbm>>) target_semaphore(%dma_start3A_829 : memref<!tpu.dma_semaphore, #tpu.memory_space<semaphore_mem>>)
      %mul3A_836 = arith.constant 4 : i32
      %mul3A_837 = arith.muli %scan3A_221, %mul3A_836 : i32
      %add3A_838 = arith.constant 2 : i32
      %add3A_839 = arith.addi %mul3A_837, %add3A_838 : i32
      %sub3A_840 = arith.constant 1 : i32
      %sub3A_841 = arith.subi %add3A_839, %sub3A_840 : i32
      %mul3A_842 = arith.constant 80 : i32
      %mul3A_843 = arith.muli %sub3A_841, %mul3A_842 : i32
      %add3A_844 = arith.addi %mul3A_2, %mul3A_843 : i32
      %dma_wait3A_845 = arith.constant 1 : i32
      %dma_wait3A_846 = arith.constant 1 : i32
      %dma_wait3A_847 = arith.constant 0 : i32
      %dma_wait3A_848 = arith.constant 0 : i32
      %dma_wait3A_849 = tpu.memref_slice %arg10[%dma_wait3A_845, %dma_wait3A_847, %dma_wait3A_848] : memref<4x80x128xf32, #tpu.memory_space<vmem>> -> memref<1x80x128xf32, #tpu.memory_space<vmem>>
      %dma_wait3A_850 = tpu.memref_squeeze %dma_wait3A_849 : memref<1x80x128xf32, #tpu.memory_space<vmem>> -> memref<80x128xf32, #tpu.memory_space<vmem>>
      %dma_wait3A_851 = arith.constant 0 : i32
      %dma_wait3A_852 = tpu.memref_slice %arg6[%add3A_844, %dma_wait3A_851] : memref<320000x128xf32, #tpu.memory_space<hbm>> -> memref<80x128xf32, #tpu.memory_space<hbm>>
      %dma_wait3A_853 = tpu.memref_slice %arg13[%dma_wait3A_846] : memref<4x!tpu.dma_semaphore, #tpu.memory_space<semaphore_mem>> -> memref<1x!tpu.dma_semaphore, #tpu.memory_space<semaphore_mem>>
      %dma_wait3A_854 = tpu.memref_squeeze %dma_wait3A_853 : memref<1x!tpu.dma_semaphore, #tpu.memory_space<semaphore_mem>> -> memref<!tpu.dma_semaphore, #tpu.memory_space<semaphore_mem>>
      %dma_wait3A_855 = arith.constant 0 : i32
      %dma_wait3A_856 = tpu.memref_slice %arg6[%add3A_844, %dma_wait3A_855] : memref<320000x128xf32, #tpu.memory_space<hbm>> -> memref<80x128xf32, #tpu.memory_space<hbm>>
      %dma_wait3A_857 = arith.constant 0 : i32
      %dma_wait3A_858 = arith.constant 0 : i32
      %dma_wait3A_859 = tpu.memref_slice %arg10[%dma_wait3A_845, %dma_wait3A_857, %dma_wait3A_858] : memref<4x80x128xf32, #tpu.memory_space<vmem>> -> memref<1x80x128xf32, #tpu.memory_space<vmem>>
      %dma_wait3A_860 = tpu.memref_squeeze %dma_wait3A_859 : memref<1x80x128xf32, #tpu.memory_space<vmem>> -> memref<80x128xf32, #tpu.memory_space<vmem>>
      tpu.wait_dma2 semaphore(%dma_wait3A_854 : memref<!tpu.dma_semaphore, #tpu.memory_space<semaphore_mem>>) src(%dma_wait3A_860 : memref<80x128xf32, #tpu.memory_space<vmem>>) dst(%dma_wait3A_856 : memref<80x128xf32, #tpu.memory_space<hbm>>)
      %add3A_861 = arith.constant 3 : i32
      %add3A_862 = arith.addi %add3A_839, %add3A_861 : i32
      %lt3A_863 = arith.constant 125 : i32
      %lt3A_864 = arith.cmpi slt, %add3A_862, %lt3A_863 : i32
      %convert_element_type3A_865 = arith.extui %lt3A_864 : i1 to i32
      %cond3A_866 = arith.constant 0 : i32
      %cond3A_867 = arith.cmpi ne, %convert_element_type3A_865, %cond3A_866 : i32
      scf.if %cond3A_867 {
        %add3A_1476 = arith.constant 3 : i32
        %add3A_1477 = arith.addi %add3A_839, %add3A_1476 : i32
        %jit3A_1478 = arith.constant 25 : i32
        %eq3A_1479 = arith.constant 0 : i32
        %eq3A_1480 = arith.cmpi eq, %jit3A_1478, %eq3A_1479 : i32
        %jit3A_1481 = arith.constant 1 : i32
        %select_n3A_1482 = arith.select %eq3A_1480, %jit3A_1481, %jit3A_1478 : i32
        %rem3A_1483 = arith.remsi %add3A_1477, %select_n3A_1482 : i32
        %ne3A_1484 = arith.constant 0 : i32
        %ne3A_1485 = arith.cmpi ne, %rem3A_1483, %ne3A_1484 : i32
        %lt3A_1486 = arith.constant 0 : i32
        %lt3A_1487 = arith.cmpi slt, %rem3A_1483, %lt3A_1486 : i32
        %lt3A_1488 = arith.constant 0 : i32
        %lt3A_1489 = arith.cmpi slt, %select_n3A_1482, %lt3A_1488 : i32
        %ne3A_1490 = arith.xori %lt3A_1487, %lt3A_1489 : i1
        %and3A_1491 = arith.andi %ne3A_1490, %ne3A_1485 : i1
        %add3A_1492 = arith.addi %rem3A_1483, %select_n3A_1482 : i32
        %select_n3A_1493 = arith.select %and3A_1491, %add3A_1492, %rem3A_1483 : i32
        %eq3A_1494 = arith.constant 0 : i32
        %eq3A_1495 = arith.cmpi eq, %select_n3A_1493, %eq3A_1494 : i32
        %convert_element_type3A_1496 = arith.extui %eq3A_1495 : i1 to i32
        %cond3A_1497 = arith.constant 0 : i32
        %cond3A_1498 = arith.cmpi ne, %convert_element_type3A_1496, %cond3A_1497 : i32
        scf.if %cond3A_1498 {
          %jit3A_1572 = arith.constant 25 : i32
          %div3A_1573 = arith.divsi %add3A_1477, %jit3A_1572 : i32
          %sign3A_1574 = arith.constant 0 : i32
          %sign3A_1575 = arith.cmpi sgt, %add3A_1477, %sign3A_1574 : i32
          %sign3A_1576 = arith.extui %sign3A_1575 : i1 to i32
          %sign3A_1577 = arith.constant 0 : i32
          %sign3A_1578 = arith.cmpi slt, %add3A_1477, %sign3A_1577 : i32
          %sign3A_1579 = arith.extui %sign3A_1578 : i1 to i32
          %sign3A_1580 = arith.subi %sign3A_1576, %sign3A_1579 : i32
          %sign3A_1581 = arith.constant 0 : i32
          %sign3A_1582 = arith.cmpi sgt, %jit3A_1572, %sign3A_1581 : i32
          %sign3A_1583 = arith.extui %sign3A_1582 : i1 to i32
          %sign3A_1584 = arith.constant 0 : i32
          %sign3A_1585 = arith.cmpi slt, %jit3A_1572, %sign3A_1584 : i32
          %sign3A_1586 = arith.extui %sign3A_1585 : i1 to i32
          %sign3A_1587 = arith.subi %sign3A_1583, %sign3A_1586 : i32
          %ne3A_1588 = arith.cmpi ne, %sign3A_1580, %sign3A_1587 : i32
          %rem3A_1589 = arith.remsi %add3A_1477, %jit3A_1572 : i32
          %ne3A_1590 = arith.constant 0 : i32
          %ne3A_1591 = arith.cmpi ne, %rem3A_1589, %ne3A_1590 : i32
          %and3A_1592 = arith.andi %ne3A_1588, %ne3A_1591 : i1
          %sub3A_1593 = arith.constant 1 : i32
          %sub3A_1594 = arith.subi %div3A_1573, %sub3A_1593 : i32
          %select_n3A_1595 = arith.select %and3A_1592, %sub3A_1594, %div3A_1573 : i32
          %jit3A_1596 = arith.constant 25 : i32
          %div3A_1597 = arith.divsi %add3A_1477, %jit3A_1596 : i32
          %sign3A_1598 = arith.constant 0 : i32
          %sign3A_1599 = arith.cmpi sgt, %add3A_1477, %sign3A_1598 : i32
          %sign3A_1600 = arith.extui %sign3A_1599 : i1 to i32
          %sign3A_1601 = arith.constant 0 : i32
          %sign3A_1602 = arith.cmpi slt, %add3A_1477, %sign3A_1601 : i32
          %sign3A_1603 = arith.extui %sign3A_1602 : i1 to i32
          %sign3A_1604 = arith.subi %sign3A_1600, %sign3A_1603 : i32
          %sign3A_1605 = arith.constant 0 : i32
          %sign3A_1606 = arith.cmpi sgt, %jit3A_1596, %sign3A_1605 : i32
          %sign3A_1607 = arith.extui %sign3A_1606 : i1 to i32
          %sign3A_1608 = arith.constant 0 : i32
          %sign3A_1609 = arith.cmpi slt, %jit3A_1596, %sign3A_1608 : i32
          %sign3A_1610 = arith.extui %sign3A_1609 : i1 to i32
          %sign3A_1611 = arith.subi %sign3A_1607, %sign3A_1610 : i32
          %ne3A_1612 = arith.cmpi ne, %sign3A_1604, %sign3A_1611 : i32
          %rem3A_1613 = arith.remsi %add3A_1477, %jit3A_1596 : i32
          %ne3A_1614 = arith.constant 0 : i32
          %ne3A_1615 = arith.cmpi ne, %rem3A_1613, %ne3A_1614 : i32
          %and3A_1616 = arith.andi %ne3A_1612, %ne3A_1615 : i1
          %sub3A_1617 = arith.constant 1 : i32
          %sub3A_1618 = arith.subi %div3A_1597, %sub3A_1617 : i32
          %select_n3A_1619 = arith.select %and3A_1616, %sub3A_1618, %div3A_1597 : i32
          %jit3A_1620 = arith.constant 2 : i32
          %eq3A_1621 = arith.constant 0 : i32
          %eq3A_1622 = arith.cmpi eq, %jit3A_1620, %eq3A_1621 : i32
          %jit3A_1623 = arith.constant 1 : i32
          %select_n3A_1624 = arith.select %eq3A_1622, %jit3A_1623, %jit3A_1620 : i32
          %rem3A_1625 = arith.remsi %select_n3A_1619, %select_n3A_1624 : i32
          %ne3A_1626 = arith.constant 0 : i32
          %ne3A_1627 = arith.cmpi ne, %rem3A_1625, %ne3A_1626 : i32
          %lt3A_1628 = arith.constant 0 : i32
          %lt3A_1629 = arith.cmpi slt, %rem3A_1625, %lt3A_1628 : i32
          %lt3A_1630 = arith.constant 0 : i32
          %lt3A_1631 = arith.cmpi slt, %select_n3A_1624, %lt3A_1630 : i32
          %ne3A_1632 = arith.xori %lt3A_1629, %lt3A_1631 : i1
          %and3A_1633 = arith.andi %ne3A_1632, %ne3A_1627 : i1
          %add3A_1634 = arith.addi %rem3A_1625, %select_n3A_1624 : i32
          %select_n3A_1635 = arith.select %and3A_1633, %add3A_1634, %rem3A_1625 : i32
          %mul3A_1636 = arith.constant 2000 : i32
          %mul3A_1637 = arith.muli %select_n3A_1595, %mul3A_1636 : i32
          %add3A_1638 = arith.addi %mul3A_2, %mul3A_1637 : i32
          %mul3A_1639 = arith.constant 2000 : i32
          %mul3A_1640 = arith.muli %select_n3A_1635, %mul3A_1639 : i32
          %dma_wait3A_1641 = tpu.memref_slice %arg8[%mul3A_1640] : memref<4000xi32, #tpu.memory_space<vmem>> -> memref<2000xi32, #tpu.memory_space<vmem>>
          %dma_wait3A_1642 = tpu.memref_slice %arg4[%add3A_1638] : memref<320000xi32, #tpu.memory_space<hbm>> -> memref<2000xi32, #tpu.memory_space<hbm>>
          %dma_wait3A_1643 = tpu.memref_slice %arg14[%select_n3A_1635] : memref<2x!tpu.dma_semaphore, #tpu.memory_space<semaphore_mem>> -> memref<1x!tpu.dma_semaphore, #tpu.memory_space<semaphore_mem>>
          %dma_wait3A_1644 = tpu.memref_squeeze %dma_wait3A_1643 : memref<1x!tpu.dma_semaphore, #tpu.memory_space<semaphore_mem>> -> memref<!tpu.dma_semaphore, #tpu.memory_space<semaphore_mem>>
          %dma_wait3A_1645 = tpu.memref_slice %arg8[%mul3A_1640] : memref<4000xi32, #tpu.memory_space<vmem>> -> memref<2000xi32, #tpu.memory_space<vmem>>
          %dma_wait3A_1646 = tpu.memref_slice %arg4[%add3A_1638] : memref<320000xi32, #tpu.memory_space<hbm>> -> memref<2000xi32, #tpu.memory_space<hbm>>
          tpu.wait_dma2 semaphore(%dma_wait3A_1644 : memref<!tpu.dma_semaphore, #tpu.memory_space<semaphore_mem>>) src(%dma_wait3A_1646 : memref<2000xi32, #tpu.memory_space<hbm>>) dst(%dma_wait3A_1645 : memref<2000xi32, #tpu.memory_space<vmem>>)
          %dma_wait3A_1647 = tpu.memref_slice %arg9[%mul3A_1640] : memref<4000xi32, #tpu.memory_space<vmem>> -> memref<2000xi32, #tpu.memory_space<vmem>>
          %dma_wait3A_1648 = tpu.memref_slice %arg5[%add3A_1638] : memref<320000xi32, #tpu.memory_space<hbm>> -> memref<2000xi32, #tpu.memory_space<hbm>>
          %dma_wait3A_1649 = tpu.memref_slice %arg14[%select_n3A_1635] : memref<2x!tpu.dma_semaphore, #tpu.memory_space<semaphore_mem>> -> memref<1x!tpu.dma_semaphore, #tpu.memory_space<semaphore_mem>>
          %dma_wait3A_1650 = tpu.memref_squeeze %dma_wait3A_1649 : memref<1x!tpu.dma_semaphore, #tpu.memory_space<semaphore_mem>> -> memref<!tpu.dma_semaphore, #tpu.memory_space<semaphore_mem>>
          %dma_wait3A_1651 = tpu.memref_slice %arg9[%mul3A_1640] : memref<4000xi32, #tpu.memory_space<vmem>> -> memref<2000xi32, #tpu.memory_space<vmem>>
          %dma_wait3A_1652 = tpu.memref_slice %arg5[%add3A_1638] : memref<320000xi32, #tpu.memory_space<hbm>> -> memref<2000xi32, #tpu.memory_space<hbm>>
          tpu.wait_dma2 semaphore(%dma_wait3A_1650 : memref<!tpu.dma_semaphore, #tpu.memory_space<semaphore_mem>>) src(%dma_wait3A_1652 : memref<2000xi32, #tpu.memory_space<hbm>>) dst(%dma_wait3A_1651 : memref<2000xi32, #tpu.memory_space<vmem>>)
        } else {
        }
        %jit3A_1499 = arith.constant 25 : i32
        %div3A_1500 = arith.divsi %add3A_1477, %jit3A_1499 : i32
        %sign3A_1501 = arith.constant 0 : i32
        %sign3A_1502 = arith.cmpi sgt, %add3A_1477, %sign3A_1501 : i32
        %sign3A_1503 = arith.extui %sign3A_1502 : i1 to i32
        %sign3A_1504 = arith.constant 0 : i32
        %sign3A_1505 = arith.cmpi slt, %add3A_1477, %sign3A_1504 : i32
        %sign3A_1506 = arith.extui %sign3A_1505 : i1 to i32
        %sign3A_1507 = arith.subi %sign3A_1503, %sign3A_1506 : i32
        %sign3A_1508 = arith.constant 0 : i32
        %sign3A_1509 = arith.cmpi sgt, %jit3A_1499, %sign3A_1508 : i32
        %sign3A_1510 = arith.extui %sign3A_1509 : i1 to i32
        %sign3A_1511 = arith.constant 0 : i32
        %sign3A_1512 = arith.cmpi slt, %jit3A_1499, %sign3A_1511 : i32
        %sign3A_1513 = arith.extui %sign3A_1512 : i1 to i32
        %sign3A_1514 = arith.subi %sign3A_1510, %sign3A_1513 : i32
        %ne3A_1515 = arith.cmpi ne, %sign3A_1507, %sign3A_1514 : i32
        %rem3A_1516 = arith.remsi %add3A_1477, %jit3A_1499 : i32
        %ne3A_1517 = arith.constant 0 : i32
        %ne3A_1518 = arith.cmpi ne, %rem3A_1516, %ne3A_1517 : i32
        %and3A_1519 = arith.andi %ne3A_1515, %ne3A_1518 : i1
        %sub3A_1520 = arith.constant 1 : i32
        %sub3A_1521 = arith.subi %div3A_1500, %sub3A_1520 : i32
        %select_n3A_1522 = arith.select %and3A_1519, %sub3A_1521, %div3A_1500 : i32
        %jit3A_1523 = arith.constant 2 : i32
        %eq3A_1524 = arith.constant 0 : i32
        %eq3A_1525 = arith.cmpi eq, %jit3A_1523, %eq3A_1524 : i32
        %jit3A_1526 = arith.constant 1 : i32
        %select_n3A_1527 = arith.select %eq3A_1525, %jit3A_1526, %jit3A_1523 : i32
        %rem3A_1528 = arith.remsi %select_n3A_1522, %select_n3A_1527 : i32
        %ne3A_1529 = arith.constant 0 : i32
        %ne3A_1530 = arith.cmpi ne, %rem3A_1528, %ne3A_1529 : i32
        %lt3A_1531 = arith.constant 0 : i32
        %lt3A_1532 = arith.cmpi slt, %rem3A_1528, %lt3A_1531 : i32
        %lt3A_1533 = arith.constant 0 : i32
        %lt3A_1534 = arith.cmpi slt, %select_n3A_1527, %lt3A_1533 : i32
        %ne3A_1535 = arith.xori %lt3A_1532, %lt3A_1534 : i1
        %and3A_1536 = arith.andi %ne3A_1535, %ne3A_1530 : i1
        %add3A_1537 = arith.addi %rem3A_1528, %select_n3A_1527 : i32
        %select_n3A_1538 = arith.select %and3A_1536, %add3A_1537, %rem3A_1528 : i32
        %mul3A_1539 = arith.constant 2000 : i32
        %mul3A_1540 = arith.muli %select_n3A_1538, %mul3A_1539 : i32
        %jit3A_1541 = arith.constant 25 : i32
        %eq3A_1542 = arith.constant 0 : i32
        %eq3A_1543 = arith.cmpi eq, %jit3A_1541, %eq3A_1542 : i32
        %jit3A_1544 = arith.constant 1 : i32
        %select_n3A_1545 = arith.select %eq3A_1543, %jit3A_1544, %jit3A_1541 : i32
        %rem3A_1546 = arith.remsi %add3A_1477, %select_n3A_1545 : i32
        %ne3A_1547 = arith.constant 0 : i32
        %ne3A_1548 = arith.cmpi ne, %rem3A_1546, %ne3A_1547 : i32
        %lt3A_1549 = arith.constant 0 : i32
        %lt3A_1550 = arith.cmpi slt, %rem3A_1546, %lt3A_1549 : i32
        %lt3A_1551 = arith.constant 0 : i32
        %lt3A_1552 = arith.cmpi slt, %select_n3A_1545, %lt3A_1551 : i32
        %ne3A_1553 = arith.xori %lt3A_1550, %lt3A_1552 : i1
        %and3A_1554 = arith.andi %ne3A_1553, %ne3A_1548 : i1
        %add3A_1555 = arith.addi %rem3A_1546, %select_n3A_1545 : i32
        %select_n3A_1556 = arith.select %and3A_1554, %add3A_1555, %rem3A_1546 : i32
        %mul3A_1557 = arith.constant 80 : i32
        %mul3A_1558 = arith.muli %select_n3A_1556, %mul3A_1557 : i32
        %add3A_1559 = arith.addi %mul3A_1540, %mul3A_1558 : i32
        %dma_start3A_1560 = arith.constant 1 : i32
        %dma_start3A_1561 = arith.constant 1 : i32
        %dma_start3A_1562 = arith.constant 0 : i32
        %dma_start3A_1563 = arith.constant 0 : i32
        %dma_start3A_1564 = tpu.memref_slice %arg10[%dma_start3A_1560, %dma_start3A_1562, %dma_start3A_1563] : memref<4x80x128xf32, #tpu.memory_space<vmem>> -> memref<1x80x128xf32, #tpu.memory_space<vmem>>
        %dma_start3A_1565 = tpu.memref_squeeze %dma_start3A_1564 : memref<1x80x128xf32, #tpu.memory_space<vmem>> -> memref<80x128xf32, #tpu.memory_space<vmem>>
        %dma_start3A_1566 = tpu.memref_slice %arg8[%add3A_1559] : memref<4000xi32, #tpu.memory_space<vmem>> -> memref<80xi32, #tpu.memory_space<vmem>>
        %dma_start3A_1567 = arith.constant 0 : i32
        %dma_start3A_1568 = arith.constant 0 : i32
        %dma_start3A_1569 = tpu.memref_slice %arg2[%dma_start3A_1567, %dma_start3A_1568] : memref<10000x128xf32, #tpu.memory_space<hbm>> -> memref<10000x128xf32, #tpu.memory_space<hbm>>
        %dma_start3A_1570 = tpu.memref_slice %arg11[%dma_start3A_1561] : memref<4x!tpu.dma_semaphore, #tpu.memory_space<semaphore_mem>> -> memref<1x!tpu.dma_semaphore, #tpu.memory_space<semaphore_mem>>
        %dma_start3A_1571 = tpu.memref_squeeze %dma_start3A_1570 : memref<1x!tpu.dma_semaphore, #tpu.memory_space<semaphore_mem>> -> memref<!tpu.dma_semaphore, #tpu.memory_space<semaphore_mem>>
        tpu.enqueue_indirect_dma source(%dma_start3A_1569 : memref<10000x128xf32, #tpu.memory_space<hbm>>) target(%dma_start3A_1565 : memref<80x128xf32, #tpu.memory_space<vmem>>) offsets(%dma_start3A_1566 : memref<80xi32, #tpu.memory_space<vmem>>) semaphore(%dma_start3A_1571 : memref<!tpu.dma_semaphore, #tpu.memory_space<semaphore_mem>>)
      } else {
      }
      %jit3A_868 = arith.constant 25 : i32
      %div3A_869 = arith.divsi %add3A_839, %jit3A_868 : i32
      %sign3A_870 = arith.constant 0 : i32
      %sign3A_871 = arith.cmpi sgt, %add3A_839, %sign3A_870 : i32
      %sign3A_872 = arith.extui %sign3A_871 : i1 to i32
      %sign3A_873 = arith.constant 0 : i32
      %sign3A_874 = arith.cmpi slt, %add3A_839, %sign3A_873 : i32
      %sign3A_875 = arith.extui %sign3A_874 : i1 to i32
      %sign3A_876 = arith.subi %sign3A_872, %sign3A_875 : i32
      %sign3A_877 = arith.constant 0 : i32
      %sign3A_878 = arith.cmpi sgt, %jit3A_868, %sign3A_877 : i32
      %sign3A_879 = arith.extui %sign3A_878 : i1 to i32
      %sign3A_880 = arith.constant 0 : i32
      %sign3A_881 = arith.cmpi slt, %jit3A_868, %sign3A_880 : i32
      %sign3A_882 = arith.extui %sign3A_881 : i1 to i32
      %sign3A_883 = arith.subi %sign3A_879, %sign3A_882 : i32
      %ne3A_884 = arith.cmpi ne, %sign3A_876, %sign3A_883 : i32
      %rem3A_885 = arith.remsi %add3A_839, %jit3A_868 : i32
      %ne3A_886 = arith.constant 0 : i32
      %ne3A_887 = arith.cmpi ne, %rem3A_885, %ne3A_886 : i32
      %and3A_888 = arith.andi %ne3A_884, %ne3A_887 : i1
      %sub3A_889 = arith.constant 1 : i32
      %sub3A_890 = arith.subi %div3A_869, %sub3A_889 : i32
      %select_n3A_891 = arith.select %and3A_888, %sub3A_890, %div3A_869 : i32
      %jit3A_892 = arith.constant 2 : i32
      %eq3A_893 = arith.constant 0 : i32
      %eq3A_894 = arith.cmpi eq, %jit3A_892, %eq3A_893 : i32
      %jit3A_895 = arith.constant 1 : i32
      %select_n3A_896 = arith.select %eq3A_894, %jit3A_895, %jit3A_892 : i32
      %rem3A_897 = arith.remsi %select_n3A_891, %select_n3A_896 : i32
      %ne3A_898 = arith.constant 0 : i32
      %ne3A_899 = arith.cmpi ne, %rem3A_897, %ne3A_898 : i32
      %lt3A_900 = arith.constant 0 : i32
      %lt3A_901 = arith.cmpi slt, %rem3A_897, %lt3A_900 : i32
      %lt3A_902 = arith.constant 0 : i32
      %lt3A_903 = arith.cmpi slt, %select_n3A_896, %lt3A_902 : i32
      %ne3A_904 = arith.xori %lt3A_901, %lt3A_903 : i1
      %and3A_905 = arith.andi %ne3A_904, %ne3A_899 : i1
      %add3A_906 = arith.addi %rem3A_897, %select_n3A_896 : i32
      %select_n3A_907 = arith.select %and3A_905, %add3A_906, %rem3A_897 : i32
      %mul3A_908 = arith.constant 2000 : i32
      %mul3A_909 = arith.muli %select_n3A_907, %mul3A_908 : i32
      %jit3A_910 = arith.constant 25 : i32
      %eq3A_911 = arith.constant 0 : i32
      %eq3A_912 = arith.cmpi eq, %jit3A_910, %eq3A_911 : i32
      %jit3A_913 = arith.constant 1 : i32
      %select_n3A_914 = arith.select %eq3A_912, %jit3A_913, %jit3A_910 : i32
      %rem3A_915 = arith.remsi %add3A_839, %select_n3A_914 : i32
      %ne3A_916 = arith.constant 0 : i32
      %ne3A_917 = arith.cmpi ne, %rem3A_915, %ne3A_916 : i32
      %lt3A_918 = arith.constant 0 : i32
      %lt3A_919 = arith.cmpi slt, %rem3A_915, %lt3A_918 : i32
      %lt3A_920 = arith.constant 0 : i32
      %lt3A_921 = arith.cmpi slt, %select_n3A_914, %lt3A_920 : i32
      %ne3A_922 = arith.xori %lt3A_919, %lt3A_921 : i1
      %and3A_923 = arith.andi %ne3A_922, %ne3A_917 : i1
      %add3A_924 = arith.addi %rem3A_915, %select_n3A_914 : i32
      %select_n3A_925 = arith.select %and3A_923, %add3A_924, %rem3A_915 : i32
      %mul3A_926 = arith.constant 80 : i32
      %mul3A_927 = arith.muli %select_n3A_925, %mul3A_926 : i32
      %add3A_928 = arith.addi %mul3A_909, %mul3A_927 : i32
      %dma_wait3A_929 = arith.constant 2 : i32
      %dma_wait3A_930 = arith.constant 2 : i32
      %dma_wait3A_931 = arith.constant 0 : i32
      %dma_wait3A_932 = arith.constant 0 : i32
      %dma_wait3A_933 = tpu.memref_slice %arg10[%dma_wait3A_929, %dma_wait3A_931, %dma_wait3A_932] : memref<4x80x128xf32, #tpu.memory_space<vmem>> -> memref<1x80x128xf32, #tpu.memory_space<vmem>>
      %dma_wait3A_934 = tpu.memref_squeeze %dma_wait3A_933 : memref<1x80x128xf32, #tpu.memory_space<vmem>> -> memref<80x128xf32, #tpu.memory_space<vmem>>
      %dma_wait3A_935 = tpu.memref_slice %arg8[%add3A_928] : memref<4000xi32, #tpu.memory_space<vmem>> -> memref<80xi32, #tpu.memory_space<vmem>>
      %dma_wait3A_936 = arith.constant 0 : i32
      %dma_wait3A_937 = arith.constant 0 : i32
      %dma_wait3A_938 = tpu.memref_slice %arg2[%dma_wait3A_936, %dma_wait3A_937] : memref<10000x128xf32, #tpu.memory_space<hbm>> -> memref<10000x128xf32, #tpu.memory_space<hbm>>
      %dma_wait3A_939 = tpu.memref_slice %arg11[%dma_wait3A_930] : memref<4x!tpu.dma_semaphore, #tpu.memory_space<semaphore_mem>> -> memref<1x!tpu.dma_semaphore, #tpu.memory_space<semaphore_mem>>
      %dma_wait3A_940 = tpu.memref_squeeze %dma_wait3A_939 : memref<1x!tpu.dma_semaphore, #tpu.memory_space<semaphore_mem>> -> memref<!tpu.dma_semaphore, #tpu.memory_space<semaphore_mem>>
      tpu.wait_indirect_dma semaphore(%dma_wait3A_940 : memref<!tpu.dma_semaphore, #tpu.memory_space<semaphore_mem>>) src(%dma_wait3A_938 : memref<10000x128xf32, #tpu.memory_space<hbm>>) dst(%dma_wait3A_934 : memref<80x128xf32, #tpu.memory_space<vmem>>)
      %jit3A_941 = arith.constant 25 : i32
      %div3A_942 = arith.divsi %add3A_839, %jit3A_941 : i32
      %sign3A_943 = arith.constant 0 : i32
      %sign3A_944 = arith.cmpi sgt, %add3A_839, %sign3A_943 : i32
      %sign3A_945 = arith.extui %sign3A_944 : i1 to i32
      %sign3A_946 = arith.constant 0 : i32
      %sign3A_947 = arith.cmpi slt, %add3A_839, %sign3A_946 : i32
      %sign3A_948 = arith.extui %sign3A_947 : i1 to i32
      %sign3A_949 = arith.subi %sign3A_945, %sign3A_948 : i32
      %sign3A_950 = arith.constant 0 : i32
      %sign3A_951 = arith.cmpi sgt, %jit3A_941, %sign3A_950 : i32
      %sign3A_952 = arith.extui %sign3A_951 : i1 to i32
      %sign3A_953 = arith.constant 0 : i32
      %sign3A_954 = arith.cmpi slt, %jit3A_941, %sign3A_953 : i32
      %sign3A_955 = arith.extui %sign3A_954 : i1 to i32
      %sign3A_956 = arith.subi %sign3A_952, %sign3A_955 : i32
      %ne3A_957 = arith.cmpi ne, %sign3A_949, %sign3A_956 : i32
      %rem3A_958 = arith.remsi %add3A_839, %jit3A_941 : i32
      %ne3A_959 = arith.constant 0 : i32
      %ne3A_960 = arith.cmpi ne, %rem3A_958, %ne3A_959 : i32
      %and3A_961 = arith.andi %ne3A_957, %ne3A_960 : i1
      %sub3A_962 = arith.constant 1 : i32
      %sub3A_963 = arith.subi %div3A_942, %sub3A_962 : i32
      %select_n3A_964 = arith.select %and3A_961, %sub3A_963, %div3A_942 : i32
      %jit3A_965 = arith.constant 2 : i32
      %eq3A_966 = arith.constant 0 : i32
      %eq3A_967 = arith.cmpi eq, %jit3A_965, %eq3A_966 : i32
      %jit3A_968 = arith.constant 1 : i32
      %select_n3A_969 = arith.select %eq3A_967, %jit3A_968, %jit3A_965 : i32
      %rem3A_970 = arith.remsi %select_n3A_964, %select_n3A_969 : i32
      %ne3A_971 = arith.constant 0 : i32
      %ne3A_972 = arith.cmpi ne, %rem3A_970, %ne3A_971 : i32
      %lt3A_973 = arith.constant 0 : i32
      %lt3A_974 = arith.cmpi slt, %rem3A_970, %lt3A_973 : i32
      %lt3A_975 = arith.constant 0 : i32
      %lt3A_976 = arith.cmpi slt, %select_n3A_969, %lt3A_975 : i32
      %ne3A_977 = arith.xori %lt3A_974, %lt3A_976 : i1
      %and3A_978 = arith.andi %ne3A_977, %ne3A_972 : i1
      %add3A_979 = arith.addi %rem3A_970, %select_n3A_969 : i32
      %select_n3A_980 = arith.select %and3A_978, %add3A_979, %rem3A_970 : i32
      %mul3A_981 = arith.constant 2000 : i32
      %mul3A_982 = arith.muli %select_n3A_980, %mul3A_981 : i32
      %jit3A_983 = arith.constant 25 : i32
      %eq3A_984 = arith.constant 0 : i32
      %eq3A_985 = arith.cmpi eq, %jit3A_983, %eq3A_984 : i32
      %jit3A_986 = arith.constant 1 : i32
      %select_n3A_987 = arith.select %eq3A_985, %jit3A_986, %jit3A_983 : i32
      %rem3A_988 = arith.remsi %add3A_839, %select_n3A_987 : i32
      %ne3A_989 = arith.constant 0 : i32
      %ne3A_990 = arith.cmpi ne, %rem3A_988, %ne3A_989 : i32
      %lt3A_991 = arith.constant 0 : i32
      %lt3A_992 = arith.cmpi slt, %rem3A_988, %lt3A_991 : i32
      %lt3A_993 = arith.constant 0 : i32
      %lt3A_994 = arith.cmpi slt, %select_n3A_987, %lt3A_993 : i32
      %ne3A_995 = arith.xori %lt3A_992, %lt3A_994 : i1
      %and3A_996 = arith.andi %ne3A_995, %ne3A_990 : i1
      %add3A_997 = arith.addi %rem3A_988, %select_n3A_987 : i32
      %select_n3A_998 = arith.select %and3A_996, %add3A_997, %rem3A_988 : i32
      %mul3A_999 = arith.constant 80 : i32
      %mul3A_1000 = arith.muli %select_n3A_998, %mul3A_999 : i32
      %add3A_1001 = arith.addi %mul3A_982, %mul3A_1000 : i32
      %dma_start3A_1002 = arith.constant 2 : i32
      %dma_start3A_1003 = arith.constant 2 : i32
      %dma_start3A_1004 = arith.constant 0 : i32
      %dma_start3A_1005 = arith.constant 0 : i32
      %dma_start3A_1006 = tpu.memref_slice %arg10[%dma_start3A_1002, %dma_start3A_1004, %dma_start3A_1005] : memref<4x80x128xf32, #tpu.memory_space<vmem>> -> memref<1x80x128xf32, #tpu.memory_space<vmem>>
      %dma_start3A_1007 = tpu.memref_squeeze %dma_start3A_1006 : memref<1x80x128xf32, #tpu.memory_space<vmem>> -> memref<80x128xf32, #tpu.memory_space<vmem>>
      %dma_start3A_1008 = tpu.memref_slice %arg9[%add3A_1001] : memref<4000xi32, #tpu.memory_space<vmem>> -> memref<80xi32, #tpu.memory_space<vmem>>
      %dma_start3A_1009 = arith.constant 0 : i32
      %dma_start3A_1010 = arith.constant 0 : i32
      %dma_start3A_1011 = tpu.memref_slice %arg7[%dma_start3A_1009, %dma_start3A_1010] : memref<10000x128xf32, #tpu.memory_space<vmem_shared>> -> memref<10000x128xf32, #tpu.memory_space<vmem_shared>>
      %dma_start3A_1012 = tpu.memref_slice %arg12[%dma_start3A_1003] : memref<4x!tpu.dma_semaphore, #tpu.memory_space<semaphore_mem>> -> memref<1x!tpu.dma_semaphore, #tpu.memory_space<semaphore_mem>>
      %dma_start3A_1013 = tpu.memref_squeeze %dma_start3A_1012 : memref<1x!tpu.dma_semaphore, #tpu.memory_space<semaphore_mem>> -> memref<!tpu.dma_semaphore, #tpu.memory_space<semaphore_mem>>
      tpu.enqueue_indirect_dma source(%dma_start3A_1011 : memref<10000x128xf32, #tpu.memory_space<vmem_shared>>) target(%dma_start3A_1007 : memref<80x128xf32, #tpu.memory_space<vmem>>) offsets(%dma_start3A_1008 : memref<80xi32, #tpu.memory_space<vmem>>) semaphore(%dma_start3A_1013 : memref<!tpu.dma_semaphore, #tpu.memory_space<semaphore_mem>>) {add = true}
      %jit3A_1014 = arith.constant 25 : i32
      %div3A_1015 = arith.divsi %add3A_839, %jit3A_1014 : i32
      %sign3A_1016 = arith.constant 0 : i32
      %sign3A_1017 = arith.cmpi sgt, %add3A_839, %sign3A_1016 : i32
      %sign3A_1018 = arith.extui %sign3A_1017 : i1 to i32
      %sign3A_1019 = arith.constant 0 : i32
      %sign3A_1020 = arith.cmpi slt, %add3A_839, %sign3A_1019 : i32
      %sign3A_1021 = arith.extui %sign3A_1020 : i1 to i32
      %sign3A_1022 = arith.subi %sign3A_1018, %sign3A_1021 : i32
      %sign3A_1023 = arith.constant 0 : i32
      %sign3A_1024 = arith.cmpi sgt, %jit3A_1014, %sign3A_1023 : i32
      %sign3A_1025 = arith.extui %sign3A_1024 : i1 to i32
      %sign3A_1026 = arith.constant 0 : i32
      %sign3A_1027 = arith.cmpi slt, %jit3A_1014, %sign3A_1026 : i32
      %sign3A_1028 = arith.extui %sign3A_1027 : i1 to i32
      %sign3A_1029 = arith.subi %sign3A_1025, %sign3A_1028 : i32
      %ne3A_1030 = arith.cmpi ne, %sign3A_1022, %sign3A_1029 : i32
      %rem3A_1031 = arith.remsi %add3A_839, %jit3A_1014 : i32
      %ne3A_1032 = arith.constant 0 : i32
      %ne3A_1033 = arith.cmpi ne, %rem3A_1031, %ne3A_1032 : i32
      %and3A_1034 = arith.andi %ne3A_1030, %ne3A_1033 : i1
      %sub3A_1035 = arith.constant 1 : i32
      %sub3A_1036 = arith.subi %div3A_1015, %sub3A_1035 : i32
      %select_n3A_1037 = arith.select %and3A_1034, %sub3A_1036, %div3A_1015 : i32
      %jit3A_1038 = arith.constant 2 : i32
      %eq3A_1039 = arith.constant 0 : i32
      %eq3A_1040 = arith.cmpi eq, %jit3A_1038, %eq3A_1039 : i32
      %jit3A_1041 = arith.constant 1 : i32
      %select_n3A_1042 = arith.select %eq3A_1040, %jit3A_1041, %jit3A_1038 : i32
      %rem3A_1043 = arith.remsi %select_n3A_1037, %select_n3A_1042 : i32
      %ne3A_1044 = arith.constant 0 : i32
      %ne3A_1045 = arith.cmpi ne, %rem3A_1043, %ne3A_1044 : i32
      %lt3A_1046 = arith.constant 0 : i32
      %lt3A_1047 = arith.cmpi slt, %rem3A_1043, %lt3A_1046 : i32
      %lt3A_1048 = arith.constant 0 : i32
      %lt3A_1049 = arith.cmpi slt, %select_n3A_1042, %lt3A_1048 : i32
      %ne3A_1050 = arith.xori %lt3A_1047, %lt3A_1049 : i1
      %and3A_1051 = arith.andi %ne3A_1050, %ne3A_1045 : i1
      %add3A_1052 = arith.addi %rem3A_1043, %select_n3A_1042 : i32
      %select_n3A_1053 = arith.select %and3A_1051, %add3A_1052, %rem3A_1043 : i32
      %mul3A_1054 = arith.constant 2000 : i32
      %mul3A_1055 = arith.muli %select_n3A_1053, %mul3A_1054 : i32
      %jit3A_1056 = arith.constant 25 : i32
      %eq3A_1057 = arith.constant 0 : i32
      %eq3A_1058 = arith.cmpi eq, %jit3A_1056, %eq3A_1057 : i32
      %jit3A_1059 = arith.constant 1 : i32
      %select_n3A_1060 = arith.select %eq3A_1058, %jit3A_1059, %jit3A_1056 : i32
      %rem3A_1061 = arith.remsi %add3A_839, %select_n3A_1060 : i32
      %ne3A_1062 = arith.constant 0 : i32
      %ne3A_1063 = arith.cmpi ne, %rem3A_1061, %ne3A_1062 : i32
      %lt3A_1064 = arith.constant 0 : i32
      %lt3A_1065 = arith.cmpi slt, %rem3A_1061, %lt3A_1064 : i32
      %lt3A_1066 = arith.constant 0 : i32
      %lt3A_1067 = arith.cmpi slt, %select_n3A_1060, %lt3A_1066 : i32
      %ne3A_1068 = arith.xori %lt3A_1065, %lt3A_1067 : i1
      %and3A_1069 = arith.andi %ne3A_1068, %ne3A_1063 : i1
      %add3A_1070 = arith.addi %rem3A_1061, %select_n3A_1060 : i32
      %select_n3A_1071 = arith.select %and3A_1069, %add3A_1070, %rem3A_1061 : i32
      %mul3A_1072 = arith.constant 80 : i32
      %mul3A_1073 = arith.muli %select_n3A_1071, %mul3A_1072 : i32
      %add3A_1074 = arith.addi %mul3A_1055, %mul3A_1073 : i32
      %dma_wait3A_1075 = arith.constant 2 : i32
      %dma_wait3A_1076 = arith.constant 2 : i32
      %dma_wait3A_1077 = arith.constant 0 : i32
      %dma_wait3A_1078 = arith.constant 0 : i32
      %dma_wait3A_1079 = tpu.memref_slice %arg10[%dma_wait3A_1075, %dma_wait3A_1077, %dma_wait3A_1078] : memref<4x80x128xf32, #tpu.memory_space<vmem>> -> memref<1x80x128xf32, #tpu.memory_space<vmem>>
      %dma_wait3A_1080 = tpu.memref_squeeze %dma_wait3A_1079 : memref<1x80x128xf32, #tpu.memory_space<vmem>> -> memref<80x128xf32, #tpu.memory_space<vmem>>
      %dma_wait3A_1081 = tpu.memref_slice %arg9[%add3A_1074] : memref<4000xi32, #tpu.memory_space<vmem>> -> memref<80xi32, #tpu.memory_space<vmem>>
      %dma_wait3A_1082 = arith.constant 0 : i32
      %dma_wait3A_1083 = arith.constant 0 : i32
      %dma_wait3A_1084 = tpu.memref_slice %arg7[%dma_wait3A_1082, %dma_wait3A_1083] : memref<10000x128xf32, #tpu.memory_space<vmem_shared>> -> memref<10000x128xf32, #tpu.memory_space<vmem_shared>>
      %dma_wait3A_1085 = tpu.memref_slice %arg12[%dma_wait3A_1076] : memref<4x!tpu.dma_semaphore, #tpu.memory_space<semaphore_mem>> -> memref<1x!tpu.dma_semaphore, #tpu.memory_space<semaphore_mem>>
      %dma_wait3A_1086 = tpu.memref_squeeze %dma_wait3A_1085 : memref<1x!tpu.dma_semaphore, #tpu.memory_space<semaphore_mem>> -> memref<!tpu.dma_semaphore, #tpu.memory_space<semaphore_mem>>
      tpu.wait_indirect_dma semaphore(%dma_wait3A_1086 : memref<!tpu.dma_semaphore, #tpu.memory_space<semaphore_mem>>) src(%dma_wait3A_1084 : memref<10000x128xf32, #tpu.memory_space<vmem_shared>>) dst(%dma_wait3A_1080 : memref<80x128xf32, #tpu.memory_space<vmem>>)
      %jit3A_1087 = arith.constant 25 : i32
      %div3A_1088 = arith.divsi %add3A_839, %jit3A_1087 : i32
      %sign3A_1089 = arith.constant 0 : i32
      %sign3A_1090 = arith.cmpi sgt, %add3A_839, %sign3A_1089 : i32
      %sign3A_1091 = arith.extui %sign3A_1090 : i1 to i32
      %sign3A_1092 = arith.constant 0 : i32
      %sign3A_1093 = arith.cmpi slt, %add3A_839, %sign3A_1092 : i32
      %sign3A_1094 = arith.extui %sign3A_1093 : i1 to i32
      %sign3A_1095 = arith.subi %sign3A_1091, %sign3A_1094 : i32
      %sign3A_1096 = arith.constant 0 : i32
      %sign3A_1097 = arith.cmpi sgt, %jit3A_1087, %sign3A_1096 : i32
      %sign3A_1098 = arith.extui %sign3A_1097 : i1 to i32
      %sign3A_1099 = arith.constant 0 : i32
      %sign3A_1100 = arith.cmpi slt, %jit3A_1087, %sign3A_1099 : i32
      %sign3A_1101 = arith.extui %sign3A_1100 : i1 to i32
      %sign3A_1102 = arith.subi %sign3A_1098, %sign3A_1101 : i32
      %ne3A_1103 = arith.cmpi ne, %sign3A_1095, %sign3A_1102 : i32
      %rem3A_1104 = arith.remsi %add3A_839, %jit3A_1087 : i32
      %ne3A_1105 = arith.constant 0 : i32
      %ne3A_1106 = arith.cmpi ne, %rem3A_1104, %ne3A_1105 : i32
      %and3A_1107 = arith.andi %ne3A_1103, %ne3A_1106 : i1
      %sub3A_1108 = arith.constant 1 : i32
      %sub3A_1109 = arith.subi %div3A_1088, %sub3A_1108 : i32
      %select_n3A_1110 = arith.select %and3A_1107, %sub3A_1109, %div3A_1088 : i32
      %add3A_1111 = arith.constant 2 : i32
      %add3A_1112 = arith.addi %select_n3A_1110, %add3A_1111 : i32
      %jit3A_1113 = arith.constant 25 : i32
      %eq3A_1114 = arith.constant 0 : i32
      %eq3A_1115 = arith.cmpi eq, %jit3A_1113, %eq3A_1114 : i32
      %jit3A_1116 = arith.constant 1 : i32
      %select_n3A_1117 = arith.select %eq3A_1115, %jit3A_1116, %jit3A_1113 : i32
      %rem3A_1118 = arith.remsi %add3A_839, %select_n3A_1117 : i32
      %ne3A_1119 = arith.constant 0 : i32
      %ne3A_1120 = arith.cmpi ne, %rem3A_1118, %ne3A_1119 : i32
      %lt3A_1121 = arith.constant 0 : i32
      %lt3A_1122 = arith.cmpi slt, %rem3A_1118, %lt3A_1121 : i32
      %lt3A_1123 = arith.constant 0 : i32
      %lt3A_1124 = arith.cmpi slt, %select_n3A_1117, %lt3A_1123 : i32
      %ne3A_1125 = arith.xori %lt3A_1122, %lt3A_1124 : i1
      %and3A_1126 = arith.andi %ne3A_1125, %ne3A_1120 : i1
      %add3A_1127 = arith.addi %rem3A_1118, %select_n3A_1117 : i32
      %select_n3A_1128 = arith.select %and3A_1126, %add3A_1127, %rem3A_1118 : i32
      %eq3A_1129 = arith.constant 24 : i32
      %eq3A_1130 = arith.cmpi eq, %select_n3A_1128, %eq3A_1129 : i32
      %lt3A_1131 = arith.constant 5 : i32
      %lt3A_1132 = arith.cmpi slt, %add3A_1112, %lt3A_1131 : i32
      %and3A_1133 = arith.andi %eq3A_1130, %lt3A_1132 : i1
      %convert_element_type3A_1134 = arith.extui %and3A_1133 : i1 to i32
      %cond3A_1135 = arith.constant 0 : i32
      %cond3A_1136 = arith.cmpi ne, %convert_element_type3A_1134, %cond3A_1135 : i32
      scf.if %cond3A_1136 {
        %jit3A_1476 = arith.constant 2 : i32
        %eq3A_1477 = arith.constant 0 : i32
        %eq3A_1478 = arith.cmpi eq, %jit3A_1476, %eq3A_1477 : i32
        %jit3A_1479 = arith.constant 1 : i32
        %select_n3A_1480 = arith.select %eq3A_1478, %jit3A_1479, %jit3A_1476 : i32
        %rem3A_1481 = arith.remsi %add3A_1112, %select_n3A_1480 : i32
        %ne3A_1482 = arith.constant 0 : i32
        %ne3A_1483 = arith.cmpi ne, %rem3A_1481, %ne3A_1482 : i32
        %lt3A_1484 = arith.constant 0 : i32
        %lt3A_1485 = arith.cmpi slt, %rem3A_1481, %lt3A_1484 : i32
        %lt3A_1486 = arith.constant 0 : i32
        %lt3A_1487 = arith.cmpi slt, %select_n3A_1480, %lt3A_1486 : i32
        %ne3A_1488 = arith.xori %lt3A_1485, %lt3A_1487 : i1
        %and3A_1489 = arith.andi %ne3A_1488, %ne3A_1483 : i1
        %add3A_1490 = arith.addi %rem3A_1481, %select_n3A_1480 : i32
        %select_n3A_1491 = arith.select %and3A_1489, %add3A_1490, %rem3A_1481 : i32
        %mul3A_1492 = arith.constant 2000 : i32
        %mul3A_1493 = arith.muli %add3A_1112, %mul3A_1492 : i32
        %add3A_1494 = arith.addi %mul3A_2, %mul3A_1493 : i32
        %mul3A_1495 = arith.constant 2000 : i32
        %mul3A_1496 = arith.muli %select_n3A_1491, %mul3A_1495 : i32
        %dma_start3A_1497 = tpu.memref_slice %arg8[%mul3A_1496] : memref<4000xi32, #tpu.memory_space<vmem>> -> memref<2000xi32, #tpu.memory_space<vmem>>
        %dma_start3A_1498 = tpu.memref_slice %arg4[%add3A_1494] : memref<320000xi32, #tpu.memory_space<hbm>> -> memref<2000xi32, #tpu.memory_space<hbm>>
        %dma_start3A_1499 = tpu.memref_slice %arg14[%select_n3A_1491] : memref<2x!tpu.dma_semaphore, #tpu.memory_space<semaphore_mem>> -> memref<1x!tpu.dma_semaphore, #tpu.memory_space<semaphore_mem>>
        %dma_start3A_1500 = tpu.memref_squeeze %dma_start3A_1499 : memref<1x!tpu.dma_semaphore, #tpu.memory_space<semaphore_mem>> -> memref<!tpu.dma_semaphore, #tpu.memory_space<semaphore_mem>>
        %dma_start3A_1501 = tpu.memref_slice %arg8[%mul3A_1496] : memref<4000xi32, #tpu.memory_space<vmem>> -> memref<2000xi32, #tpu.memory_space<vmem>>
        %dma_start3A_1502 = tpu.memref_slice %arg4[%add3A_1494] : memref<320000xi32, #tpu.memory_space<hbm>> -> memref<2000xi32, #tpu.memory_space<hbm>>
        tpu.enqueue_dma source(%dma_start3A_1502 : memref<2000xi32, #tpu.memory_space<hbm>>) target(%dma_start3A_1501 : memref<2000xi32, #tpu.memory_space<vmem>>) target_semaphore(%dma_start3A_1500 : memref<!tpu.dma_semaphore, #tpu.memory_space<semaphore_mem>>)
        %dma_start3A_1503 = tpu.memref_slice %arg9[%mul3A_1496] : memref<4000xi32, #tpu.memory_space<vmem>> -> memref<2000xi32, #tpu.memory_space<vmem>>
        %dma_start3A_1504 = tpu.memref_slice %arg5[%add3A_1494] : memref<320000xi32, #tpu.memory_space<hbm>> -> memref<2000xi32, #tpu.memory_space<hbm>>
        %dma_start3A_1505 = tpu.memref_slice %arg14[%select_n3A_1491] : memref<2x!tpu.dma_semaphore, #tpu.memory_space<semaphore_mem>> -> memref<1x!tpu.dma_semaphore, #tpu.memory_space<semaphore_mem>>
        %dma_start3A_1506 = tpu.memref_squeeze %dma_start3A_1505 : memref<1x!tpu.dma_semaphore, #tpu.memory_space<semaphore_mem>> -> memref<!tpu.dma_semaphore, #tpu.memory_space<semaphore_mem>>
        %dma_start3A_1507 = tpu.memref_slice %arg9[%mul3A_1496] : memref<4000xi32, #tpu.memory_space<vmem>> -> memref<2000xi32, #tpu.memory_space<vmem>>
        %dma_start3A_1508 = tpu.memref_slice %arg5[%add3A_1494] : memref<320000xi32, #tpu.memory_space<hbm>> -> memref<2000xi32, #tpu.memory_space<hbm>>
        tpu.enqueue_dma source(%dma_start3A_1508 : memref<2000xi32, #tpu.memory_space<hbm>>) target(%dma_start3A_1507 : memref<2000xi32, #tpu.memory_space<vmem>>) target_semaphore(%dma_start3A_1506 : memref<!tpu.dma_semaphore, #tpu.memory_space<semaphore_mem>>)
      } else {
      }
      %mul3A_1137 = arith.constant 80 : i32
      %mul3A_1138 = arith.muli %add3A_839, %mul3A_1137 : i32
      %add3A_1139 = arith.addi %mul3A_2, %mul3A_1138 : i32
      %dma_start3A_1140 = arith.constant 2 : i32
      %dma_start3A_1141 = arith.constant 2 : i32
      %dma_start3A_1142 = arith.constant 0 : i32
      %dma_start3A_1143 = arith.constant 0 : i32
      %dma_start3A_1144 = tpu.memref_slice %arg10[%dma_start3A_1140, %dma_start3A_1142, %dma_start3A_1143] : memref<4x80x128xf32, #tpu.memory_space<vmem>> -> memref<1x80x128xf32, #tpu.memory_space<vmem>>
      %dma_start3A_1145 = tpu.memref_squeeze %dma_start3A_1144 : memref<1x80x128xf32, #tpu.memory_space<vmem>> -> memref<80x128xf32, #tpu.memory_space<vmem>>
      %dma_start3A_1146 = arith.constant 0 : i32
      %dma_start3A_1147 = tpu.memref_slice %arg6[%add3A_1139, %dma_start3A_1146] : memref<320000x128xf32, #tpu.memory_space<hbm>> -> memref<80x128xf32, #tpu.memory_space<hbm>>
      %dma_start3A_1148 = tpu.memref_slice %arg13[%dma_start3A_1141] : memref<4x!tpu.dma_semaphore, #tpu.memory_space<semaphore_mem>> -> memref<1x!tpu.dma_semaphore, #tpu.memory_space<semaphore_mem>>
      %dma_start3A_1149 = tpu.memref_squeeze %dma_start3A_1148 : memref<1x!tpu.dma_semaphore, #tpu.memory_space<semaphore_mem>> -> memref<!tpu.dma_semaphore, #tpu.memory_space<semaphore_mem>>
      %dma_start3A_1150 = arith.constant 0 : i32
      %dma_start3A_1151 = tpu.memref_slice %arg6[%add3A_1139, %dma_start3A_1150] : memref<320000x128xf32, #tpu.memory_space<hbm>> -> memref<80x128xf32, #tpu.memory_space<hbm>>
      %dma_start3A_1152 = arith.constant 0 : i32
      %dma_start3A_1153 = arith.constant 0 : i32
      %dma_start3A_1154 = tpu.memref_slice %arg10[%dma_start3A_1140, %dma_start3A_1152, %dma_start3A_1153] : memref<4x80x128xf32, #tpu.memory_space<vmem>> -> memref<1x80x128xf32, #tpu.memory_space<vmem>>
      %dma_start3A_1155 = tpu.memref_squeeze %dma_start3A_1154 : memref<1x80x128xf32, #tpu.memory_space<vmem>> -> memref<80x128xf32, #tpu.memory_space<vmem>>
      tpu.enqueue_dma source(%dma_start3A_1155 : memref<80x128xf32, #tpu.memory_space<vmem>>) target(%dma_start3A_1151 : memref<80x128xf32, #tpu.memory_space<hbm>>) target_semaphore(%dma_start3A_1149 : memref<!tpu.dma_semaphore, #tpu.memory_space<semaphore_mem>>)
      %mul3A_1156 = arith.constant 4 : i32
      %mul3A_1157 = arith.muli %scan3A_221, %mul3A_1156 : i32
      %add3A_1158 = arith.constant 3 : i32
      %add3A_1159 = arith.addi %mul3A_1157, %add3A_1158 : i32
      %sub3A_1160 = arith.constant 1 : i32
      %sub3A_1161 = arith.subi %add3A_1159, %sub3A_1160 : i32
      %mul3A_1162 = arith.constant 80 : i32
      %mul3A_1163 = arith.muli %sub3A_1161, %mul3A_1162 : i32
      %add3A_1164 = arith.addi %mul3A_2, %mul3A_1163 : i32
      %dma_wait3A_1165 = arith.constant 2 : i32
      %dma_wait3A_1166 = arith.constant 2 : i32
      %dma_wait3A_1167 = arith.constant 0 : i32
      %dma_wait3A_1168 = arith.constant 0 : i32
      %dma_wait3A_1169 = tpu.memref_slice %arg10[%dma_wait3A_1165, %dma_wait3A_1167, %dma_wait3A_1168] : memref<4x80x128xf32, #tpu.memory_space<vmem>> -> memref<1x80x128xf32, #tpu.memory_space<vmem>>
      %dma_wait3A_1170 = tpu.memref_squeeze %dma_wait3A_1169 : memref<1x80x128xf32, #tpu.memory_space<vmem>> -> memref<80x128xf32, #tpu.memory_space<vmem>>
      %dma_wait3A_1171 = arith.constant 0 : i32
      %dma_wait3A_1172 = tpu.memref_slice %arg6[%add3A_1164, %dma_wait3A_1171] : memref<320000x128xf32, #tpu.memory_space<hbm>> -> memref<80x128xf32, #tpu.memory_space<hbm>>
      %dma_wait3A_1173 = tpu.memref_slice %arg13[%dma_wait3A_1166] : memref<4x!tpu.dma_semaphore, #tpu.memory_space<semaphore_mem>> -> memref<1x!tpu.dma_semaphore, #tpu.memory_space<semaphore_mem>>
      %dma_wait3A_1174 = tpu.memref_squeeze %dma_wait3A_1173 : memref<1x!tpu.dma_semaphore, #tpu.memory_space<semaphore_mem>> -> memref<!tpu.dma_semaphore, #tpu.memory_space<semaphore_mem>>
      %dma_wait3A_1175 = arith.constant 0 : i32
      %dma_wait3A_1176 = tpu.memref_slice %arg6[%add3A_1164, %dma_wait3A_1175] : memref<320000x128xf32, #tpu.memory_space<hbm>> -> memref<80x128xf32, #tpu.memory_space<hbm>>
      %dma_wait3A_1177 = arith.constant 0 : i32
      %dma_wait3A_1178 = arith.constant 0 : i32
      %dma_wait3A_1179 = tpu.memref_slice %arg10[%dma_wait3A_1165, %dma_wait3A_1177, %dma_wait3A_1178] : memref<4x80x128xf32, #tpu.memory_space<vmem>> -> memref<1x80x128xf32, #tpu.memory_space<vmem>>
      %dma_wait3A_1180 = tpu.memref_squeeze %dma_wait3A_1179 : memref<1x80x128xf32, #tpu.memory_space<vmem>> -> memref<80x128xf32, #tpu.memory_space<vmem>>
      tpu.wait_dma2 semaphore(%dma_wait3A_1174 : memref<!tpu.dma_semaphore, #tpu.memory_space<semaphore_mem>>) src(%dma_wait3A_1180 : memref<80x128xf32, #tpu.memory_space<vmem>>) dst(%dma_wait3A_1176 : memref<80x128xf32, #tpu.memory_space<hbm>>)
      %add3A_1181 = arith.constant 3 : i32
      %add3A_1182 = arith.addi %add3A_1159, %add3A_1181 : i32
      %lt3A_1183 = arith.constant 125 : i32
      %lt3A_1184 = arith.cmpi slt, %add3A_1182, %lt3A_1183 : i32
      %convert_element_type3A_1185 = arith.extui %lt3A_1184 : i1 to i32
      %cond3A_1186 = arith.constant 0 : i32
      %cond3A_1187 = arith.cmpi ne, %convert_element_type3A_1185, %cond3A_1186 : i32
      scf.if %cond3A_1187 {
        %add3A_1476 = arith.constant 3 : i32
        %add3A_1477 = arith.addi %add3A_1159, %add3A_1476 : i32
        %jit3A_1478 = arith.constant 25 : i32
        %eq3A_1479 = arith.constant 0 : i32
        %eq3A_1480 = arith.cmpi eq, %jit3A_1478, %eq3A_1479 : i32
        %jit3A_1481 = arith.constant 1 : i32
        %select_n3A_1482 = arith.select %eq3A_1480, %jit3A_1481, %jit3A_1478 : i32
        %rem3A_1483 = arith.remsi %add3A_1477, %select_n3A_1482 : i32
        %ne3A_1484 = arith.constant 0 : i32
        %ne3A_1485 = arith.cmpi ne, %rem3A_1483, %ne3A_1484 : i32
        %lt3A_1486 = arith.constant 0 : i32
        %lt3A_1487 = arith.cmpi slt, %rem3A_1483, %lt3A_1486 : i32
        %lt3A_1488 = arith.constant 0 : i32
        %lt3A_1489 = arith.cmpi slt, %select_n3A_1482, %lt3A_1488 : i32
        %ne3A_1490 = arith.xori %lt3A_1487, %lt3A_1489 : i1
        %and3A_1491 = arith.andi %ne3A_1490, %ne3A_1485 : i1
        %add3A_1492 = arith.addi %rem3A_1483, %select_n3A_1482 : i32
        %select_n3A_1493 = arith.select %and3A_1491, %add3A_1492, %rem3A_1483 : i32
        %eq3A_1494 = arith.constant 0 : i32
        %eq3A_1495 = arith.cmpi eq, %select_n3A_1493, %eq3A_1494 : i32
        %convert_element_type3A_1496 = arith.extui %eq3A_1495 : i1 to i32
        %cond3A_1497 = arith.constant 0 : i32
        %cond3A_1498 = arith.cmpi ne, %convert_element_type3A_1496, %cond3A_1497 : i32
        scf.if %cond3A_1498 {
          %jit3A_1572 = arith.constant 25 : i32
          %div3A_1573 = arith.divsi %add3A_1477, %jit3A_1572 : i32
          %sign3A_1574 = arith.constant 0 : i32
          %sign3A_1575 = arith.cmpi sgt, %add3A_1477, %sign3A_1574 : i32
          %sign3A_1576 = arith.extui %sign3A_1575 : i1 to i32
          %sign3A_1577 = arith.constant 0 : i32
          %sign3A_1578 = arith.cmpi slt, %add3A_1477, %sign3A_1577 : i32
          %sign3A_1579 = arith.extui %sign3A_1578 : i1 to i32
          %sign3A_1580 = arith.subi %sign3A_1576, %sign3A_1579 : i32
          %sign3A_1581 = arith.constant 0 : i32
          %sign3A_1582 = arith.cmpi sgt, %jit3A_1572, %sign3A_1581 : i32
          %sign3A_1583 = arith.extui %sign3A_1582 : i1 to i32
          %sign3A_1584 = arith.constant 0 : i32
          %sign3A_1585 = arith.cmpi slt, %jit3A_1572, %sign3A_1584 : i32
          %sign3A_1586 = arith.extui %sign3A_1585 : i1 to i32
          %sign3A_1587 = arith.subi %sign3A_1583, %sign3A_1586 : i32
          %ne3A_1588 = arith.cmpi ne, %sign3A_1580, %sign3A_1587 : i32
          %rem3A_1589 = arith.remsi %add3A_1477, %jit3A_1572 : i32
          %ne3A_1590 = arith.constant 0 : i32
          %ne3A_1591 = arith.cmpi ne, %rem3A_1589, %ne3A_1590 : i32
          %and3A_1592 = arith.andi %ne3A_1588, %ne3A_1591 : i1
          %sub3A_1593 = arith.constant 1 : i32
          %sub3A_1594 = arith.subi %div3A_1573, %sub3A_1593 : i32
          %select_n3A_1595 = arith.select %and3A_1592, %sub3A_1594, %div3A_1573 : i32
          %jit3A_1596 = arith.constant 25 : i32
          %div3A_1597 = arith.divsi %add3A_1477, %jit3A_1596 : i32
          %sign3A_1598 = arith.constant 0 : i32
          %sign3A_1599 = arith.cmpi sgt, %add3A_1477, %sign3A_1598 : i32
          %sign3A_1600 = arith.extui %sign3A_1599 : i1 to i32
          %sign3A_1601 = arith.constant 0 : i32
          %sign3A_1602 = arith.cmpi slt, %add3A_1477, %sign3A_1601 : i32
          %sign3A_1603 = arith.extui %sign3A_1602 : i1 to i32
          %sign3A_1604 = arith.subi %sign3A_1600, %sign3A_1603 : i32
          %sign3A_1605 = arith.constant 0 : i32
          %sign3A_1606 = arith.cmpi sgt, %jit3A_1596, %sign3A_1605 : i32
          %sign3A_1607 = arith.extui %sign3A_1606 : i1 to i32
          %sign3A_1608 = arith.constant 0 : i32
          %sign3A_1609 = arith.cmpi slt, %jit3A_1596, %sign3A_1608 : i32
          %sign3A_1610 = arith.extui %sign3A_1609 : i1 to i32
          %sign3A_1611 = arith.subi %sign3A_1607, %sign3A_1610 : i32
          %ne3A_1612 = arith.cmpi ne, %sign3A_1604, %sign3A_1611 : i32
          %rem3A_1613 = arith.remsi %add3A_1477, %jit3A_1596 : i32
          %ne3A_1614 = arith.constant 0 : i32
          %ne3A_1615 = arith.cmpi ne, %rem3A_1613, %ne3A_1614 : i32
          %and3A_1616 = arith.andi %ne3A_1612, %ne3A_1615 : i1
          %sub3A_1617 = arith.constant 1 : i32
          %sub3A_1618 = arith.subi %div3A_1597, %sub3A_1617 : i32
          %select_n3A_1619 = arith.select %and3A_1616, %sub3A_1618, %div3A_1597 : i32
          %jit3A_1620 = arith.constant 2 : i32
          %eq3A_1621 = arith.constant 0 : i32
          %eq3A_1622 = arith.cmpi eq, %jit3A_1620, %eq3A_1621 : i32
          %jit3A_1623 = arith.constant 1 : i32
          %select_n3A_1624 = arith.select %eq3A_1622, %jit3A_1623, %jit3A_1620 : i32
          %rem3A_1625 = arith.remsi %select_n3A_1619, %select_n3A_1624 : i32
          %ne3A_1626 = arith.constant 0 : i32
          %ne3A_1627 = arith.cmpi ne, %rem3A_1625, %ne3A_1626 : i32
          %lt3A_1628 = arith.constant 0 : i32
          %lt3A_1629 = arith.cmpi slt, %rem3A_1625, %lt3A_1628 : i32
          %lt3A_1630 = arith.constant 0 : i32
          %lt3A_1631 = arith.cmpi slt, %select_n3A_1624, %lt3A_1630 : i32
          %ne3A_1632 = arith.xori %lt3A_1629, %lt3A_1631 : i1
          %and3A_1633 = arith.andi %ne3A_1632, %ne3A_1627 : i1
          %add3A_1634 = arith.addi %rem3A_1625, %select_n3A_1624 : i32
          %select_n3A_1635 = arith.select %and3A_1633, %add3A_1634, %rem3A_1625 : i32
          %mul3A_1636 = arith.constant 2000 : i32
          %mul3A_1637 = arith.muli %select_n3A_1595, %mul3A_1636 : i32
          %add3A_1638 = arith.addi %mul3A_2, %mul3A_1637 : i32
          %mul3A_1639 = arith.constant 2000 : i32
          %mul3A_1640 = arith.muli %select_n3A_1635, %mul3A_1639 : i32
          %dma_wait3A_1641 = tpu.memref_slice %arg8[%mul3A_1640] : memref<4000xi32, #tpu.memory_space<vmem>> -> memref<2000xi32, #tpu.memory_space<vmem>>
          %dma_wait3A_1642 = tpu.memref_slice %arg4[%add3A_1638] : memref<320000xi32, #tpu.memory_space<hbm>> -> memref<2000xi32, #tpu.memory_space<hbm>>
          %dma_wait3A_1643 = tpu.memref_slice %arg14[%select_n3A_1635] : memref<2x!tpu.dma_semaphore, #tpu.memory_space<semaphore_mem>> -> memref<1x!tpu.dma_semaphore, #tpu.memory_space<semaphore_mem>>
          %dma_wait3A_1644 = tpu.memref_squeeze %dma_wait3A_1643 : memref<1x!tpu.dma_semaphore, #tpu.memory_space<semaphore_mem>> -> memref<!tpu.dma_semaphore, #tpu.memory_space<semaphore_mem>>
          %dma_wait3A_1645 = tpu.memref_slice %arg8[%mul3A_1640] : memref<4000xi32, #tpu.memory_space<vmem>> -> memref<2000xi32, #tpu.memory_space<vmem>>
          %dma_wait3A_1646 = tpu.memref_slice %arg4[%add3A_1638] : memref<320000xi32, #tpu.memory_space<hbm>> -> memref<2000xi32, #tpu.memory_space<hbm>>
          tpu.wait_dma2 semaphore(%dma_wait3A_1644 : memref<!tpu.dma_semaphore, #tpu.memory_space<semaphore_mem>>) src(%dma_wait3A_1646 : memref<2000xi32, #tpu.memory_space<hbm>>) dst(%dma_wait3A_1645 : memref<2000xi32, #tpu.memory_space<vmem>>)
          %dma_wait3A_1647 = tpu.memref_slice %arg9[%mul3A_1640] : memref<4000xi32, #tpu.memory_space<vmem>> -> memref<2000xi32, #tpu.memory_space<vmem>>
          %dma_wait3A_1648 = tpu.memref_slice %arg5[%add3A_1638] : memref<320000xi32, #tpu.memory_space<hbm>> -> memref<2000xi32, #tpu.memory_space<hbm>>
          %dma_wait3A_1649 = tpu.memref_slice %arg14[%select_n3A_1635] : memref<2x!tpu.dma_semaphore, #tpu.memory_space<semaphore_mem>> -> memref<1x!tpu.dma_semaphore, #tpu.memory_space<semaphore_mem>>
          %dma_wait3A_1650 = tpu.memref_squeeze %dma_wait3A_1649 : memref<1x!tpu.dma_semaphore, #tpu.memory_space<semaphore_mem>> -> memref<!tpu.dma_semaphore, #tpu.memory_space<semaphore_mem>>
          %dma_wait3A_1651 = tpu.memref_slice %arg9[%mul3A_1640] : memref<4000xi32, #tpu.memory_space<vmem>> -> memref<2000xi32, #tpu.memory_space<vmem>>
          %dma_wait3A_1652 = tpu.memref_slice %arg5[%add3A_1638] : memref<320000xi32, #tpu.memory_space<hbm>> -> memref<2000xi32, #tpu.memory_space<hbm>>
          tpu.wait_dma2 semaphore(%dma_wait3A_1650 : memref<!tpu.dma_semaphore, #tpu.memory_space<semaphore_mem>>) src(%dma_wait3A_1652 : memref<2000xi32, #tpu.memory_space<hbm>>) dst(%dma_wait3A_1651 : memref<2000xi32, #tpu.memory_space<vmem>>)
        } else {
        }
        %jit3A_1499 = arith.constant 25 : i32
        %div3A_1500 = arith.divsi %add3A_1477, %jit3A_1499 : i32
        %sign3A_1501 = arith.constant 0 : i32
        %sign3A_1502 = arith.cmpi sgt, %add3A_1477, %sign3A_1501 : i32
        %sign3A_1503 = arith.extui %sign3A_1502 : i1 to i32
        %sign3A_1504 = arith.constant 0 : i32
        %sign3A_1505 = arith.cmpi slt, %add3A_1477, %sign3A_1504 : i32
        %sign3A_1506 = arith.extui %sign3A_1505 : i1 to i32
        %sign3A_1507 = arith.subi %sign3A_1503, %sign3A_1506 : i32
        %sign3A_1508 = arith.constant 0 : i32
        %sign3A_1509 = arith.cmpi sgt, %jit3A_1499, %sign3A_1508 : i32
        %sign3A_1510 = arith.extui %sign3A_1509 : i1 to i32
        %sign3A_1511 = arith.constant 0 : i32
        %sign3A_1512 = arith.cmpi slt, %jit3A_1499, %sign3A_1511 : i32
        %sign3A_1513 = arith.extui %sign3A_1512 : i1 to i32
        %sign3A_1514 = arith.subi %sign3A_1510, %sign3A_1513 : i32
        %ne3A_1515 = arith.cmpi ne, %sign3A_1507, %sign3A_1514 : i32
        %rem3A_1516 = arith.remsi %add3A_1477, %jit3A_1499 : i32
        %ne3A_1517 = arith.constant 0 : i32
        %ne3A_1518 = arith.cmpi ne, %rem3A_1516, %ne3A_1517 : i32
        %and3A_1519 = arith.andi %ne3A_1515, %ne3A_1518 : i1
        %sub3A_1520 = arith.constant 1 : i32
        %sub3A_1521 = arith.subi %div3A_1500, %sub3A_1520 : i32
        %select_n3A_1522 = arith.select %and3A_1519, %sub3A_1521, %div3A_1500 : i32
        %jit3A_1523 = arith.constant 2 : i32
        %eq3A_1524 = arith.constant 0 : i32
        %eq3A_1525 = arith.cmpi eq, %jit3A_1523, %eq3A_1524 : i32
        %jit3A_1526 = arith.constant 1 : i32
        %select_n3A_1527 = arith.select %eq3A_1525, %jit3A_1526, %jit3A_1523 : i32
        %rem3A_1528 = arith.remsi %select_n3A_1522, %select_n3A_1527 : i32
        %ne3A_1529 = arith.constant 0 : i32
        %ne3A_1530 = arith.cmpi ne, %rem3A_1528, %ne3A_1529 : i32
        %lt3A_1531 = arith.constant 0 : i32
        %lt3A_1532 = arith.cmpi slt, %rem3A_1528, %lt3A_1531 : i32
        %lt3A_1533 = arith.constant 0 : i32
        %lt3A_1534 = arith.cmpi slt, %select_n3A_1527, %lt3A_1533 : i32
        %ne3A_1535 = arith.xori %lt3A_1532, %lt3A_1534 : i1
        %and3A_1536 = arith.andi %ne3A_1535, %ne3A_1530 : i1
        %add3A_1537 = arith.addi %rem3A_1528, %select_n3A_1527 : i32
        %select_n3A_1538 = arith.select %and3A_1536, %add3A_1537, %rem3A_1528 : i32
        %mul3A_1539 = arith.constant 2000 : i32
        %mul3A_1540 = arith.muli %select_n3A_1538, %mul3A_1539 : i32
        %jit3A_1541 = arith.constant 25 : i32
        %eq3A_1542 = arith.constant 0 : i32
        %eq3A_1543 = arith.cmpi eq, %jit3A_1541, %eq3A_1542 : i32
        %jit3A_1544 = arith.constant 1 : i32
        %select_n3A_1545 = arith.select %eq3A_1543, %jit3A_1544, %jit3A_1541 : i32
        %rem3A_1546 = arith.remsi %add3A_1477, %select_n3A_1545 : i32
        %ne3A_1547 = arith.constant 0 : i32
        %ne3A_1548 = arith.cmpi ne, %rem3A_1546, %ne3A_1547 : i32
        %lt3A_1549 = arith.constant 0 : i32
        %lt3A_1550 = arith.cmpi slt, %rem3A_1546, %lt3A_1549 : i32
        %lt3A_1551 = arith.constant 0 : i32
        %lt3A_1552 = arith.cmpi slt, %select_n3A_1545, %lt3A_1551 : i32
        %ne3A_1553 = arith.xori %lt3A_1550, %lt3A_1552 : i1
        %and3A_1554 = arith.andi %ne3A_1553, %ne3A_1548 : i1
        %add3A_1555 = arith.addi %rem3A_1546, %select_n3A_1545 : i32
        %select_n3A_1556 = arith.select %and3A_1554, %add3A_1555, %rem3A_1546 : i32
        %mul3A_1557 = arith.constant 80 : i32
        %mul3A_1558 = arith.muli %select_n3A_1556, %mul3A_1557 : i32
        %add3A_1559 = arith.addi %mul3A_1540, %mul3A_1558 : i32
        %dma_start3A_1560 = arith.constant 2 : i32
        %dma_start3A_1561 = arith.constant 2 : i32
        %dma_start3A_1562 = arith.constant 0 : i32
        %dma_start3A_1563 = arith.constant 0 : i32
        %dma_start3A_1564 = tpu.memref_slice %arg10[%dma_start3A_1560, %dma_start3A_1562, %dma_start3A_1563] : memref<4x80x128xf32, #tpu.memory_space<vmem>> -> memref<1x80x128xf32, #tpu.memory_space<vmem>>
        %dma_start3A_1565 = tpu.memref_squeeze %dma_start3A_1564 : memref<1x80x128xf32, #tpu.memory_space<vmem>> -> memref<80x128xf32, #tpu.memory_space<vmem>>
        %dma_start3A_1566 = tpu.memref_slice %arg8[%add3A_1559] : memref<4000xi32, #tpu.memory_space<vmem>> -> memref<80xi32, #tpu.memory_space<vmem>>
        %dma_start3A_1567 = arith.constant 0 : i32
        %dma_start3A_1568 = arith.constant 0 : i32
        %dma_start3A_1569 = tpu.memref_slice %arg2[%dma_start3A_1567, %dma_start3A_1568] : memref<10000x128xf32, #tpu.memory_space<hbm>> -> memref<10000x128xf32, #tpu.memory_space<hbm>>
        %dma_start3A_1570 = tpu.memref_slice %arg11[%dma_start3A_1561] : memref<4x!tpu.dma_semaphore, #tpu.memory_space<semaphore_mem>> -> memref<1x!tpu.dma_semaphore, #tpu.memory_space<semaphore_mem>>
        %dma_start3A_1571 = tpu.memref_squeeze %dma_start3A_1570 : memref<1x!tpu.dma_semaphore, #tpu.memory_space<semaphore_mem>> -> memref<!tpu.dma_semaphore, #tpu.memory_space<semaphore_mem>>
        tpu.enqueue_indirect_dma source(%dma_start3A_1569 : memref<10000x128xf32, #tpu.memory_space<hbm>>) target(%dma_start3A_1565 : memref<80x128xf32, #tpu.memory_space<vmem>>) offsets(%dma_start3A_1566 : memref<80xi32, #tpu.memory_space<vmem>>) semaphore(%dma_start3A_1571 : memref<!tpu.dma_semaphore, #tpu.memory_space<semaphore_mem>>)
      } else {
      }
      %jit3A_1188 = arith.constant 25 : i32
      %div3A_1189 = arith.divsi %add3A_1159, %jit3A_1188 : i32
      %sign3A_1190 = arith.constant 0 : i32
      %sign3A_1191 = arith.cmpi sgt, %add3A_1159, %sign3A_1190 : i32
      %sign3A_1192 = arith.extui %sign3A_1191 : i1 to i32
      %sign3A_1193 = arith.constant 0 : i32
      %sign3A_1194 = arith.cmpi slt, %add3A_1159, %sign3A_1193 : i32
      %sign3A_1195 = arith.extui %sign3A_1194 : i1 to i32
      %sign3A_1196 = arith.subi %sign3A_1192, %sign3A_1195 : i32
      %sign3A_1197 = arith.constant 0 : i32
      %sign3A_1198 = arith.cmpi sgt, %jit3A_1188, %sign3A_1197 : i32
      %sign3A_1199 = arith.extui %sign3A_1198 : i1 to i32
      %sign3A_1200 = arith.constant 0 : i32
      %sign3A_1201 = arith.cmpi slt, %jit3A_1188, %sign3A_1200 : i32
      %sign3A_1202 = arith.extui %sign3A_1201 : i1 to i32
      %sign3A_1203 = arith.subi %sign3A_1199, %sign3A_1202 : i32
      %ne3A_1204 = arith.cmpi ne, %sign3A_1196, %sign3A_1203 : i32
      %rem3A_1205 = arith.remsi %add3A_1159, %jit3A_1188 : i32
      %ne3A_1206 = arith.constant 0 : i32
      %ne3A_1207 = arith.cmpi ne, %rem3A_1205, %ne3A_1206 : i32
      %and3A_1208 = arith.andi %ne3A_1204, %ne3A_1207 : i1
      %sub3A_1209 = arith.constant 1 : i32
      %sub3A_1210 = arith.subi %div3A_1189, %sub3A_1209 : i32
      %select_n3A_1211 = arith.select %and3A_1208, %sub3A_1210, %div3A_1189 : i32
      %jit3A_1212 = arith.constant 2 : i32
      %eq3A_1213 = arith.constant 0 : i32
      %eq3A_1214 = arith.cmpi eq, %jit3A_1212, %eq3A_1213 : i32
      %jit3A_1215 = arith.constant 1 : i32
      %select_n3A_1216 = arith.select %eq3A_1214, %jit3A_1215, %jit3A_1212 : i32
      %rem3A_1217 = arith.remsi %select_n3A_1211, %select_n3A_1216 : i32
      %ne3A_1218 = arith.constant 0 : i32
      %ne3A_1219 = arith.cmpi ne, %rem3A_1217, %ne3A_1218 : i32
      %lt3A_1220 = arith.constant 0 : i32
      %lt3A_1221 = arith.cmpi slt, %rem3A_1217, %lt3A_1220 : i32
      %lt3A_1222 = arith.constant 0 : i32
      %lt3A_1223 = arith.cmpi slt, %select_n3A_1216, %lt3A_1222 : i32
      %ne3A_1224 = arith.xori %lt3A_1221, %lt3A_1223 : i1
      %and3A_1225 = arith.andi %ne3A_1224, %ne3A_1219 : i1
      %add3A_1226 = arith.addi %rem3A_1217, %select_n3A_1216 : i32
      %select_n3A_1227 = arith.select %and3A_1225, %add3A_1226, %rem3A_1217 : i32
      %mul3A_1228 = arith.constant 2000 : i32
      %mul3A_1229 = arith.muli %select_n3A_1227, %mul3A_1228 : i32
      %jit3A_1230 = arith.constant 25 : i32
      %eq3A_1231 = arith.constant 0 : i32
      %eq3A_1232 = arith.cmpi eq, %jit3A_1230, %eq3A_1231 : i32
      %jit3A_1233 = arith.constant 1 : i32
      %select_n3A_1234 = arith.select %eq3A_1232, %jit3A_1233, %jit3A_1230 : i32
      %rem3A_1235 = arith.remsi %add3A_1159, %select_n3A_1234 : i32
      %ne3A_1236 = arith.constant 0 : i32
      %ne3A_1237 = arith.cmpi ne, %rem3A_1235, %ne3A_1236 : i32
      %lt3A_1238 = arith.constant 0 : i32
      %lt3A_1239 = arith.cmpi slt, %rem3A_1235, %lt3A_1238 : i32
      %lt3A_1240 = arith.constant 0 : i32
      %lt3A_1241 = arith.cmpi slt, %select_n3A_1234, %lt3A_1240 : i32
      %ne3A_1242 = arith.xori %lt3A_1239, %lt3A_1241 : i1
      %and3A_1243 = arith.andi %ne3A_1242, %ne3A_1237 : i1
      %add3A_1244 = arith.addi %rem3A_1235, %select_n3A_1234 : i32
      %select_n3A_1245 = arith.select %and3A_1243, %add3A_1244, %rem3A_1235 : i32
      %mul3A_1246 = arith.constant 80 : i32
      %mul3A_1247 = arith.muli %select_n3A_1245, %mul3A_1246 : i32
      %add3A_1248 = arith.addi %mul3A_1229, %mul3A_1247 : i32
      %dma_wait3A_1249 = arith.constant 3 : i32
      %dma_wait3A_1250 = arith.constant 3 : i32
      %dma_wait3A_1251 = arith.constant 0 : i32
      %dma_wait3A_1252 = arith.constant 0 : i32
      %dma_wait3A_1253 = tpu.memref_slice %arg10[%dma_wait3A_1249, %dma_wait3A_1251, %dma_wait3A_1252] : memref<4x80x128xf32, #tpu.memory_space<vmem>> -> memref<1x80x128xf32, #tpu.memory_space<vmem>>
      %dma_wait3A_1254 = tpu.memref_squeeze %dma_wait3A_1253 : memref<1x80x128xf32, #tpu.memory_space<vmem>> -> memref<80x128xf32, #tpu.memory_space<vmem>>
      %dma_wait3A_1255 = tpu.memref_slice %arg8[%add3A_1248] : memref<4000xi32, #tpu.memory_space<vmem>> -> memref<80xi32, #tpu.memory_space<vmem>>
      %dma_wait3A_1256 = arith.constant 0 : i32
      %dma_wait3A_1257 = arith.constant 0 : i32
      %dma_wait3A_1258 = tpu.memref_slice %arg2[%dma_wait3A_1256, %dma_wait3A_1257] : memref<10000x128xf32, #tpu.memory_space<hbm>> -> memref<10000x128xf32, #tpu.memory_space<hbm>>
      %dma_wait3A_1259 = tpu.memref_slice %arg11[%dma_wait3A_1250] : memref<4x!tpu.dma_semaphore, #tpu.memory_space<semaphore_mem>> -> memref<1x!tpu.dma_semaphore, #tpu.memory_space<semaphore_mem>>
      %dma_wait3A_1260 = tpu.memref_squeeze %dma_wait3A_1259 : memref<1x!tpu.dma_semaphore, #tpu.memory_space<semaphore_mem>> -> memref<!tpu.dma_semaphore, #tpu.memory_space<semaphore_mem>>
      tpu.wait_indirect_dma semaphore(%dma_wait3A_1260 : memref<!tpu.dma_semaphore, #tpu.memory_space<semaphore_mem>>) src(%dma_wait3A_1258 : memref<10000x128xf32, #tpu.memory_space<hbm>>) dst(%dma_wait3A_1254 : memref<80x128xf32, #tpu.memory_space<vmem>>)
      %jit3A_1261 = arith.constant 25 : i32
      %div3A_1262 = arith.divsi %add3A_1159, %jit3A_1261 : i32
      %sign3A_1263 = arith.constant 0 : i32
      %sign3A_1264 = arith.cmpi sgt, %add3A_1159, %sign3A_1263 : i32
      %sign3A_1265 = arith.extui %sign3A_1264 : i1 to i32
      %sign3A_1266 = arith.constant 0 : i32
      %sign3A_1267 = arith.cmpi slt, %add3A_1159, %sign3A_1266 : i32
      %sign3A_1268 = arith.extui %sign3A_1267 : i1 to i32
      %sign3A_1269 = arith.subi %sign3A_1265, %sign3A_1268 : i32
      %sign3A_1270 = arith.constant 0 : i32
      %sign3A_1271 = arith.cmpi sgt, %jit3A_1261, %sign3A_1270 : i32
      %sign3A_1272 = arith.extui %sign3A_1271 : i1 to i32
      %sign3A_1273 = arith.constant 0 : i32
      %sign3A_1274 = arith.cmpi slt, %jit3A_1261, %sign3A_1273 : i32
      %sign3A_1275 = arith.extui %sign3A_1274 : i1 to i32
      %sign3A_1276 = arith.subi %sign3A_1272, %sign3A_1275 : i32
      %ne3A_1277 = arith.cmpi ne, %sign3A_1269, %sign3A_1276 : i32
      %rem3A_1278 = arith.remsi %add3A_1159, %jit3A_1261 : i32
      %ne3A_1279 = arith.constant 0 : i32
      %ne3A_1280 = arith.cmpi ne, %rem3A_1278, %ne3A_1279 : i32
      %and3A_1281 = arith.andi %ne3A_1277, %ne3A_1280 : i1
      %sub3A_1282 = arith.constant 1 : i32
      %sub3A_1283 = arith.subi %div3A_1262, %sub3A_1282 : i32
      %select_n3A_1284 = arith.select %and3A_1281, %sub3A_1283, %div3A_1262 : i32
      %jit3A_1285 = arith.constant 2 : i32
      %eq3A_1286 = arith.constant 0 : i32
      %eq3A_1287 = arith.cmpi eq, %jit3A_1285, %eq3A_1286 : i32
      %jit3A_1288 = arith.constant 1 : i32
      %select_n3A_1289 = arith.select %eq3A_1287, %jit3A_1288, %jit3A_1285 : i32
      %rem3A_1290 = arith.remsi %select_n3A_1284, %select_n3A_1289 : i32
      %ne3A_1291 = arith.constant 0 : i32
      %ne3A_1292 = arith.cmpi ne, %rem3A_1290, %ne3A_1291 : i32
      %lt3A_1293 = arith.constant 0 : i32
      %lt3A_1294 = arith.cmpi slt, %rem3A_1290, %lt3A_1293 : i32
      %lt3A_1295 = arith.constant 0 : i32
      %lt3A_1296 = arith.cmpi slt, %select_n3A_1289, %lt3A_1295 : i32
      %ne3A_1297 = arith.xori %lt3A_1294, %lt3A_1296 : i1
      %and3A_1298 = arith.andi %ne3A_1297, %ne3A_1292 : i1
      %add3A_1299 = arith.addi %rem3A_1290, %select_n3A_1289 : i32
      %select_n3A_1300 = arith.select %and3A_1298, %add3A_1299, %rem3A_1290 : i32
      %mul3A_1301 = arith.constant 2000 : i32
      %mul3A_1302 = arith.muli %select_n3A_1300, %mul3A_1301 : i32
      %jit3A_1303 = arith.constant 25 : i32
      %eq3A_1304 = arith.constant 0 : i32
      %eq3A_1305 = arith.cmpi eq, %jit3A_1303, %eq3A_1304 : i32
      %jit3A_1306 = arith.constant 1 : i32
      %select_n3A_1307 = arith.select %eq3A_1305, %jit3A_1306, %jit3A_1303 : i32
      %rem3A_1308 = arith.remsi %add3A_1159, %select_n3A_1307 : i32
      %ne3A_1309 = arith.constant 0 : i32
      %ne3A_1310 = arith.cmpi ne, %rem3A_1308, %ne3A_1309 : i32
      %lt3A_1311 = arith.constant 0 : i32
      %lt3A_1312 = arith.cmpi slt, %rem3A_1308, %lt3A_1311 : i32
      %lt3A_1313 = arith.constant 0 : i32
      %lt3A_1314 = arith.cmpi slt, %select_n3A_1307, %lt3A_1313 : i32
      %ne3A_1315 = arith.xori %lt3A_1312, %lt3A_1314 : i1
      %and3A_1316 = arith.andi %ne3A_1315, %ne3A_1310 : i1
      %add3A_1317 = arith.addi %rem3A_1308, %select_n3A_1307 : i32
      %select_n3A_1318 = arith.select %and3A_1316, %add3A_1317, %rem3A_1308 : i32
      %mul3A_1319 = arith.constant 80 : i32
      %mul3A_1320 = arith.muli %select_n3A_1318, %mul3A_1319 : i32
      %add3A_1321 = arith.addi %mul3A_1302, %mul3A_1320 : i32
      %dma_start3A_1322 = arith.constant 3 : i32
      %dma_start3A_1323 = arith.constant 3 : i32
      %dma_start3A_1324 = arith.constant 0 : i32
      %dma_start3A_1325 = arith.constant 0 : i32
      %dma_start3A_1326 = tpu.memref_slice %arg10[%dma_start3A_1322, %dma_start3A_1324, %dma_start3A_1325] : memref<4x80x128xf32, #tpu.memory_space<vmem>> -> memref<1x80x128xf32, #tpu.memory_space<vmem>>
      %dma_start3A_1327 = tpu.memref_squeeze %dma_start3A_1326 : memref<1x80x128xf32, #tpu.memory_space<vmem>> -> memref<80x128xf32, #tpu.memory_space<vmem>>
      %dma_start3A_1328 = tpu.memref_slice %arg9[%add3A_1321] : memref<4000xi32, #tpu.memory_space<vmem>> -> memref<80xi32, #tpu.memory_space<vmem>>
      %dma_start3A_1329 = arith.constant 0 : i32
      %dma_start3A_1330 = arith.constant 0 : i32
      %dma_start3A_1331 = tpu.memref_slice %arg7[%dma_start3A_1329, %dma_start3A_1330] : memref<10000x128xf32, #tpu.memory_space<vmem_shared>> -> memref<10000x128xf32, #tpu.memory_space<vmem_shared>>
      %dma_start3A_1332 = tpu.memref_slice %arg12[%dma_start3A_1323] : memref<4x!tpu.dma_semaphore, #tpu.memory_space<semaphore_mem>> -> memref<1x!tpu.dma_semaphore, #tpu.memory_space<semaphore_mem>>
      %dma_start3A_1333 = tpu.memref_squeeze %dma_start3A_1332 : memref<1x!tpu.dma_semaphore, #tpu.memory_space<semaphore_mem>> -> memref<!tpu.dma_semaphore, #tpu.memory_space<semaphore_mem>>
      tpu.enqueue_indirect_dma source(%dma_start3A_1331 : memref<10000x128xf32, #tpu.memory_space<vmem_shared>>) target(%dma_start3A_1327 : memref<80x128xf32, #tpu.memory_space<vmem>>) offsets(%dma_start3A_1328 : memref<80xi32, #tpu.memory_space<vmem>>) semaphore(%dma_start3A_1333 : memref<!tpu.dma_semaphore, #tpu.memory_space<semaphore_mem>>) {add = true}
      %jit3A_1334 = arith.constant 25 : i32
      %div3A_1335 = arith.divsi %add3A_1159, %jit3A_1334 : i32
      %sign3A_1336 = arith.constant 0 : i32
      %sign3A_1337 = arith.cmpi sgt, %add3A_1159, %sign3A_1336 : i32
      %sign3A_1338 = arith.extui %sign3A_1337 : i1 to i32
      %sign3A_1339 = arith.constant 0 : i32
      %sign3A_1340 = arith.cmpi slt, %add3A_1159, %sign3A_1339 : i32
      %sign3A_1341 = arith.extui %sign3A_1340 : i1 to i32
      %sign3A_1342 = arith.subi %sign3A_1338, %sign3A_1341 : i32
      %sign3A_1343 = arith.constant 0 : i32
      %sign3A_1344 = arith.cmpi sgt, %jit3A_1334, %sign3A_1343 : i32
      %sign3A_1345 = arith.extui %sign3A_1344 : i1 to i32
      %sign3A_1346 = arith.constant 0 : i32
      %sign3A_1347 = arith.cmpi slt, %jit3A_1334, %sign3A_1346 : i32
      %sign3A_1348 = arith.extui %sign3A_1347 : i1 to i32
      %sign3A_1349 = arith.subi %sign3A_1345, %sign3A_1348 : i32
      %ne3A_1350 = arith.cmpi ne, %sign3A_1342, %sign3A_1349 : i32
      %rem3A_1351 = arith.remsi %add3A_1159, %jit3A_1334 : i32
      %ne3A_1352 = arith.constant 0 : i32
      %ne3A_1353 = arith.cmpi ne, %rem3A_1351, %ne3A_1352 : i32
      %and3A_1354 = arith.andi %ne3A_1350, %ne3A_1353 : i1
      %sub3A_1355 = arith.constant 1 : i32
      %sub3A_1356 = arith.subi %div3A_1335, %sub3A_1355 : i32
      %select_n3A_1357 = arith.select %and3A_1354, %sub3A_1356, %div3A_1335 : i32
      %jit3A_1358 = arith.constant 2 : i32
      %eq3A_1359 = arith.constant 0 : i32
      %eq3A_1360 = arith.cmpi eq, %jit3A_1358, %eq3A_1359 : i32
      %jit3A_1361 = arith.constant 1 : i32
      %select_n3A_1362 = arith.select %eq3A_1360, %jit3A_1361, %jit3A_1358 : i32
      %rem3A_1363 = arith.remsi %select_n3A_1357, %select_n3A_1362 : i32
      %ne3A_1364 = arith.constant 0 : i32
      %ne3A_1365 = arith.cmpi ne, %rem3A_1363, %ne3A_1364 : i32
      %lt3A_1366 = arith.constant 0 : i32
      %lt3A_1367 = arith.cmpi slt, %rem3A_1363, %lt3A_1366 : i32
      %lt3A_1368 = arith.constant 0 : i32
      %lt3A_1369 = arith.cmpi slt, %select_n3A_1362, %lt3A_1368 : i32
      %ne3A_1370 = arith.xori %lt3A_1367, %lt3A_1369 : i1
      %and3A_1371 = arith.andi %ne3A_1370, %ne3A_1365 : i1
      %add3A_1372 = arith.addi %rem3A_1363, %select_n3A_1362 : i32
      %select_n3A_1373 = arith.select %and3A_1371, %add3A_1372, %rem3A_1363 : i32
      %mul3A_1374 = arith.constant 2000 : i32
      %mul3A_1375 = arith.muli %select_n3A_1373, %mul3A_1374 : i32
      %jit3A_1376 = arith.constant 25 : i32
      %eq3A_1377 = arith.constant 0 : i32
      %eq3A_1378 = arith.cmpi eq, %jit3A_1376, %eq3A_1377 : i32
      %jit3A_1379 = arith.constant 1 : i32
      %select_n3A_1380 = arith.select %eq3A_1378, %jit3A_1379, %jit3A_1376 : i32
      %rem3A_1381 = arith.remsi %add3A_1159, %select_n3A_1380 : i32
      %ne3A_1382 = arith.constant 0 : i32
      %ne3A_1383 = arith.cmpi ne, %rem3A_1381, %ne3A_1382 : i32
      %lt3A_1384 = arith.constant 0 : i32
      %lt3A_1385 = arith.cmpi slt, %rem3A_1381, %lt3A_1384 : i32
      %lt3A_1386 = arith.constant 0 : i32
      %lt3A_1387 = arith.cmpi slt, %select_n3A_1380, %lt3A_1386 : i32
      %ne3A_1388 = arith.xori %lt3A_1385, %lt3A_1387 : i1
      %and3A_1389 = arith.andi %ne3A_1388, %ne3A_1383 : i1
      %add3A_1390 = arith.addi %rem3A_1381, %select_n3A_1380 : i32
      %select_n3A_1391 = arith.select %and3A_1389, %add3A_1390, %rem3A_1381 : i32
      %mul3A_1392 = arith.constant 80 : i32
      %mul3A_1393 = arith.muli %select_n3A_1391, %mul3A_1392 : i32
      %add3A_1394 = arith.addi %mul3A_1375, %mul3A_1393 : i32
      %dma_wait3A_1395 = arith.constant 3 : i32
      %dma_wait3A_1396 = arith.constant 3 : i32
      %dma_wait3A_1397 = arith.constant 0 : i32
      %dma_wait3A_1398 = arith.constant 0 : i32
      %dma_wait3A_1399 = tpu.memref_slice %arg10[%dma_wait3A_1395, %dma_wait3A_1397, %dma_wait3A_1398] : memref<4x80x128xf32, #tpu.memory_space<vmem>> -> memref<1x80x128xf32, #tpu.memory_space<vmem>>
      %dma_wait3A_1400 = tpu.memref_squeeze %dma_wait3A_1399 : memref<1x80x128xf32, #tpu.memory_space<vmem>> -> memref<80x128xf32, #tpu.memory_space<vmem>>
      %dma_wait3A_1401 = tpu.memref_slice %arg9[%add3A_1394] : memref<4000xi32, #tpu.memory_space<vmem>> -> memref<80xi32, #tpu.memory_space<vmem>>
      %dma_wait3A_1402 = arith.constant 0 : i32
      %dma_wait3A_1403 = arith.constant 0 : i32
      %dma_wait3A_1404 = tpu.memref_slice %arg7[%dma_wait3A_1402, %dma_wait3A_1403] : memref<10000x128xf32, #tpu.memory_space<vmem_shared>> -> memref<10000x128xf32, #tpu.memory_space<vmem_shared>>
      %dma_wait3A_1405 = tpu.memref_slice %arg12[%dma_wait3A_1396] : memref<4x!tpu.dma_semaphore, #tpu.memory_space<semaphore_mem>> -> memref<1x!tpu.dma_semaphore, #tpu.memory_space<semaphore_mem>>
      %dma_wait3A_1406 = tpu.memref_squeeze %dma_wait3A_1405 : memref<1x!tpu.dma_semaphore, #tpu.memory_space<semaphore_mem>> -> memref<!tpu.dma_semaphore, #tpu.memory_space<semaphore_mem>>
      tpu.wait_indirect_dma semaphore(%dma_wait3A_1406 : memref<!tpu.dma_semaphore, #tpu.memory_space<semaphore_mem>>) src(%dma_wait3A_1404 : memref<10000x128xf32, #tpu.memory_space<vmem_shared>>) dst(%dma_wait3A_1400 : memref<80x128xf32, #tpu.memory_space<vmem>>)
      %jit3A_1407 = arith.constant 25 : i32
      %div3A_1408 = arith.divsi %add3A_1159, %jit3A_1407 : i32
      %sign3A_1409 = arith.constant 0 : i32
      %sign3A_1410 = arith.cmpi sgt, %add3A_1159, %sign3A_1409 : i32
      %sign3A_1411 = arith.extui %sign3A_1410 : i1 to i32
      %sign3A_1412 = arith.constant 0 : i32
      %sign3A_1413 = arith.cmpi slt, %add3A_1159, %sign3A_1412 : i32
      %sign3A_1414 = arith.extui %sign3A_1413 : i1 to i32
      %sign3A_1415 = arith.subi %sign3A_1411, %sign3A_1414 : i32
      %sign3A_1416 = arith.constant 0 : i32
      %sign3A_1417 = arith.cmpi sgt, %jit3A_1407, %sign3A_1416 : i32
      %sign3A_1418 = arith.extui %sign3A_1417 : i1 to i32
      %sign3A_1419 = arith.constant 0 : i32
      %sign3A_1420 = arith.cmpi slt, %jit3A_1407, %sign3A_1419 : i32
      %sign3A_1421 = arith.extui %sign3A_1420 : i1 to i32
      %sign3A_1422 = arith.subi %sign3A_1418, %sign3A_1421 : i32
      %ne3A_1423 = arith.cmpi ne, %sign3A_1415, %sign3A_1422 : i32
      %rem3A_1424 = arith.remsi %add3A_1159, %jit3A_1407 : i32
      %ne3A_1425 = arith.constant 0 : i32
      %ne3A_1426 = arith.cmpi ne, %rem3A_1424, %ne3A_1425 : i32
      %and3A_1427 = arith.andi %ne3A_1423, %ne3A_1426 : i1
      %sub3A_1428 = arith.constant 1 : i32
      %sub3A_1429 = arith.subi %div3A_1408, %sub3A_1428 : i32
      %select_n3A_1430 = arith.select %and3A_1427, %sub3A_1429, %div3A_1408 : i32
      %add3A_1431 = arith.constant 2 : i32
      %add3A_1432 = arith.addi %select_n3A_1430, %add3A_1431 : i32
      %jit3A_1433 = arith.constant 25 : i32
      %eq3A_1434 = arith.constant 0 : i32
      %eq3A_1435 = arith.cmpi eq, %jit3A_1433, %eq3A_1434 : i32
      %jit3A_1436 = arith.constant 1 : i32
      %select_n3A_1437 = arith.select %eq3A_1435, %jit3A_1436, %jit3A_1433 : i32
      %rem3A_1438 = arith.remsi %add3A_1159, %select_n3A_1437 : i32
      %ne3A_1439 = arith.constant 0 : i32
      %ne3A_1440 = arith.cmpi ne, %rem3A_1438, %ne3A_1439 : i32
      %lt3A_1441 = arith.constant 0 : i32
      %lt3A_1442 = arith.cmpi slt, %rem3A_1438, %lt3A_1441 : i32
      %lt3A_1443 = arith.constant 0 : i32
      %lt3A_1444 = arith.cmpi slt, %select_n3A_1437, %lt3A_1443 : i32
      %ne3A_1445 = arith.xori %lt3A_1442, %lt3A_1444 : i1
      %and3A_1446 = arith.andi %ne3A_1445, %ne3A_1440 : i1
      %add3A_1447 = arith.addi %rem3A_1438, %select_n3A_1437 : i32
      %select_n3A_1448 = arith.select %and3A_1446, %add3A_1447, %rem3A_1438 : i32
      %eq3A_1449 = arith.constant 24 : i32
      %eq3A_1450 = arith.cmpi eq, %select_n3A_1448, %eq3A_1449 : i32
      %lt3A_1451 = arith.constant 5 : i32
      %lt3A_1452 = arith.cmpi slt, %add3A_1432, %lt3A_1451 : i32
      %and3A_1453 = arith.andi %eq3A_1450, %lt3A_1452 : i1
      %convert_element_type3A_1454 = arith.extui %and3A_1453 : i1 to i32
      %cond3A_1455 = arith.constant 0 : i32
      %cond3A_1456 = arith.cmpi ne, %convert_element_type3A_1454, %cond3A_1455 : i32
      scf.if %cond3A_1456 {
        %jit3A_1476 = arith.constant 2 : i32
        %eq3A_1477 = arith.constant 0 : i32
        %eq3A_1478 = arith.cmpi eq, %jit3A_1476, %eq3A_1477 : i32
        %jit3A_1479 = arith.constant 1 : i32
        %select_n3A_1480 = arith.select %eq3A_1478, %jit3A_1479, %jit3A_1476 : i32
        %rem3A_1481 = arith.remsi %add3A_1432, %select_n3A_1480 : i32
        %ne3A_1482 = arith.constant 0 : i32
        %ne3A_1483 = arith.cmpi ne, %rem3A_1481, %ne3A_1482 : i32
        %lt3A_1484 = arith.constant 0 : i32
        %lt3A_1485 = arith.cmpi slt, %rem3A_1481, %lt3A_1484 : i32
        %lt3A_1486 = arith.constant 0 : i32
        %lt3A_1487 = arith.cmpi slt, %select_n3A_1480, %lt3A_1486 : i32
        %ne3A_1488 = arith.xori %lt3A_1485, %lt3A_1487 : i1
        %and3A_1489 = arith.andi %ne3A_1488, %ne3A_1483 : i1
        %add3A_1490 = arith.addi %rem3A_1481, %select_n3A_1480 : i32
        %select_n3A_1491 = arith.select %and3A_1489, %add3A_1490, %rem3A_1481 : i32
        %mul3A_1492 = arith.constant 2000 : i32
        %mul3A_1493 = arith.muli %add3A_1432, %mul3A_1492 : i32
        %add3A_1494 = arith.addi %mul3A_2, %mul3A_1493 : i32
        %mul3A_1495 = arith.constant 2000 : i32
        %mul3A_1496 = arith.muli %select_n3A_1491, %mul3A_1495 : i32
        %dma_start3A_1497 = tpu.memref_slice %arg8[%mul3A_1496] : memref<4000xi32, #tpu.memory_space<vmem>> -> memref<2000xi32, #tpu.memory_space<vmem>>
        %dma_start3A_1498 = tpu.memref_slice %arg4[%add3A_1494] : memref<320000xi32, #tpu.memory_space<hbm>> -> memref<2000xi32, #tpu.memory_space<hbm>>
        %dma_start3A_1499 = tpu.memref_slice %arg14[%select_n3A_1491] : memref<2x!tpu.dma_semaphore, #tpu.memory_space<semaphore_mem>> -> memref<1x!tpu.dma_semaphore, #tpu.memory_space<semaphore_mem>>
        %dma_start3A_1500 = tpu.memref_squeeze %dma_start3A_1499 : memref<1x!tpu.dma_semaphore, #tpu.memory_space<semaphore_mem>> -> memref<!tpu.dma_semaphore, #tpu.memory_space<semaphore_mem>>
        %dma_start3A_1501 = tpu.memref_slice %arg8[%mul3A_1496] : memref<4000xi32, #tpu.memory_space<vmem>> -> memref<2000xi32, #tpu.memory_space<vmem>>
        %dma_start3A_1502 = tpu.memref_slice %arg4[%add3A_1494] : memref<320000xi32, #tpu.memory_space<hbm>> -> memref<2000xi32, #tpu.memory_space<hbm>>
        tpu.enqueue_dma source(%dma_start3A_1502 : memref<2000xi32, #tpu.memory_space<hbm>>) target(%dma_start3A_1501 : memref<2000xi32, #tpu.memory_space<vmem>>) target_semaphore(%dma_start3A_1500 : memref<!tpu.dma_semaphore, #tpu.memory_space<semaphore_mem>>)
        %dma_start3A_1503 = tpu.memref_slice %arg9[%mul3A_1496] : memref<4000xi32, #tpu.memory_space<vmem>> -> memref<2000xi32, #tpu.memory_space<vmem>>
        %dma_start3A_1504 = tpu.memref_slice %arg5[%add3A_1494] : memref<320000xi32, #tpu.memory_space<hbm>> -> memref<2000xi32, #tpu.memory_space<hbm>>
        %dma_start3A_1505 = tpu.memref_slice %arg14[%select_n3A_1491] : memref<2x!tpu.dma_semaphore, #tpu.memory_space<semaphore_mem>> -> memref<1x!tpu.dma_semaphore, #tpu.memory_space<semaphore_mem>>
        %dma_start3A_1506 = tpu.memref_squeeze %dma_start3A_1505 : memref<1x!tpu.dma_semaphore, #tpu.memory_space<semaphore_mem>> -> memref<!tpu.dma_semaphore, #tpu.memory_space<semaphore_mem>>
        %dma_start3A_1507 = tpu.memref_slice %arg9[%mul3A_1496] : memref<4000xi32, #tpu.memory_space<vmem>> -> memref<2000xi32, #tpu.memory_space<vmem>>
        %dma_start3A_1508 = tpu.memref_slice %arg5[%add3A_1494] : memref<320000xi32, #tpu.memory_space<hbm>> -> memref<2000xi32, #tpu.memory_space<hbm>>
        tpu.enqueue_dma source(%dma_start3A_1508 : memref<2000xi32, #tpu.memory_space<hbm>>) target(%dma_start3A_1507 : memref<2000xi32, #tpu.memory_space<vmem>>) target_semaphore(%dma_start3A_1506 : memref<!tpu.dma_semaphore, #tpu.memory_space<semaphore_mem>>)
      } else {
      }
      %mul3A_1457 = arith.constant 80 : i32
      %mul3A_1458 = arith.muli %add3A_1159, %mul3A_1457 : i32
      %add3A_1459 = arith.addi %mul3A_2, %mul3A_1458 : i32
      %dma_start3A_1460 = arith.constant 3 : i32
      %dma_start3A_1461 = arith.constant 3 : i32
      %dma_start3A_1462 = arith.constant 0 : i32
      %dma_start3A_1463 = arith.constant 0 : i32
      %dma_start3A_1464 = tpu.memref_slice %arg10[%dma_start3A_1460, %dma_start3A_1462, %dma_start3A_1463] : memref<4x80x128xf32, #tpu.memory_space<vmem>> -> memref<1x80x128xf32, #tpu.memory_space<vmem>>
      %dma_start3A_1465 = tpu.memref_squeeze %dma_start3A_1464 : memref<1x80x128xf32, #tpu.memory_space<vmem>> -> memref<80x128xf32, #tpu.memory_space<vmem>>
      %dma_start3A_1466 = arith.constant 0 : i32
      %dma_start3A_1467 = tpu.memref_slice %arg6[%add3A_1459, %dma_start3A_1466] : memref<320000x128xf32, #tpu.memory_space<hbm>> -> memref<80x128xf32, #tpu.memory_space<hbm>>
      %dma_start3A_1468 = tpu.memref_slice %arg13[%dma_start3A_1461] : memref<4x!tpu.dma_semaphore, #tpu.memory_space<semaphore_mem>> -> memref<1x!tpu.dma_semaphore, #tpu.memory_space<semaphore_mem>>
      %dma_start3A_1469 = tpu.memref_squeeze %dma_start3A_1468 : memref<1x!tpu.dma_semaphore, #tpu.memory_space<semaphore_mem>> -> memref<!tpu.dma_semaphore, #tpu.memory_space<semaphore_mem>>
      %dma_start3A_1470 = arith.constant 0 : i32
      %dma_start3A_1471 = tpu.memref_slice %arg6[%add3A_1459, %dma_start3A_1470] : memref<320000x128xf32, #tpu.memory_space<hbm>> -> memref<80x128xf32, #tpu.memory_space<hbm>>
      %dma_start3A_1472 = arith.constant 0 : i32
      %dma_start3A_1473 = arith.constant 0 : i32
      %dma_start3A_1474 = tpu.memref_slice %arg10[%dma_start3A_1460, %dma_start3A_1472, %dma_start3A_1473] : memref<4x80x128xf32, #tpu.memory_space<vmem>> -> memref<1x80x128xf32, #tpu.memory_space<vmem>>
      %dma_start3A_1475 = tpu.memref_squeeze %dma_start3A_1474 : memref<1x80x128xf32, #tpu.memory_space<vmem>> -> memref<80x128xf32, #tpu.memory_space<vmem>>
      tpu.enqueue_dma source(%dma_start3A_1475 : memref<80x128xf32, #tpu.memory_space<vmem>>) target(%dma_start3A_1471 : memref<80x128xf32, #tpu.memory_space<hbm>>) target_semaphore(%dma_start3A_1469 : memref<!tpu.dma_semaphore, #tpu.memory_space<semaphore_mem>>)
    }
    %scan3A_127 = arith.constant 31 : i32
    %add3A_128 = arith.constant 9840 : i32
    %add3A_129 = arith.addi %mul3A_2, %add3A_128 : i32
    %dma_wait3A_130 = arith.constant 3 : i32
    %dma_wait3A_131 = arith.constant 3 : i32
    %dma_wait3A_132 = arith.constant 0 : i32
    %dma_wait3A_133 = arith.constant 0 : i32
    %dma_wait3A_134 = tpu.memref_slice %arg10[%dma_wait3A_130, %dma_wait3A_132, %dma_wait3A_133] : memref<4x80x128xf32, #tpu.memory_space<vmem>> -> memref<1x80x128xf32, #tpu.memory_space<vmem>>
    %dma_wait3A_135 = tpu.memref_squeeze %dma_wait3A_134 : memref<1x80x128xf32, #tpu.memory_space<vmem>> -> memref<80x128xf32, #tpu.memory_space<vmem>>
    %dma_wait3A_136 = arith.constant 0 : i32
    %dma_wait3A_137 = tpu.memref_slice %arg6[%add3A_129, %dma_wait3A_136] : memref<320000x128xf32, #tpu.memory_space<hbm>> -> memref<80x128xf32, #tpu.memory_space<hbm>>
    %dma_wait3A_138 = tpu.memref_slice %arg13[%dma_wait3A_131] : memref<4x!tpu.dma_semaphore, #tpu.memory_space<semaphore_mem>> -> memref<1x!tpu.dma_semaphore, #tpu.memory_space<semaphore_mem>>
    %dma_wait3A_139 = tpu.memref_squeeze %dma_wait3A_138 : memref<1x!tpu.dma_semaphore, #tpu.memory_space<semaphore_mem>> -> memref<!tpu.dma_semaphore, #tpu.memory_space<semaphore_mem>>
    %dma_wait3A_140 = arith.constant 0 : i32
    %dma_wait3A_141 = tpu.memref_slice %arg6[%add3A_129, %dma_wait3A_140] : memref<320000x128xf32, #tpu.memory_space<hbm>> -> memref<80x128xf32, #tpu.memory_space<hbm>>
    %dma_wait3A_142 = arith.constant 0 : i32
    %dma_wait3A_143 = arith.constant 0 : i32
    %dma_wait3A_144 = tpu.memref_slice %arg10[%dma_wait3A_130, %dma_wait3A_142, %dma_wait3A_143] : memref<4x80x128xf32, #tpu.memory_space<vmem>> -> memref<1x80x128xf32, #tpu.memory_space<vmem>>
    %dma_wait3A_145 = tpu.memref_squeeze %dma_wait3A_144 : memref<1x80x128xf32, #tpu.memory_space<vmem>> -> memref<80x128xf32, #tpu.memory_space<vmem>>
    tpu.wait_dma2 semaphore(%dma_wait3A_139 : memref<!tpu.dma_semaphore, #tpu.memory_space<semaphore_mem>>) src(%dma_wait3A_145 : memref<80x128xf32, #tpu.memory_space<vmem>>) dst(%dma_wait3A_141 : memref<80x128xf32, #tpu.memory_space<hbm>>)
    %dma_wait3A_146 = arith.constant 0 : i32
    %dma_wait3A_147 = arith.constant 0 : i32
    %dma_wait3A_148 = arith.constant 0 : i32
    %dma_wait3A_149 = arith.constant 0 : i32
    %dma_wait3A_150 = tpu.memref_slice %arg10[%dma_wait3A_146, %dma_wait3A_148, %dma_wait3A_149] : memref<4x80x128xf32, #tpu.memory_space<vmem>> -> memref<1x80x128xf32, #tpu.memory_space<vmem>>
    %dma_wait3A_151 = tpu.memref_squeeze %dma_wait3A_150 : memref<1x80x128xf32, #tpu.memory_space<vmem>> -> memref<80x128xf32, #tpu.memory_space<vmem>>
    %dma_wait3A_152 = arith.constant 1920 : i32
    %dma_wait3A_153 = tpu.memref_slice %arg8[%dma_wait3A_152] : memref<4000xi32, #tpu.memory_space<vmem>> -> memref<80xi32, #tpu.memory_space<vmem>>
    %dma_wait3A_154 = arith.constant 0 : i32
    %dma_wait3A_155 = arith.constant 0 : i32
    %dma_wait3A_156 = tpu.memref_slice %arg2[%dma_wait3A_154, %dma_wait3A_155] : memref<10000x128xf32, #tpu.memory_space<hbm>> -> memref<10000x128xf32, #tpu.memory_space<hbm>>
    %dma_wait3A_157 = tpu.memref_slice %arg11[%dma_wait3A_147] : memref<4x!tpu.dma_semaphore, #tpu.memory_space<semaphore_mem>> -> memref<1x!tpu.dma_semaphore, #tpu.memory_space<semaphore_mem>>
    %dma_wait3A_158 = tpu.memref_squeeze %dma_wait3A_157 : memref<1x!tpu.dma_semaphore, #tpu.memory_space<semaphore_mem>> -> memref<!tpu.dma_semaphore, #tpu.memory_space<semaphore_mem>>
    tpu.wait_indirect_dma semaphore(%dma_wait3A_158 : memref<!tpu.dma_semaphore, #tpu.memory_space<semaphore_mem>>) src(%dma_wait3A_156 : memref<10000x128xf32, #tpu.memory_space<hbm>>) dst(%dma_wait3A_151 : memref<80x128xf32, #tpu.memory_space<vmem>>)
    %dma_start3A_159 = arith.constant 0 : i32
    %dma_start3A_160 = arith.constant 0 : i32
    %dma_start3A_161 = arith.constant 0 : i32
    %dma_start3A_162 = arith.constant 0 : i32
    %dma_start3A_163 = tpu.memref_slice %arg10[%dma_start3A_159, %dma_start3A_161, %dma_start3A_162] : memref<4x80x128xf32, #tpu.memory_space<vmem>> -> memref<1x80x128xf32, #tpu.memory_space<vmem>>
    %dma_start3A_164 = tpu.memref_squeeze %dma_start3A_163 : memref<1x80x128xf32, #tpu.memory_space<vmem>> -> memref<80x128xf32, #tpu.memory_space<vmem>>
    %dma_start3A_165 = arith.constant 1920 : i32
    %dma_start3A_166 = tpu.memref_slice %arg9[%dma_start3A_165] : memref<4000xi32, #tpu.memory_space<vmem>> -> memref<80xi32, #tpu.memory_space<vmem>>
    %dma_start3A_167 = arith.constant 0 : i32
    %dma_start3A_168 = arith.constant 0 : i32
    %dma_start3A_169 = tpu.memref_slice %arg7[%dma_start3A_167, %dma_start3A_168] : memref<10000x128xf32, #tpu.memory_space<vmem_shared>> -> memref<10000x128xf32, #tpu.memory_space<vmem_shared>>
    %dma_start3A_170 = tpu.memref_slice %arg12[%dma_start3A_160] : memref<4x!tpu.dma_semaphore, #tpu.memory_space<semaphore_mem>> -> memref<1x!tpu.dma_semaphore, #tpu.memory_space<semaphore_mem>>
    %dma_start3A_171 = tpu.memref_squeeze %dma_start3A_170 : memref<1x!tpu.dma_semaphore, #tpu.memory_space<semaphore_mem>> -> memref<!tpu.dma_semaphore, #tpu.memory_space<semaphore_mem>>
    tpu.enqueue_indirect_dma source(%dma_start3A_169 : memref<10000x128xf32, #tpu.memory_space<vmem_shared>>) target(%dma_start3A_164 : memref<80x128xf32, #tpu.memory_space<vmem>>) offsets(%dma_start3A_166 : memref<80xi32, #tpu.memory_space<vmem>>) semaphore(%dma_start3A_171 : memref<!tpu.dma_semaphore, #tpu.memory_space<semaphore_mem>>) {add = true}
    %dma_wait3A_172 = arith.constant 0 : i32
    %dma_wait3A_173 = arith.constant 0 : i32
    %dma_wait3A_174 = arith.constant 0 : i32
    %dma_wait3A_175 = arith.constant 0 : i32
    %dma_wait3A_176 = tpu.memref_slice %arg10[%dma_wait3A_172, %dma_wait3A_174, %dma_wait3A_175] : memref<4x80x128xf32, #tpu.memory_space<vmem>> -> memref<1x80x128xf32, #tpu.memory_space<vmem>>
    %dma_wait3A_177 = tpu.memref_squeeze %dma_wait3A_176 : memref<1x80x128xf32, #tpu.memory_space<vmem>> -> memref<80x128xf32, #tpu.memory_space<vmem>>
    %dma_wait3A_178 = arith.constant 1920 : i32
    %dma_wait3A_179 = tpu.memref_slice %arg9[%dma_wait3A_178] : memref<4000xi32, #tpu.memory_space<vmem>> -> memref<80xi32, #tpu.memory_space<vmem>>
    %dma_wait3A_180 = arith.constant 0 : i32
    %dma_wait3A_181 = arith.constant 0 : i32
    %dma_wait3A_182 = tpu.memref_slice %arg7[%dma_wait3A_180, %dma_wait3A_181] : memref<10000x128xf32, #tpu.memory_space<vmem_shared>> -> memref<10000x128xf32, #tpu.memory_space<vmem_shared>>
    %dma_wait3A_183 = tpu.memref_slice %arg12[%dma_wait3A_173] : memref<4x!tpu.dma_semaphore, #tpu.memory_space<semaphore_mem>> -> memref<1x!tpu.dma_semaphore, #tpu.memory_space<semaphore_mem>>
    %dma_wait3A_184 = tpu.memref_squeeze %dma_wait3A_183 : memref<1x!tpu.dma_semaphore, #tpu.memory_space<semaphore_mem>> -> memref<!tpu.dma_semaphore, #tpu.memory_space<semaphore_mem>>
    tpu.wait_indirect_dma semaphore(%dma_wait3A_184 : memref<!tpu.dma_semaphore, #tpu.memory_space<semaphore_mem>>) src(%dma_wait3A_182 : memref<10000x128xf32, #tpu.memory_space<vmem_shared>>) dst(%dma_wait3A_177 : memref<80x128xf32, #tpu.memory_space<vmem>>)
    %add3A_185 = arith.constant 9920 : i32
    %add3A_186 = arith.addi %mul3A_2, %add3A_185 : i32
    %dma_start3A_187 = arith.constant 0 : i32
    %dma_start3A_188 = arith.constant 0 : i32
    %dma_start3A_189 = arith.constant 0 : i32
    %dma_start3A_190 = arith.constant 0 : i32
    %dma_start3A_191 = tpu.memref_slice %arg10[%dma_start3A_187, %dma_start3A_189, %dma_start3A_190] : memref<4x80x128xf32, #tpu.memory_space<vmem>> -> memref<1x80x128xf32, #tpu.memory_space<vmem>>
    %dma_start3A_192 = tpu.memref_squeeze %dma_start3A_191 : memref<1x80x128xf32, #tpu.memory_space<vmem>> -> memref<80x128xf32, #tpu.memory_space<vmem>>
    %dma_start3A_193 = arith.constant 0 : i32
    %dma_start3A_194 = tpu.memref_slice %arg6[%add3A_186, %dma_start3A_193] : memref<320000x128xf32, #tpu.memory_space<hbm>> -> memref<80x128xf32, #tpu.memory_space<hbm>>
    %dma_start3A_195 = tpu.memref_slice %arg13[%dma_start3A_188] : memref<4x!tpu.dma_semaphore, #tpu.memory_space<semaphore_mem>> -> memref<1x!tpu.dma_semaphore, #tpu.memory_space<semaphore_mem>>
    %dma_start3A_196 = tpu.memref_squeeze %dma_start3A_195 : memref<1x!tpu.dma_semaphore, #tpu.memory_space<semaphore_mem>> -> memref<!tpu.dma_semaphore, #tpu.memory_space<semaphore_mem>>
    %dma_start3A_197 = arith.constant 0 : i32
    %dma_start3A_198 = tpu.memref_slice %arg6[%add3A_186, %dma_start3A_197] : memref<320000x128xf32, #tpu.memory_space<hbm>> -> memref<80x128xf32, #tpu.memory_space<hbm>>
    %dma_start3A_199 = arith.constant 0 : i32
    %dma_start3A_200 = arith.constant 0 : i32
    %dma_start3A_201 = tpu.memref_slice %arg10[%dma_start3A_187, %dma_start3A_199, %dma_start3A_200] : memref<4x80x128xf32, #tpu.memory_space<vmem>> -> memref<1x80x128xf32, #tpu.memory_space<vmem>>
    %dma_start3A_202 = tpu.memref_squeeze %dma_start3A_201 : memref<1x80x128xf32, #tpu.memory_space<vmem>> -> memref<80x128xf32, #tpu.memory_space<vmem>>
    tpu.enqueue_dma source(%dma_start3A_202 : memref<80x128xf32, #tpu.memory_space<vmem>>) target(%dma_start3A_198 : memref<80x128xf32, #tpu.memory_space<hbm>>) target_semaphore(%dma_start3A_196 : memref<!tpu.dma_semaphore, #tpu.memory_space<semaphore_mem>>)
    %add3A_203 = arith.constant 9920 : i32
    %add3A_204 = arith.addi %mul3A_2, %add3A_203 : i32
    %dma_wait3A_205 = arith.constant 0 : i32
    %dma_wait3A_206 = arith.constant 0 : i32
    %dma_wait3A_207 = arith.constant 0 : i32
    %dma_wait3A_208 = arith.constant 0 : i32
    %dma_wait3A_209 = tpu.memref_slice %arg10[%dma_wait3A_205, %dma_wait3A_207, %dma_wait3A_208] : memref<4x80x128xf32, #tpu.memory_space<vmem>> -> memref<1x80x128xf32, #tpu.memory_space<vmem>>
    %dma_wait3A_210 = tpu.memref_squeeze %dma_wait3A_209 : memref<1x80x128xf32, #tpu.memory_space<vmem>> -> memref<80x128xf32, #tpu.memory_space<vmem>>
    %dma_wait3A_211 = arith.constant 0 : i32
    %dma_wait3A_212 = tpu.memref_slice %arg6[%add3A_204, %dma_wait3A_211] : memref<320000x128xf32, #tpu.memory_space<hbm>> -> memref<80x128xf32, #tpu.memory_space<hbm>>
    %dma_wait3A_213 = tpu.memref_slice %arg13[%dma_wait3A_206] : memref<4x!tpu.dma_semaphore, #tpu.memory_space<semaphore_mem>> -> memref<1x!tpu.dma_semaphore, #tpu.memory_space<semaphore_mem>>
    %dma_wait3A_214 = tpu.memref_squeeze %dma_wait3A_213 : memref<1x!tpu.dma_semaphore, #tpu.memory_space<semaphore_mem>> -> memref<!tpu.dma_semaphore, #tpu.memory_space<semaphore_mem>>
    %dma_wait3A_215 = arith.constant 0 : i32
    %dma_wait3A_216 = tpu.memref_slice %arg6[%add3A_204, %dma_wait3A_215] : memref<320000x128xf32, #tpu.memory_space<hbm>> -> memref<80x128xf32, #tpu.memory_space<hbm>>
    %dma_wait3A_217 = arith.constant 0 : i32
    %dma_wait3A_218 = arith.constant 0 : i32
    %dma_wait3A_219 = tpu.memref_slice %arg10[%dma_wait3A_205, %dma_wait3A_217, %dma_wait3A_218] : memref<4x80x128xf32, #tpu.memory_space<vmem>> -> memref<1x80x128xf32, #tpu.memory_space<vmem>>
    %dma_wait3A_220 = tpu.memref_squeeze %dma_wait3A_219 : memref<1x80x128xf32, #tpu.memory_space<vmem>> -> memref<80x128xf32, #tpu.memory_space<vmem>>
    tpu.wait_dma2 semaphore(%dma_wait3A_214 : memref<!tpu.dma_semaphore, #tpu.memory_space<semaphore_mem>>) src(%dma_wait3A_220 : memref<80x128xf32, #tpu.memory_space<vmem>>) dst(%dma_wait3A_216 : memref<80x128xf32, #tpu.memory_space<hbm>>)
    return
  }
}

module attributes {stable_mosaic.version = 14 : i64} {
  func.func @_neg_body(%arg0: memref<10000x128xf32, #tpu.memory_space<vmem>>, %arg1: memref<10000x128xf32, #tpu.memory_space<vmem>>) attributes {dimension_semantics = [], scalar_prefetch = 0 : i64, scratch_operands = 0 : i64, tpu.core_type = #tpu.core_type<tc>} {
    %get3A = arith.constant 0 : index
    %get3A_0 = arith.constant 0 : index
    %get3A_1 = vector.load %arg0[%get3A, %get3A_0] : memref<10000x128xf32, #tpu.memory_space<vmem>>, vector<10000x128xf32>
    %sub3A = arith.constant 0.000000e+00 : f32
    %sub3A_2 = vector.broadcast %sub3A : f32 to vector<10000x128xf32>
    %sub3A_3 = arith.subf %sub3A_2, %get3A_1 : vector<10000x128xf32>
    %mul3A = arith.constant 1.000000e+00 : f32
    %mul3A_4 = vector.broadcast %mul3A : f32 to vector<10000x128xf32>
    %mul3A_5 = arith.mulf %sub3A_3, %mul3A_4 : vector<10000x128xf32>
    %swap3A = arith.constant 0 : index
    %swap3A_6 = arith.constant 0 : index
    %swap3A_7 = vector.load %arg1[%swap3A, %swap3A_6] : memref<10000x128xf32, #tpu.memory_space<vmem>>, vector<10000x128xf32>
    tpu.vector_store %arg1[%swap3A, %swap3A_6], %mul3A_5 {strides = array<i32>} : memref<10000x128xf32, #tpu.memory_space<vmem>>, vector<10000x128xf32>,
    return
  }
}

module attributes {stable_mosaic.version = 14 : i64} {
  func.func @_norm_body(%arg0: memref<10000x128xf32, #tpu.memory_space<vmem>>, %arg1: memref<10000x128xf32, #tpu.memory_space<vmem>>) attributes {dimension_semantics = [], scalar_prefetch = 0 : i64, scratch_operands = 0 : i64, tpu.core_type = #tpu.core_type<tc>} {
    %get3A = arith.constant 0 : index
    %get3A_0 = arith.constant 0 : index
    %get3A_1 = vector.load %arg0[%get3A, %get3A_0] : memref<10000x128xf32, #tpu.memory_space<vmem>>, vector<10000x128xf32>
    %sub3A = arith.constant 0.000000e+00 : f32
    %sub3A_2 = vector.broadcast %sub3A : f32 to vector<10000x128xf32>
    %sub3A_3 = arith.subf %get3A_1, %sub3A_2 : vector<10000x128xf32>
    %mul3A = arith.constant 1.000000e+00 : f32
    %mul3A_4 = vector.broadcast %mul3A : f32 to vector<10000x128xf32>
    %mul3A_5 = arith.mulf %sub3A_3, %mul3A_4 : vector<10000x128xf32>
    %swap3A = arith.constant 0 : index
    %swap3A_6 = arith.constant 0 : index
    %swap3A_7 = vector.load %arg1[%swap3A, %swap3A_6] : memref<10000x128xf32, #tpu.memory_space<vmem>>, vector<10000x128xf32>
    tpu.vector_store %arg1[%swap3A, %swap3A_6], %mul3A_5 {strides = array<i32>} : memref<10000x128xf32, #tpu.memory_space<vmem>>, vector<10000x128xf32>,
    return
  }
}

</mosaic_0001>

<sc_bundles>
// kernel: kernel.5.cloned.1.call-start
scs
__scs_entry_jumppad:
0x0: {  	(pc) =	sbr.rel $0x88, $3  }
0x1: {  	(tag) =	ssettag $0x0;
	lr =	simm.s32 $0x1  }
0x2: {  	[smem:$0x3F9F] =	sst lr;
	_ =	strace $0xD0000000  }
0x3: {  	_ = 	snop  }
0x4: {  	_ = 	snop  }
0x5: {  	_ = 	snop  }
0x6: {  	_ = 	snop  }
0x7: {  	_ = 	snop  }
__scs_overlays_trampoline_lowered:
0x8: {  	[smem:$0x3FAE] =	sst s0  }
0x9: {  	[smem:$0x3FAF] =	sst s1  }
0xa: {  	[smem:$0x3FB0] =	sst s2  }
0xb: {  	[smem:$0x3FB1] =	sst s3  }
0xc: {  	[smem:$0x3FB2] =	sst s4  }
0xd: {  	[smem:$0x3FB3] =	sst s5  }
0xe: {  	[smem:$0x3FB4] =	sst s6  }
0xf: {  	[smem:$0x3FB5] =	sst s7  }
0x10: {  	[smem:$0x3FB6] =	sst s8  }
0x11: {  	[smem:$0x3FB7] =	sst s9;
	s0 =	simm.s32 @!p0 $0x0  }
0x12: {  	s1 =	sld [smem:$0x3F9D];
	s0 =	simm.s32 @p0 $0x1  }
0x13: {  	[smem:$0x3FB8] =	sst s0;
	s0 =	simm.s32 @!p1 $0x0  }
0x14: {  	s2 =	sld [smem:$0x3F9C];
	s0 =	simm.s32 @p1 $0x1  }
0x15: {  	[smem:$0x3FB9] =	sst s0;
	s0 =	simm.s32 @!p2 $0x0  }
0x16: {  	s3 =	sld [smem:$0x3FDB];
	s0 =	simm.s32 @p2 $0x1  }
0x17: {  	s4 =	simm.s32 $0x1BF5;
	[smem:$0x3FBB] =	sst s0  }
0x18: {  	s0 =	sld [smem:$0x3F9E];
	_ =	swait.ge [sflag:s4], $0x0  }
0x19: {  	s7 =	sld [smem:$0x3F9F]  }
0x1a: {  	s8 =	sadd.s32 $0xFFFFE003, lr  }
0x1b: {  	s9 =	sadd.s32 $0xFFFFFEF7, lr;
	s5 =	simm.s32 $0xFFFFFFFF;
	p2 =	slt.u32 s8, $0xFFFFF086  }
0x1c: {  	p1 =	slt.u32 s9, $0xF7A;
	s5 =	simm.s32 @!p2 $0x0  }
0x1d: {  	s5 =	simm.s32 @p1 $0x1;
	p0 =	seq.s32 s7, s2  }
0x1e: {  	s7 =	smul.u32 @!p0 $0xF7A, s2;
	p2 =	seq.s32 @!p0 s5, $0x0  }
0x1f: {  	s9 =	smul.u32 $0xF7A, s1;
	s8 =	simm.s32 @!p0 $0x1BF5;
	p2 =	por !p2, p0  }
0x20: {  	[sflag:s8] =	ssyncset.s32 @!p0 $0xFFFFF086;
	s6 =	sadd.s32 @!p0 s3, s7;
	s7 =	simm.s32 @!p0 $0x108  }
0x21: {  	s3 =	sadd.s32 s3, s9;
	s6 =	sadd.s32 @!p0 $0x88, s6;
	s7 =	simm.s32 @p2 $0x1082  }
0x22: {  	[simem:s7], [sflag:s8] =	dma.local @!p0 [hbm:s6], $0xF7A  }
0x23: {  	s9 =	sor.u32 $0xD0000000, s2;
	s6 =	simm.s32 $0x108;
	_ =	swait.ge @!p0 [sflag:s8], $0x0  }
0x24: {  	s3 =	sadd.s32 $0x88, s3;
	s6 =	simm.s32 @!p1 $0x1082;
	[sflag:s4] =	ssyncset.s32 $0xFFFFF086  }
0x25: {  	[simem:s6], [sflag:s4] =	dma.local [hbm:s3], $0xF7A  }
0x26: {  	[smem:$0x3F9F] =	sst s1;
	(tag) =	ssettag s2;
	_ =	strace s9  }
0x27: {  	s1 =	sld [smem:$0x3FAF]  }
0x28: {  	s2 =	sld [smem:$0x3FB0]  }
0x29: {  	s4 =	sld [smem:$0x3FB2]  }
0x2a: {  	p0 =	seq.s32 s5, $0x0;
	s5 =	sld [smem:$0x3FB3]  }
0x2b: {  	s6 =	sld [smem:$0x3FB4]  }
0x2c: {  	s7 =	sld [smem:$0x3FB5]  }
0x2d: {  	s3 =	simm.s32 $0x108;
	s8 =	sld [smem:$0x3FB6]  }
0x2e: {  	s3 =	simm.s32 @!p0 $0x1082;
	s9 =	sld [smem:$0x3FB7]  }
0x2f: {  	lr =	sadd.s32 s0, s3;
	s0 =	sld [smem:$0x3FAE]  }
0x30: {  	s3 =	sld [smem:$0x3FB1]  }
0x31: {  	[smem:$0x3FBA] =	sst s10  }
0x32: {  	s10 =	sld [smem:$0x3FB8];
	_ =	sdelay $0x3  }
0x33: {  	p0 =	seq.s32 s10, $0x1;
	s10 =	sld [smem:$0x3FBA];
	_ =	sdelay $0x3  }
0x34: {  	[smem:$0x3FBA] =	sst s10  }
0x35: {  	s10 =	sld [smem:$0x3FB9];
	_ =	sdelay $0x3  }
0x36: {  	p1 =	seq.s32 s10, $0x1;
	s10 =	sld [smem:$0x3FBA];
	_ =	sdelay $0x3  }
0x37: {  	[smem:$0x3FBA] =	sst s10  }
0x38: {  	s10 =	sld [smem:$0x3FBB]  }
0x39: {  	_ = 	snop;
	(pc) =	sbr.ind lr, $3  }
0x3a: {  	_ = 	snop  }
0x3b: {  	_ = 	snop  }
0x3c: {  	p2 =	seq.s32 s10, $0x1;
	s10 =	sld [smem:$0x3FBA]  }
0x3d: {  	_ =	shalt  }
0x3e: {  	_ =	shalt  }
0x3f: {  	_ =	shalt  }
0x40: {  	_ =	shalt  }
0x41: {  	_ =	shalt  }
0x42: {  	_ =	shalt  }
0x43: {  	_ =	shalt  }
0x44: {  	_ =	shalt  }
0x45: {  	_ =	shalt  }
0x46: {  	_ =	shalt  }
0x47: {  	_ =	shalt  }
0x48: {  	_ =	shalt  }
0x49: {  	_ =	shalt  }
0x4a: {  	_ =	shalt  }
0x4b: {  	_ =	shalt  }
0x4c: {  	_ =	shalt  }
0x4d: {  	_ =	shalt  }
0x4e: {  	_ =	shalt  }
0x4f: {  	_ =	shalt  }
0x50: {  	_ =	shalt  }
0x51: {  	_ =	shalt  }
0x52: {  	_ =	shalt  }
0x53: {  	_ =	shalt  }
0x54: {  	_ =	shalt  }
0x55: {  	_ =	shalt  }
0x56: {  	_ =	shalt  }
0x57: {  	_ =	shalt  }
0x58: {  	_ =	shalt  }
0x59: {  	_ =	shalt  }
0x5a: {  	_ =	shalt  }
0x5b: {  	_ =	shalt  }
0x5c: {  	_ =	shalt  }
0x5d: {  	_ =	shalt  }
0x5e: {  	_ =	shalt  }
0x5f: {  	_ =	shalt  }
0x60: {  	_ =	shalt  }
0x61: {  	_ =	shalt  }
0x62: {  	_ =	shalt  }
0x63: {  	_ =	shalt  }
0x64: {  	_ =	shalt  }
0x65: {  	_ =	shalt  }
0x66: {  	_ =	shalt  }
0x67: {  	_ =	shalt  }
0x68: {  	_ =	shalt  }
0x69: {  	_ =	shalt  }
0x6a: {  	_ =	shalt  }
0x6b: {  	_ =	shalt  }
0x6c: {  	_ =	shalt  }
0x6d: {  	_ =	shalt  }
0x6e: {  	_ =	shalt  }
0x6f: {  	_ =	shalt  }
0x70: {  	_ =	shalt  }
0x71: {  	_ =	shalt  }
0x72: {  	_ =	shalt  }
0x73: {  	_ =	shalt  }
0x74: {  	_ =	shalt  }
0x75: {  	_ =	shalt  }
0x76: {  	_ =	shalt  }
0x77: {  	_ =	shalt  }
0x78: {  	_ =	shalt  }
0x79: {  	_ =	shalt  }
0x7a: {  	_ =	shalt  }
0x7b: {  	_ =	shalt  }
0x7c: {  	_ =	shalt  }
0x7d: {  	_ =	shalt  }
0x7e: {  	_ =	shalt  }
0x7f: {  	_ =	shalt  }
0x80: {  	_ =	shalt  }
0x81: {  	_ =	shalt  }
0x82: {  	_ =	shalt  }
0x83: {  	_ =	shalt  }
0x84: {  	_ =	shalt  }
0x85: {  	_ =	shalt  }
0x86: {  	_ =	shalt  }
0x87: {  	_ =	shalt  }
.Lfunc_end0:
.L_simem_size_0:
called_computation_lowered:
.L_overlay_start_0:
0x88: {  	s2 =	sld [smem:$0x3FD9]  }
0x89: {  	s3 =	sld [smem:$0x3FFE];
	_ =	sdelay $0x1  }
0x8a: {  	s1 =	srdreg.scid  }
0x8b: {  	s0 =	sand.u32 $0x1, s1  }
0x8c: {  	s14 =	sshll.u32 s0, $0xA;
	s2 =	sadd.s32 s3, s2  }
0x8d: {  	s2 =	sadd.s32 s2, s14  }
0x8e: {  	[smem:$0x3FC6] =	sst s2  }
0x8f: {  	_ = 	snop  }
0x90: {  	s2 =	sld [smem:$0x3FD0];
	_ =	sdelay $0x2  }
0x91: {  	s4 =	simm.s32 $0xA;
	s5 =	simm.s32 $0x10;
	s15 =	sld [smem:$0x3FC9]  }
0x92: {  	[smem:s5], [sflag:s4] =	dma.local [hbm:s2], $0x1  }
0x93: {  	_ =	swait.eq [sflag:s4], $0x1  }
0x94: {  	[sflag:s4] =	ssyncset.done $0x0  }
0x95: {  	[sflag:s4] =	ssyncadd.s32 $0xFFFFFFFF  }
0x96: {  	s16 =	sld [smem:$0x11];
	(tm) =	ssettm $0x1  }
0x97: {  	s17 =	sld [smem:$0x3FFB];
	_ =	sdelay $0x3  }
0x98: {  	_ =	strace s17  }
0x99: {  	s4 =	sld [smem:$0x3FFC];
	_ =	sdelay $0x3  }
0x9a: {  	_ =	strace s4  }
0x9b: {  	s4 =	sld [smem:$0x3FFD];
	_ =	sdelay $0x3  }
0x9c: {  	_ =	strace s4  }
0x9d: {  	_ =	strace $0x8FFFFFFF  }
0x9e: {  	s18 =	sld [smem:$0x3FDB];
	_ =	sdelay $0x1  }
0x9f: {  	s19 =	simm.s32 $_scs_section_size  }
0xa0: {  	s6 =	simm.s32 $_size__tile_overlayer_lowered;
	s7 =	simm.s32 $_tile_overlayer_lowered  }
0xa1: {  	s22 =	simm.s32 $0x1BFF;
	s21 =	sshll.u32 s7, $0x1;
	s4 =	sadd.s32 s19, s18  }
0xa2: {  	s8 =	simm.s32 $0x0;
	s20 =	sshll.u32 s6, $0x1;
	s6 =	sadd.s32 s21, s4  }
0xa3: {  	[timem:s8], [sflag:s22] =	dma.local [hbm:s6], s20  }
0xa4: {  	_ =	swait.ge [sflag:s22], s20  }
0xa5: {  	s5 =	ssub.s32 $0x0, s20;
	[sflag:s22] =	ssyncset.done $0x0  }
0xa6: {  	[sflag:s22] =	ssyncadd.s32 s5;
	_ =	sdelay $0x1  }
0xa7: {  	s23 =	simm.s32 $0x1B8B  }
0xa8: {  	_ =	swait.ge [sflag:s23], $0x1  }
0xa9: {  	[sflag:s23] =	ssyncset.done $0x0  }
0xaa: {  	s25 =	simm.s32 $0x1B8E;
	s24 =	sld [smem:$0x3FFE];
	[sflag:s23] =	ssyncadd.s32 $0xFFFFFFFF  }
0xab: {  	s26 =	simm.s32 $execute0_lowered;
	[smem:$0x3FD2] =	sst s25  }
0xac: {  	s6 =	sshll.u32 s26, $0x1;
	_ =	strace $0x80000046;
	[dreg:$0x1] =	wrdreg $0xFFFFFFFF  }
0xad: {  	s28 =	simm.s32 $_size_execute0_lowered;
	s4 =	sadd.s32 s4, s6;
	[dreg:$0x0] =	wrdreg $0x0  }
0xae: {  	s6 =	sshll.u32 s28, $0x1;
	[dreg:$0x2] =	wrdreg s4  }
0xaf: {  	[dreg:$0x3] =	wrdreg s6  }
0xb0: {  	[dreg:$0x4] =	wrdreg $0xC0  }
0xb1: {  	_ =	task [dreg:s8], $0x5FFFF  }
0xb2: {  	[dreg:$0x1] =	wrdreg $0xFFFFFFFF  }
0xb3: {  	[dreg:$0x0] =	wrdreg $0x60  }
0xb4: {  	[dreg:$0x2] =	wrdreg s15  }
0xb5: {  	[dreg:$0x3] =	wrdreg s24  }
0xb6: {  	[dreg:$0x4] =	wrdreg s16  }
0xb7: {  	[dreg:$0x5] =	wrdreg $0x0  }
0xb8: {  	[dreg:$0x6] =	wrdreg $0x9  }
0xb9: {  	_ =	task.clear_ibuf [dreg:s8], $0x7FFFF;
	_ =	strace $0x90000046  }
0xba: {  	s29 =	simm.s32 $0x9;
	_ =	strace $0x80000048  }
0xbb: {  	_ =	swait.ge [sflag:s29], $0x1  }
0xbc: {  	[sflag:s29] =	ssyncadd.s32 $0xFFFFFFFF  }
0xbd: {  	_ =	strace $0x90000048  }
0xbe: {  	_ =	sfence  }
0xbf: {  	s30 =	sld [smem:$0x0];
	_ =	sdelay $0x2  }
0xc0: {  	s31 =	sshll.u32 s1, $0xD;
	s1 =	sshrl.u32 s1, $0x2  }
0xc1: {  	s3 =	sand.u32 $0x4000, s31;
	s1 =	sadd.s32 s1, s30  }
0xc2: {  	s0 =	sor.u32 s3, s0;
	s1 =	sshll.u32 s1, $0x11  }
0xc3: {  	s0 =	sor.u32 s1, s0  }
0xc4: {  	s0 =	sadd.s32 $0x8F2B, s0  }
0xc5: {  	[sflag:s0] =	ssyncadd.remote.s32 $0x1  }
0xc6: {  	_ =	sfence.sel $0xFFFF  }
0xc7: {  	[dreg:$0x0] =	wrdreg $0xFFFFFFFF;
	(pc) =	sbr.abs _section_cstart, $3  }
0xc8: {  	[dreg:$0x1] =	wrdreg $0xFFFFFFFF  }
0xc9: {  	_ =	task.clear_ibuf [dreg:s8], $0x2FFFF;
	_ =	strace $0x9FFFFFFF  }
0xca: {  	(tm) =	ssettm $0x7FFFFFFF  }
0xcb: {  	_ =	shalt  }
tec
execute0_lowered:
.L_overlay_start_1:
0x0: {  	(tag) =	ssettag $0x1  }
0x1: {  	s1 =	rddreg [dreg:$0x0]  }
0x2: {  	s0 =	rddreg [dreg:$0x1]  }
0x3: {  	s16 =	rddreg [dreg:$0x2]  }
0x4: {  	s3 =	rddreg [dreg:$0x3];
	s4 =	simm.s32 $0x0  }
0x5: {  	s2 =	stileid.u32;
	s6 =	srdreg.scid;
	s28 =	simm.s32 $0x50  }
0x6: {  	s18 =	simm.s32 $0x15880;
	s17 =	simm.s32 $0x1A880;
	s29 =	simm.s32 $0x3  }
0x7: {  	s30 =	simm.s32 $0x1A880;
	[smem:$0x7FF] =	sst s4;
	s5 =	smul.u32 $0x2700, s2  }
0x8: {  	s9 =	sand.u32 $0x1, s6;
	s10 =	sshll.u32 s2, $0x1;
	s11 =	smul.u32 $0x4E000, s2  }
0x9: {  	s6 =	sadd.s32 $0x200, s0;
	s20 =	sshll.u32 s2, $0x6;
	s24 =	smul.u32 $0x4E200, s2  }
0xa: {  	p0 =	sne.s32 s2, $0x0;
	_ =	strace $0x80000047;
	s7 =	ssub.s32 $0x2, s9  }
0xb: {  	s10 =	sor.u32 s9, s10;
	s9 =	smul.u32 $0x27100, s9;
	s8 =	sadd.s32 s5, s0  }
0xc: {  	s5 =	sadd.s32 $0xA000, s0;
	s12 =	sshrl.u32 s7, $0x1;
	s11 =	sshrl.u32 s11, $0x2  }
0xd: {  	s0 =	sadd.s32 $0x3AE00, s0;
	s26 =	sadd.s32 s24, s16;
	s24 =	simm.s32 $0x2  }
0xe: {  	s12 =	ssub.s32 s7, s12;
	s7 =	smul.u32 $0x2710, s10;
	s11 =	sadd.s32 s11, s3  }
0xf: {  	s8 =	sadd.s32 $0x13E00, s8;
	[dreg:$0x7] =	wrdreg s0;
	s10 =	smul.u32 $0x138800, s10  }
0x10: {  	[dreg:$0x5] =	wrdreg s8;
	s8 =	sor.u32 $0x1C09, s20;
	s25 =	smax.u32 s12, $0x1  }
0x11: {  	s31 =	sshrl.u32 s11, $0x3;
	s11 =	simm.s32 $0x1D080;
	s12 =	simm.s32 $0x6  }
0x12: {  	[dreg:$0x6] =	wrdreg s8;
	s8 =	sadd.s32 $0x138000, s3;
	s13 =	sshrl.u32 s7, $0x3  }
0x13: {  	s23 =	sshrl.u32 s10, $0x3;
	s15 =	sadd.s32 $0xFA0, s7;
	[dreg:$0xd] =	wrdreg s25  }
0x14: {  	[dreg:$0xf] =	wrdreg s31;
	s25 =	simm.s32 $0x9;
	s14 =	sadd.s32 s5, s13  }
0x15: {  	s21 =	sadd.s32 $0xFA, s13;
	s13 =	sadd.s32 s6, s13;
	[dreg:$0x8] =	wrdreg s14  }
0x16: {  	s10 =	simm.s32 $0x18080;
	[dreg:$0x9] =	wrdreg s13;
	s0 =	sadd.s32 s6, s21  }
0x17: {  	s22 =	sadd.s32 s5, s21;
	[dreg:$0xb] =	wrdreg s0;
	s0 =	sadd.s32 s16, s23  }
0x18: {  	s13 =	simm.s32 $0xA;
	[dreg:$0xa] =	wrdreg s22;
	s0 =	sadd.s32 $0x26C00, s0  }
0x19: {  	s14 =	simm.s32 $0x7;
	[dreg:$0xc] =	wrdreg s0;
	s0 =	sadd.s32 s9, s26  }
0x1a: {  	s22 =	simm.s32 $0x1;
	[dreg:$0xe] =	wrdreg s0;
	s0 =	sshrl.u32 @!p0 s8, $0x3  }
0x1b: {  	s8 =	simm.s32 $0x0;
	[dreg:$0x10] =	wrdreg s0;
	s0 =	simm.s32 $0x5  }
.LBB2_1:
0x1c: {  	[dreg:$0x11] =	wrdreg s8  }
0x1d: {  	s2 =	rddreg [dreg:$0x5]  }
0x1e: {  	s23 =	rddreg [dreg:$0x6]  }
0x1f: {  	s9 =	rddreg [dreg:$0xf]  }
0x20: {  	[spmem:s9], [sflag:s23] =	dma.local [hbm:s2], $0x2700  }
0x21: {  	s8 =	rddreg [dreg:$0x7]  }
0x22: {  	s2 =	simm.s32 @!p0 $0x1C0A;
	s9 =	rddreg [dreg:$0x10]  }
0x23: {  	[spmem:s9], [sflag:s2] =	dma.local @!p0 [hbm:s8], $0x100  }
0x24: {  	s8 =	simm.s32 $0x13880;
	s2 =	rddreg [dreg:$0x8]  }
0x25: {  	[tilespmem:s8], [sflag:$0xD] =	stream.linear.gather [hbm4b:s2+s4], $0x7D0, $0x38;
	[tilespmem:$0x1F880] =	vst v63  }
0x26: {  	s31 =	simm.s32 $0x14880;
	s26 =	rddreg [dreg:$0x9]  }
0x27: {  	[tilespmem:s31], [sflag:$0xD] =	stream.linear.gather [hbm4b:s26+s4], $0x7D0, $0x38;
	[tilespmem:$0x1F880] =	vst v63  }
0x28: {  	s19 =	simm.s32 $0x14050;
	s9 =	rddreg [dreg:$0xa]  }
0x29: {  	[tilespmem:s19], [sflag:$0xE] =	stream.linear.gather [hbm4b:s9+s4], $0x7D0, $0x38;
	[tilespmem:$0x1F880] =	vst v63  }
0x2a: {  	s21 =	simm.s32 $0x15050;
	s20 =	rddreg [dreg:$0xb]  }
0x2b: {  	[tilespmem:s21], [sflag:$0xE] =	stream.linear.gather [hbm4b:s20+s4], $0x7D0, $0x38;
	[tilespmem:$0x1F880] =	vst v63  }
0x2c: {  	_ =	swait.ge [sflag:s25], $0x2700  }
0x2d: {  	[sflag:s25] =	ssyncset.done $0x0  }
0x2e: {  	s2 =	simm.s32 @!p0 $0xA;
	[sflag:s25] =	ssyncadd.s32 $0xFFFFD900  }
0x2f: {  	_ =	swait.ge @!p0 [sflag:s2], $0x100  }
0x30: {  	[sflag:s2] =	ssyncset.done @!p0 $0x0  }
0x31: {  	[sflag:s2] =	ssyncadd.s32 @!p0 $0xFFFFFF00  }
0x32: {  	s23 =	simm.s32 $0xD;
	[bflag:$0x0] =	sbarrier.arrive $0xFFFF  }
0x33: {  	_ =	swait.ge [sflag:s23], $0x7D0  }
0x34: {  	[sflag:s23] =	ssyncset.done $0x0  }
0x35: {  	[sflag:s23] =	ssyncadd.s32 $0xFFFFF830  }
0x36: {  	_ =	swait.ge [sflag:s23], $0x7D0  }
0x37: {  	[sflag:s23] =	ssyncset.done $0x0  }
0x38: {  	[sflag:s23] =	ssyncadd.s32 $0xFFFFF830  }
0x39: {  	[tilespmem:s18], [sflag:$0x1] =	stream.indirect.gather [hbm4b:s1+s28], $0x80, s8, s28, $0xb8;
	[tilespmem:$0x1F880] =	vst v63  }
0x3a: {  	s26 =	simm.s32 $0x138D0;
	s31 =	simm.s32 $0x13920  }
0x3b: {  	[tilespmem:s10], [sflag:$0x2] =	stream.indirect.gather [hbm4b:s1+s28], $0x80, s26, s28, $0xb8;
	[tilespmem:$0x1F880] =	vst v63  }
0x3c: {  	s19 =	simm.s32 $0x0;
	s18 =	rddreg [dreg:$0xe];
	s26 =	simm.s32 $0x0  }
0x3d: {  	[tilespmem:s17], [sflag:$0x3] =	stream.indirect.gather [hbm4b:s1+s28], $0x80, s31, s28, $0xb8;
	[tilespmem:$0x1F880] =	vst v63  }
.LBB2_2:
0x3e: {  	p2 =	seq.s32 s26, $0x0  }
0x3f: {  	s20 =	sadd.s32 @!p2 $0x3, s26  }
0x40: {  	s2 =	smul.u32 @!p2 $0x29, s20;
	_ =	sdelay $0x1  }
0x41: {  	s2 =	sshrl.u32 @!p2 s2, $0xA  }
0x42: {  	s2 =	sand.u32 @!p2 $0x3F, s2  }
0x43: {  	s2 =	smul.u32 @!p2 $0x19, s2;
	_ =	sdelay $0x1  }
0x44: {  	s2 =	ssub.s32 @!p2 s20, s2  }
0x45: {  	s2 =	sand.u32 @!p2 $0xFF, s2  }
0x46: {  	p3 =	sne.s32 @!p2 s2, $0x0  }
0x47: {  	p1 =	por p3, p2  }
0x48: {  	s9 =	smov.u32 s16;
	s31 =	sand.u32 $0xFF, s26;
	s16 =	smul.u32 @!p1 $0x29, s20  }
0x49: {  	s10 =	smov.u32 s7;
	s17 =	simm.s32 @!p2 $0xC;
	s7 =	smul.u32 $0x29, s31  }
0x4a: {  	_ =	swait.ge @!p2 [sflag:s17], $0x2800;
	s20 =	simm.s32 @p2 $0x3;
	s16 =	sshrl.u32 @!p1 s16, $0xA  }
0x4b: {  	[sflag:s17] =	ssyncset.done @!p2 $0x0;
	s23 =	sand.u32 $0xFF, s20;
	s16 =	sand.u32 @!p1 $0x1, s16  }
0x4c: {  	p3 =	por !p3, p2;
	s21 =	sadd.s32 @!p1 $0xD, s16;
	s16 =	smul.u32 $0x29, s23  }
0x4d: {  	s7 =	sshrl.u32 s7, $0xA;
	[sflag:s17] =	ssyncadd.s32 @!p2 $0xFFFFD800;
	s2 =	simm.s32 @p3 $0x0  }
0x4e: {  	s2 =	simm.s32 @p2 $0x3;
	_ =	swait.ge @!p1 [sflag:s21], $0x7D0;
	s17 =	sshrl.u32 s16, $0xA  }
0x4f: {  	s2 =	smul.u32 $0x140, s2;
	[sflag:s21] =	ssyncset.done @!p1 $0x0;
	s16 =	sand.u32 $0x1, s17  }
0x50: {  	[sflag:s21] =	ssyncadd.s32 @!p1 $0xFFFFF830;
	p2 =	seq.s32 s16, $0x1;
	s16 =	simm.s32 $0x7D0  }
0x51: {  	s2 =	sshrl.u32 s2, $0x2;
	_ =	swait.ge @!p1 [sflag:s21], $0x7D0;
	s16 =	simm.s32 @!p2 $0x0  }
0x52: {  	s8 =	smul.u32 $0x19, s7;
	[sflag:s21] =	ssyncset.done @!p1 $0x0;
	s2 =	sadd.s32 s2, s16  }
0x53: {  	s31 =	sand.u32 $0x1, s7;
	[sflag:s21] =	ssyncadd.s32 @!p1 $0xFFFFF830;
	s2 =	sadd.s32 $0x13880, s2  }
0x54: {  	[tilespmem:s11], [sflag:$0x4] =	stream.indirect.gather [hbm4b:s1+s28], $0x80, s2, s28, $0xb8;
	[tilespmem:$0x1F880] =	vst v63  }
0x55: {  	p1 =	seq.s32 s31, $0x1;
	s31 =	simm.s32 $0x7D0;
	s2 =	ssub.s32 s26, s8  }
0x56: {  	s31 =	simm.s32 @!p1 $0x0;
	p1 =	sgt.u32 s19, $0x12;
	s21 =	sand.u32 $0xFF, s2  }
0x57: {  	s2 =	sand.u32 @!p1 $0xFF, s2;
	s21 =	smul.u32 $0x140, s21  }
0x58: {  	s8 =	simm.s32 $0x15880;
	_ =	swait.ge [sflag:s22], $0x2800;
	p2 =	sne.s32 @!p1 s2, $0x18  }
0x59: {  	[sflag:s22] =	ssyncset.done $0x0;
	p1 =	por p2, p1;
	s21 =	sshrl.u32 s21, $0x2  }
0x5a: {  	[sflag:s22] =	ssyncadd.s32 $0xFFFFD800;
	s2 =	smul.u32 @!p1 $0x7D0, s7;
	s21 =	sadd.s32 s21, s31  }
0x5b: {  	s7 =	sand.u32 @!p1 $0x1, s7;
	s23 =	simm.s32 @!p1 $0x0;
	s21 =	sadd.s32 $0x14880, s21  }
0x5c: {  	[tilespmem:s8], [sflag:$0x5] =	stream.indirect.gather.add.f32 [spmem:s3], $0x80, s21, s28, $0xb8;
	[tilespmem:$0x1F880] =	vst v63  }
0x5d: {  	s31 =	smul.u32 @!p1 $0x7D0, s7;
	s2 =	sadd.s32 @!p1 s2, s15;
	_ =	swait.ge [sflag:s0], $0x2800  }
0x5e: {  	s7 =	sadd.s32 @!p1 $0xD, s7;
	s2 =	sshrl.u32 @!p1 s2, $0x3;
	[sflag:s0] =	ssyncset.done $0x0  }
0x5f: {  	s21 =	sadd.s32 @!p1 $0x13880, s31;
	s22 =	sadd.s32 @!p1 s5, s2;
	[sflag:s0] =	ssyncadd.s32 $0xFFFFD800  }
0x60: {  	[tilespmem:s21], [sflag:s7] =	stream.linear.gather @!p1 [hbm4b:s22+s23], $0x7D0, $0x38;
	[tilespmem:$0x1F880] =	vst v63  }
0x61: {  	s21 =	sadd.s32 $0x4, s26  }
0x62: {  	s22 =	sand.u32 $0xFF, s21  }
0x63: {  	s31 =	sadd.s32 @!p1 $0x14880, s31;
	s2 =	sadd.s32 @!p1 s6, s2;
	s22 =	smul.u32 $0x29, s22  }
0x64: {  	[tilespmem:s31], [sflag:s7] =	stream.linear.gather @!p1 [hbm4b:s2+s23], $0x7D0, $0x38;
	[tilespmem:$0x1F880] =	vst v63  }
0x65: {  	s2 =	sshrl.u32 s22, $0xA  }
0x66: {  	s23 =	smul.u32 $0x19, s2  }
0x67: {  	[hbm4b:s18+s4] =	stream.linear.scatter [tilespmem:s8], [sflag:$0x9], $0x2800, $0x38;
	[tilespmem:$0x1F880] =	vst v63  }
0x68: {  	s7 =	ssub.s32 s21, s23  }
0x69: {  	s7 =	sand.u32 $0xFF, s7  }
0x6a: {  	_ =	swait.ge [sflag:s25], $0x2800;
	p1 =	sne.s32 s7, $0x0  }
0x6b: {  	[sflag:s25] =	ssyncset.done $0x0;
	s23 =	sadd.s32 $0x1, s26;
	s22 =	sand.u32 @!p1 $0x1, s2  }
0x6c: {  	[sflag:s25] =	ssyncadd.s32 $0xFFFFD800;
	s31 =	smul.u32 $0x29, s23;
	s22 =	sadd.s32 @!p1 $0xD, s22  }
0x6d: {  	s7 =	smul.u32 $0x140, s7;
	s2 =	sand.u32 $0x1, s2;
	_ =	swait.ge @!p1 [sflag:s22], $0x7D0  }
0x6e: {  	p2 =	seq.s32 s2, $0x1;
	s2 =	simm.s32 $0x7D0;
	[sflag:s22] =	ssyncset.done @!p1 $0x0  }
0x6f: {  	s7 =	sshrl.u32 s7, $0x2;
	s2 =	simm.s32 @!p2 $0x0;
	[sflag:s22] =	ssyncadd.s32 @!p1 $0xFFFFF830  }
0x70: {  	s31 =	sshrl.u32 s31, $0xA;
	s2 =	sadd.s32 s7, s2;
	_ =	swait.ge @!p1 [sflag:s22], $0x7D0  }
0x71: {  	s7 =	sand.u32 $0x3F, s31;
	s31 =	sand.u32 $0x1, s31;
	[sflag:s22] =	ssyncset.done @!p1 $0x0  }
0x72: {  	s2 =	sadd.s32 $0x13880, s2;
	[sflag:s22] =	ssyncadd.s32 @!p1 $0xFFFFF830;
	s22 =	smul.u32 $0x19, s7  }
0x73: {  	[tilespmem:s8], [sflag:$0x1] =	stream.indirect.gather [hbm4b:s1+s28], $0x80, s2, s28, $0xb8;
	[tilespmem:$0x1F880] =	vst v63  }
0x74: {  	p1 =	seq.s32 s31, $0x1;
	s31 =	simm.s32 $0x7D0;
	s2 =	ssub.s32 s23, s22  }
0x75: {  	s31 =	simm.s32 @!p1 $0x0;
	p1 =	sgt.u32 s23, $0x4A;
	s22 =	sand.u32 $0xFF, s2  }
0x76: {  	_ =	swait.ge [sflag:s24], $0x2800;
	s2 =	sand.u32 @!p1 $0xFF, s2;
	s22 =	smul.u32 $0x140, s22  }
0x77: {  	s8 =	simm.s32 $0x18080;
	[sflag:s24] =	ssyncset.done $0x0;
	p2 =	sne.s32 @!p1 s2, $0x18  }
0x78: {  	[sflag:s24] =	ssyncadd.s32 $0xFFFFD800;
	p2 =	por p2, p1;
	s22 =	sshrl.u32 s22, $0x2  }
0x79: {  	p1 =	seq.s32 s26, $0x78;
	s2 =	smul.u32 @!p2 $0x7D0, s7;
	s22 =	sadd.s32 s22, s31  }
0x7a: {  	s7 =	sand.u32 @!p2 $0x1, s7;
	s24 =	simm.s32 @!p2 $0x0;
	s22 =	sadd.s32 $0x14880, s22  }
0x7b: {  	[tilespmem:s8], [sflag:$0x6] =	stream.indirect.gather.add.f32 [spmem:s3], $0x80, s22, s28, $0xb8;
	[tilespmem:$0x1F880] =	vst v63  }
0x7c: {  	s2 =	sadd.s32 @!p2 s2, s15;
	s22 =	smul.u32 @!p2 $0x7D0, s7;
	_ =	swait.ge [sflag:s12], $0x2800  }
0x7d: {  	s7 =	sadd.s32 @!p2 $0xD, s7;
	s2 =	sshrl.u32 @!p2 s2, $0x3;
	[sflag:s12] =	ssyncset.done $0x0  }
0x7e: {  	s31 =	sadd.s32 @!p2 s5, s2;
	s23 =	sadd.s32 @!p2 $0x13880, s22;
	[sflag:s12] =	ssyncadd.s32 $0xFFFFD800  }
0x7f: {  	[tilespmem:s23], [sflag:s7] =	stream.linear.gather @!p2 [hbm4b:s31+s24], $0x7D0, $0x38;
	[tilespmem:$0x1F880] =	vst v63  }
0x80: {  	s23 =	sadd.s32 @!p1 $0x5, s26  }
0x81: {  	s31 =	sand.u32 @!p1 $0xFF, s23  }
0x82: {  	s2 =	sadd.s32 @!p2 s6, s2;
	s22 =	sadd.s32 @!p2 $0x14880, s22;
	s31 =	smul.u32 @!p1 $0x29, s31  }
0x83: {  	[tilespmem:s22], [sflag:s7] =	stream.linear.gather @!p2 [hbm4b:s2+s24], $0x7D0, $0x38;
	[tilespmem:$0x1F880] =	vst v63  }
0x84: {  	s2 =	sshrl.u32 @!p1 s31, $0xA  }
0x85: {  	s31 =	sadd.s32 $0x500, s18;
	s22 =	smul.u32 @!p1 $0x19, s2  }
0x86: {  	[hbm4b:s31+s4] =	stream.linear.scatter [tilespmem:s8], [sflag:$0xA], $0x2800, $0x38;
	[tilespmem:$0x1F880] =	vst v63  }
0x87: {  	s7 =	ssub.s32 @!p1 s23, s22  }
0x88: {  	_ =	swait.ge [sflag:s13], $0x2800;
	s7 =	sand.u32 @!p1 $0xFF, s7  }
0x89: {  	[sflag:s13] =	ssyncset.done $0x0;
	p2 =	sne.s32 @!p1 s7, $0x0  }
0x8a: {  	s23 =	sadd.s32 $0x2, s26;
	[sflag:s13] =	ssyncadd.s32 $0xFFFFD800;
	p2 =	por p2, p1  }
0x8b: {  	s8 =	smul.u32 $0x29, s23;
	s22 =	sand.u32 @!p2 $0x1, s2;
	s2 =	sand.u32 @!p1 $0x1, s2  }
0x8c: {  	s22 =	sadd.s32 @!p2 $0xD, s22;
	p3 =	seq.s32 @!p1 s2, $0x1;
	s2 =	smul.u32 @!p1 $0x140, s7  }
0x8d: {  	s7 =	simm.s32 @!p1 $0x7D0;
	_ =	swait.ge @!p2 [sflag:s22], $0x7D0;
	p3 =	por !p3, p1  }
0x8e: {  	[sflag:s22] =	ssyncset.done @!p2 $0x0;
	s7 =	simm.s32 @p3 $0x0;
	s2 =	sshrl.u32 @!p1 s2, $0x2  }
0x8f: {  	[sflag:s22] =	ssyncadd.s32 @!p2 $0xFFFFF830;
	s2 =	sadd.s32 @!p1 s2, s7;
	s7 =	sshrl.u32 s8, $0xA  }
0x90: {  	_ =	swait.ge @!p2 [sflag:s22], $0x7D0;
	s24 =	sand.u32 $0x3F, s7  }
0x91: {  	s31 =	simm.s32 @!p1 $0x18080;
	[sflag:s22] =	ssyncset.done @!p2 $0x0;
	s8 =	smul.u32 $0x19, s24  }
0x92: {  	[sflag:s22] =	ssyncadd.s32 @!p2 $0xFFFFF830;
	s22 =	sadd.s32 @!p1 $0x13880, s2;
	s2 =	simm.s32 @!p1 $0x50  }
0x93: {  	[tilespmem:s31], [sflag:$0x2] =	stream.indirect.gather @!p1 [hbm4b:s1+s2], $0x80, s22, s2, $0xb8;
	[tilespmem:$0x1F880] =	vst v63  }
0x94: {  	s8 =	ssub.s32 s23, s8  }
0x95: {  	s31 =	sand.u32 $0xFF, s8  }
0x96: {  	s7 =	sand.u32 $0x1, s7;
	s22 =	smul.u32 $0x140, s31  }
0x97: {  	p2 =	seq.s32 s7, $0x1;
	s7 =	simm.s32 $0x7D0  }
0x98: {  	s7 =	simm.s32 @!p2 $0x0;
	_ =	swait.ge [sflag:s29], $0x2800;
	s22 =	sshrl.u32 s22, $0x2  }
0x99: {  	[sflag:s29] =	ssyncset.done $0x0;
	s7 =	sadd.s32 s22, s7  }
0x9a: {  	p2 =	sgt.u32 s23, $0x4A;
	[sflag:s29] =	ssyncadd.s32 $0xFFFFD800;
	s7 =	sadd.s32 $0x14880, s7  }
0x9b: {  	[tilespmem:s30], [sflag:$0x7] =	stream.indirect.gather.add.f32 [spmem:s3], $0x80, s7, s28, $0xb8;
	[tilespmem:$0x1F880] =	vst v63  }
0x9c: {  	s7 =	sand.u32 @!p2 $0xFF, s8  }
0x9d: {  	p3 =	sne.s32 @!p2 s7, $0x18  }
0x9e: {  	p2 =	por p3, p2  }
0x9f: {  	s7 =	smul.u32 @!p2 $0x7D0, s24  }
0xa0: {  	_ =	swait.ge [sflag:s14], $0x2800;
	s8 =	sand.u32 @!p2 $0x1, s24  }
0xa1: {  	[sflag:s14] =	ssyncset.done $0x0;
	s22 =	smul.u32 @!p2 $0x7D0, s8;
	s7 =	sadd.s32 @!p2 s7, s15  }
0xa2: {  	[sflag:s14] =	ssyncadd.s32 $0xFFFFD800;
	s31 =	simm.s32 @!p2 $0x0;
	s7 =	sshrl.u32 @!p2 s7, $0x3  }
0xa3: {  	s8 =	sadd.s32 @!p2 $0xD, s8;
	s23 =	sadd.s32 @!p2 $0x13880, s22;
	s24 =	sadd.s32 @!p2 s5, s7  }
0xa4: {  	[tilespmem:s23], [sflag:s8] =	stream.linear.gather @!p2 [hbm4b:s24+s31], $0x7D0, $0x38;
	[tilespmem:$0x1F880] =	vst v63  }
0xa5: {  	s23 =	sadd.s32 @!p1 $0x6, s26  }
0xa6: {  	s24 =	sand.u32 @!p1 $0xFF, s23  }
0xa7: {  	s22 =	sadd.s32 @!p2 $0x14880, s22;
	s7 =	sadd.s32 @!p2 s6, s7;
	s24 =	smul.u32 @!p1 $0x29, s24  }
0xa8: {  	[tilespmem:s22], [sflag:s8] =	stream.linear.gather @!p2 [hbm4b:s7+s31], $0x7D0, $0x38;
	[tilespmem:$0x1F880] =	vst v63  }
0xa9: {  	s7 =	sshrl.u32 @!p1 s24, $0xA  }
0xaa: {  	s8 =	sadd.s32 $0xA00, s18;
	s22 =	smul.u32 @!p1 $0x19, s7  }
0xab: {  	[hbm4b:s8+s4] =	stream.linear.scatter [tilespmem:s30], [sflag:$0xB], $0x2800, $0x38;
	[tilespmem:$0x1F880] =	vst v63  }
0xac: {  	s8 =	ssub.s32 @!p1 s23, s22  }
0xad: {  	s8 =	sand.u32 @!p1 $0xFF, s8  }
0xae: {  	s26 =	simm.s32 $0xB;
	p2 =	sne.s32 @!p1 s8, $0x0  }
0xaf: {  	_ =	swait.ge [sflag:s26], $0x2800;
	s23 =	smul.u32 $0x19, s17;
	p2 =	por p2, p1  }
0xb0: {  	s31 =	simm.s32 $0x4;
	[sflag:s26] =	ssyncset.done $0x0;
	s22 =	sand.u32 @!p2 $0x1, s7  }
0xb1: {  	[sflag:s26] =	ssyncadd.s32 $0xFFFFD800;
	s23 =	ssub.s32 s20, s23;
	s22 =	sadd.s32 @!p2 $0xD, s22  }
0xb2: {  	s26 =	sand.u32 $0xFF, s23;
	s7 =	sand.u32 @!p1 $0x1, s7;
	_ =	swait.ge @!p2 [sflag:s22], $0x7D0  }
0xb3: {  	p3 =	seq.s32 @!p1 s7, $0x1;
	s7 =	smul.u32 @!p1 $0x140, s8;
	[sflag:s22] =	ssyncset.done @!p2 $0x0  }
0xb4: {  	s8 =	simm.s32 @!p1 $0x7D0;
	p3 =	por !p3, p1;
	[sflag:s22] =	ssyncadd.s32 @!p2 $0xFFFFF830  }
0xb5: {  	s8 =	simm.s32 @p3 $0x0;
	s7 =	sshrl.u32 @!p1 s7, $0x2;
	_ =	swait.ge @!p2 [sflag:s22], $0x7D0  }
0xb6: {  	s7 =	sadd.s32 @!p1 s7, s8;
	s8 =	smul.u32 $0x140, s26;
	[sflag:s22] =	ssyncset.done @!p2 $0x0  }
0xb7: {  	s7 =	sadd.s32 @!p1 $0x13880, s7;
	[sflag:s22] =	ssyncadd.s32 @!p2 $0xFFFFF830;
	s22 =	simm.s32 @!p1 $0x1A880  }
0xb8: {  	[tilespmem:s22], [sflag:$0x3] =	stream.indirect.gather @!p1 [hbm4b:s1+s2], $0x80, s7, s2, $0xb8;
	[tilespmem:$0x1F880] =	vst v63  }
0xb9: {  	s22 =	sshrl.u32 s8, $0x2;
	_ =	swait.ge [sflag:s31], $0x2800  }
0xba: {  	s11 =	simm.s32 $0x1D080;
	s2 =	sadd.s32 s22, s16;
	[sflag:s31] =	ssyncset.done $0x0  }
0xbb: {  	p1 =	sgt.u32 s20, $0x4A;
	s2 =	sadd.s32 $0x14880, s2;
	[sflag:s31] =	ssyncadd.s32 $0xFFFFD800  }
0xbc: {  	[tilespmem:s11], [sflag:$0x8] =	stream.indirect.gather.add.f32 [spmem:s3], $0x80, s2, s28, $0xb8;
	[tilespmem:$0x1F880] =	vst v63  }
0xbd: {  	s2 =	sand.u32 @!p1 $0xFF, s23  }
0xbe: {  	p2 =	sne.s32 @!p1 s2, $0x18  }
0xbf: {  	p1 =	por p2, p1  }
0xc0: {  	s23 =	simm.s32 $0x8;
	s2 =	smul.u32 @!p1 $0x7D0, s17  }
0xc1: {  	_ =	swait.ge [sflag:s23], $0x2800;
	s7 =	sand.u32 @!p1 $0x1, s17  }
0xc2: {  	[sflag:s23] =	ssyncset.done $0x0;
	s8 =	smul.u32 @!p1 $0x7D0, s7;
	s2 =	sadd.s32 @!p1 s2, s15  }
0xc3: {  	[sflag:s23] =	ssyncadd.s32 $0xFFFFD800;
	s22 =	simm.s32 @!p1 $0x0;
	s2 =	sshrl.u32 @!p1 s2, $0x3  }
0xc4: {  	s7 =	sadd.s32 @!p1 $0xD, s7;
	s16 =	sadd.s32 @!p1 $0x13880, s8;
	s17 =	sadd.s32 @!p1 s5, s2  }
0xc5: {  	[tilespmem:s16], [sflag:s7] =	stream.linear.gather @!p1 [hbm4b:s17+s22], $0x7D0, $0x38;
	[tilespmem:$0x1F880] =	vst v63  }
0xc6: {  	s8 =	sadd.s32 @!p1 $0x14880, s8;
	s2 =	sadd.s32 @!p1 s6, s2  }
0xc7: {  	[tilespmem:s8], [sflag:s7] =	stream.linear.gather @!p1 [hbm4b:s2+s22], $0x7D0, $0x38;
	[tilespmem:$0x1F880] =	vst v63  }
0xc8: {  	s26 =	smul.u32 $0x50, s20;
	p1 =	sne.s32 s21, $0x7C  }
.Ltmp0:
0xc9: {  	s19 =	sadd.s32 $0x1, s19;
	s18 =	sadd.s32 $0x1400, s18;
	(pc) =	sbr.rel @p1 .LBB2_2-.Ltmp0, $4  }
0xca: {  	s24 =	simm.s32 $0x2;
	s31 =	sadd.s32 s10, s26;
	s26 =	smov.u32 s21  }
0xcb: {  	s11 =	simm.s32 $0x1D080;
	s16 =	smov.u32 s9;
	s2 =	sshll.u32 s31, $0x4  }
0xcc: {  	s22 =	simm.s32 $0x1;
	s7 =	smov.u32 s10;
	s2 =	sadd.s32 s9, s2  }
0xcd: {  	[hbm4b:s2+s4] =	stream.linear.scatter [tilespmem:s11], [sflag:$0xC], $0x2800, $0x38;
	[tilespmem:$0x1F880] =	vst v63  }
0xce: {  	s2 =	simm.s32 $0xC  }
0xcf: {  	_ =	swait.ge [sflag:s2], $0x2800  }
0xd0: {  	[sflag:s2] =	ssyncset.done $0x0  }
0xd1: {  	[sflag:s2] =	ssyncadd.s32 $0xFFFFD800  }
0xd2: {  	_ =	swait.ge [sflag:s22], $0x2800  }
0xd3: {  	[sflag:s22] =	ssyncset.done $0x0  }
0xd4: {  	s8 =	simm.s32 $0x15880;
	s21 =	simm.s32 $0x15000;
	[sflag:s22] =	ssyncadd.s32 $0xFFFFD800  }
0xd5: {  	[tilespmem:s8], [sflag:$0x5] =	stream.indirect.gather.add.f32 [spmem:s3], $0x80, s21, s28, $0xb8;
	[tilespmem:$0x1F880] =	vst v63  }
0xd6: {  	_ =	swait.ge [sflag:s0], $0x2800  }
0xd7: {  	[sflag:s0] =	ssyncset.done $0x0  }
0xd8: {  	s23 =	rddreg [dreg:$0xc];
	[sflag:s0] =	ssyncadd.s32 $0xFFFFD800  }
0xd9: {  	[hbm4b:s23+s4] =	stream.linear.scatter [tilespmem:s8], [sflag:$0x9], $0x2800, $0x38;
	[tilespmem:$0x1F880] =	vst v63  }
0xda: {  	_ =	swait.ge [sflag:s25], $0x2800  }
0xdb: {  	s26 =	rddreg [dreg:$0x11]  }
0xdc: {  	s31 =	rddreg [dreg:$0xd];
	s8 =	sadd.s32 $0x1, s26  }
0xdd: {  	p1 =	sne.s32 s8, s31  }
.Ltmp1:
0xde: {  	_ = 	snop;
	(pc) =	sbr.rel @p1 .LBB2_1-.Ltmp1, $3  }
0xdf: {  	_ =	sdelay $0x1  }
0xe0: {  	s18 =	simm.s32 $0x15880;
	[sflag:s25] =	ssyncset.done $0x0  }
0xe1: {  	s10 =	simm.s32 $0x18080;
	s17 =	simm.s32 $0x1A880;
	[sflag:s25] =	ssyncadd.s32 $0xFFFFD800  }
0xe2: {  	_ =	sfence.sel $0x180000  }
0xe3: {  	[bflag:$0x0] =	sbarrier.arrive $0xFFFF  }
0xe4: {  	_ =	strace $0x90000047  }
0xe5: {  	[bflag:$0x2] =	sbarrier.arrive $0xFFFF  }
0xe6: {  	s0 =	rddreg [dreg:$0x4]  }
0xe7: {  	s0 =	sadd.s32 @!p0 $0x100000, s0  }
0xe8: {  	[sflag:s0] =	ssyncadd.tile.s32 @!p0 $0x1;
	_ =	shalt  }
.Lfunc_end2:
_tile_overlayer_lowered:
.L_overlay_start_2:
0xe9: {  	(tag) =	ssettag $0x2  }
0xea: {  	s0 =	rddreg [dreg:$0x0];
	s2 =	stileid.u32  }
0xeb: {  	s1 =	rddreg [dreg:$0x1];
	p0 =	sne.s32 s2, $0x0  }
0xec: {  	s3 =	rddreg [dreg:$0x2];
	[bflag:$0x3] =	sbarrier.arrive $0xFFFF;
	s2 =	simm.s32 @!p0 $0x1C0F  }
0xed: {  	[timem:s3], [sflag:s2] =	dma.local @!p0 [hbm:s0], s1  }
0xee: {  	s0 =	simm.s32 @!p0 $0xF  }
0xef: {  	_ =	swait.ge @!p0 [sflag:s0], s1  }
0xf0: {  	s1 =	ssub.s32 @!p0 $0x0, s1;
	[sflag:s0] =	ssyncset.done @!p0 $0x0  }
0xf1: {  	[sflag:s0] =	ssyncadd.s32 @!p0 s1  }
0xf2: {  	[bflag:$0x3] =	sbarrier.arrive $0xFFFF  }
0xf3: {  	_ =	shalt  }

</sc_bundles>
